<compile_context>
chip_gen: v7x
topology: tpu7x:2x2x1
jax: 0.10.2.dev20260603
libtpu: 0.0.44.dev20260713+nightly
codegen_flags: <defaults>
</compile_context>

<pallas_src>
import functools

import jax
import jax.numpy as jnp
from jax import lax
from jax.experimental import pallas as pl
from jax.experimental.pallas import tpu as pltpu
from jax.experimental.pallas import tpu_sc as plsc

_B = 4
_S = 2048
_D = 768
_N = _B * _S
_L = 16
_NC = 2
_NS = 16
_NW = _NC * _NS
_SBLK = _S // _NW
_C = 32
_KPB = _SBLK // _C
_NCH = _B * _KPB
_CVECS = _D // _L


def _make_sc_embed():
    mesh = plsc.VectorSubcoreMesh(core_axis_name="c", subcore_axis_name="s")

    @functools.partial(
        pl.kernel,
        mesh=mesh,
        out_type=jax.ShapeDtypeStruct((_N, _D), jnp.float32),
        scratch_types=[
            pltpu.VMEM((_B, _SBLK), jnp.int32),
            pltpu.VMEM((_B, _SBLK), jnp.int32),
            pltpu.VMEM((_C, _D), jnp.float32),
            pltpu.VMEM((_C, _D), jnp.float32),
            pltpu.VMEM((_SBLK, _D), jnp.float32),
            pltpu.VMEM((2, _D), jnp.float32),
            pltpu.SemaphoreType.DMA,
            pltpu.SemaphoreType.DMA,
            pltpu.SemaphoreType.DMA,
            pltpu.SemaphoreType.DMA,
            pltpu.SemaphoreType.DMA,
            pltpu.SemaphoreType.DMA,
            pltpu.SemaphoreType.DMA,
        ],
    )
    def sc_embed(ids_hbm, sids_hbm, tok_hbm, seg_hbm, pos_hbm, out_hbm,
                 idx_v, sidx_v, tok0, tok1, pos_v, seg_v,
                 st0, st1, si, ss, sgp, so0, so1):
        wid = lax.axis_index("s") * _NC + lax.axis_index("c")
        blk = wid * _SBLK

        toks = (tok0, tok1)
        sts = (st0, st1)
        sos = (so0, so1)

        id_cps = [
            pltpu.make_async_copy(
                ids_hbm.at[b, pl.ds(blk, _SBLK)], idx_v.at[b], si)
            for b in range(_B)
        ]
        sid_cps = [
            pltpu.make_async_copy(
                sids_hbm.at[b, pl.ds(blk, _SBLK)], sidx_v.at[b], ss)
            for b in range(_B)
        ]
        seg_cp = pltpu.make_async_copy(seg_hbm, seg_v, sgp)
        pos_cp = pltpu.make_async_copy(
            pos_hbm.at[pl.ds(blk, _SBLK)], pos_v, sgp)
        for cp in id_cps + sid_cps + [seg_cp, pos_cp]:
            cp.start()
        for cp in id_cps:
            cp.wait()

        def gather(bi, k, b):
            return pltpu.make_async_copy(
                tok_hbm.at[idx_v.at[bi, pl.ds(k * _C, _C)]], toks[b], sts[b])

        def out_copy(bi, k, b):
            row0 = bi * _S + blk + k * _C
            return pltpu.make_async_copy(
                toks[b], out_hbm.at[pl.ds(row0, _C)], sos[b])

        gather(0, 0, 0).start()
        for cp in sid_cps:
            cp.wait()
        seg_cp.wait()
        pos_cp.wait()

        def batch_body(bi, carry):
            for k in range(_KPB):
                j = bi * _KPB + k
                nb = 1 - k
                gather(bi, k, k).wait()

                @pl.when(j >= 1)
                def _wait_prev_out():
                    out_copy(bi + k - 1, 1 - k, nb).wait()

                @pl.when(j + 1 < _NCH)
                def _issue_next():
                    gather(bi + k, 1 - k, nb).start()

                tok_b = toks[k]
                p0 = k * _C

                for g in range(_C // _L):
                    r0 = g * _L
                    svec = sidx_v[bi, pl.ds(p0 + r0, _L)].astype(
                        jnp.float32)
                    sidf = [
                        jnp.broadcast_to(svec[r], (_L,)) for r in range(_L)
                    ]

                    def col_body(cb, carry2, tok_b=tok_b, p0=p0, r0=r0,
                                 sidf=sidf):
                        sl = pl.ds(cb * _L, _L)
                        s0v = seg_v[0, sl]
                        dsv = seg_v[1, sl] - s0v
                        for r in range(_L):
                            rr = r0 + r
                            tok_b[rr, sl] = (tok_b[rr, sl]
                                             + pos_v[p0 + rr, sl]
                                             + (s0v + sidf[r] * dsv))
                        return carry2

                    lax.fori_loop(0, _CVECS, col_body, None)
                out_copy(bi, k, k).start()
            return carry

        lax.fori_loop(0, _B, batch_body, None)
        out_copy(_B - 1, _KPB - 1, (_NCH - 1) % 2).wait()

    return sc_embed


_sc_embed = _make_sc_embed()


@jax.jit
def kernel(input_ids, segment_ids, token_table, segment_table,
           position_table):
    out = _sc_embed(input_ids.astype(jnp.int32),
                    segment_ids.astype(jnp.int32),
                    token_table, segment_table, position_table)
    return out.reshape(_B, _S, _D)

# --- scband reference (transcript-rebuilt; emitter-appended) ---
"""Pipeline reference for scband-bert-embeddings-23983097381595 (READ-ONLY COPY).

The authoritative reference and input builder live on the scoring server;
editing this copy changes nothing except your own understanding.
"""

import jax, jax.numpy as jnp
import numpy as np

VOCAB = 100000
D_MODEL = 768
MAX_SEQ = 2048
BATCH = 4
SEQ = 2048

def setup_inputs(seed: int = 0) -> dict:
    key = jax.random.key(seed)
    k1, k2, k3, k4, k5 = jax.random.split(key, 5)
    input_ids = jax.random.randint(k1, (BATCH, SEQ), 0, VOCAB, dtype=jnp.int64 if jax.config.jax_enable_x64 else jnp.int32)
    segment_ids = jax.random.randint(k2, (BATCH, SEQ), 0, 2, dtype=input_ids.dtype)
    token_table = jax.random.normal(k3, (VOCAB, D_MODEL), dtype=jnp.float32) * 0.02
    segment_table = jax.random.normal(k4, (2, D_MODEL), dtype=jnp.float32) * 0.02
    position_table = jax.random.normal(k5, (MAX_SEQ, D_MODEL), dtype=jnp.float32) * 0.02
    return {
        "input_ids": input_ids,
        "segment_ids": segment_ids,
        "token_table": token_table,
        "segment_table": segment_table,
        "position_table": position_table,
    }

def reference(input_ids, segment_ids, token_table, segment_table, position_table):
    # pos_ids = arange(seq_len) broadcast over batch
    pos_ids = jnp.arange(input_ids.shape[1])[None, :]
    tok = jnp.take(token_table, input_ids, axis=0)
    seg = jnp.take(segment_table, segment_ids, axis=0)
    pos = jnp.take(position_table, pos_ids, axis=0)
    embeddings = tok + seg + pos
    # dropout is identity at inference (eval mode)
    return embeddings

if __name__ == "__main__":
    import jax
    _d = setup_inputs()
    print(jax.jit(kernel)(*tuple(_d.values())))

</pallas_src>

<mosaic_0001>
#map = affine_map<(d0, d1) -> (0, 0)>
module attributes {stable_mosaic.version = 14 : i64} {
  func.func @sc_embed(%arg0: i32, %arg1: i32, %arg2: memref<4x2048xi32, #tpu.memory_space<hbm>>, %arg3: memref<4x2048xi32, #tpu.memory_space<hbm>>, %arg4: memref<100000x768xf32, #tpu.memory_space<hbm>>, %arg5: memref<2x768xf32, #tpu.memory_space<hbm>>, %arg6: memref<2048x768xf32, #tpu.memory_space<hbm>>, %arg7: memref<8192x768xf32, #tpu.memory_space<hbm>>, %arg8: memref<4x64xi32, #tpu.memory_space<vmem>>, %arg9: memref<4x64xi32, #tpu.memory_space<vmem>>, %arg10: memref<32x768xf32, #tpu.memory_space<vmem>>, %arg11: memref<32x768xf32, #tpu.memory_space<vmem>>, %arg12: memref<64x768xf32, #tpu.memory_space<vmem>>, %arg13: memref<2x768xf32, #tpu.memory_space<vmem>>, %arg14: memref<!tpu.dma_semaphore, #tpu.memory_space<semaphore_mem>>, %arg15: memref<!tpu.dma_semaphore, #tpu.memory_space<semaphore_mem>>, %arg16: memref<!tpu.dma_semaphore, #tpu.memory_space<semaphore_mem>>, %arg17: memref<!tpu.dma_semaphore, #tpu.memory_space<semaphore_mem>>, %arg18: memref<!tpu.dma_semaphore, #tpu.memory_space<semaphore_mem>>, %arg19: memref<!tpu.dma_semaphore, #tpu.memory_space<semaphore_mem>>, %arg20: memref<!tpu.dma_semaphore, #tpu.memory_space<semaphore_mem>>) attributes {dimension_semantics = [#tpu.dimension_semantics<core_parallel>, #tpu.dimension_semantics<subcore_parallel>], iteration_bounds = array<i64: 2, 16>, scalar_prefetch = 0 : i64, scratch_operands = 13 : i64, tpu.core_type = #tpu.core_type<sc_vector_subcore>, window_params = [{transform_indices = #map}, {transform_indices = #map}, {transform_indices = #map}, {transform_indices = #map}, {transform_indices = #map}, {transform_indices = #map}]} {
    %mul3A = arith.constant 2 : i32
    %mul3A_0 = arith.muli %arg1, %mul3A : i32
    %add3A = arith.addi %mul3A_0, %arg0 : i32
    %mul3A_1 = arith.constant 64 : i32
    %mul3A_2 = arith.muli %add3A, %mul3A_1 : i32
    %dma_start3A = arith.constant 0 : i32
    %dma_start3A_3 = arith.constant 0 : i32
    %dma_start3A_4 = arith.constant 0 : i32
    %dma_start3A_5 = tpu.memref_slice %arg8[%dma_start3A_3, %dma_start3A_4] : memref<4x64xi32, #tpu.memory_space<vmem>> -> memref<1x64xi32, #tpu.memory_space<vmem>>
    %dma_start3A_6 = tpu.memref_squeeze %dma_start3A_5 : memref<1x64xi32, #tpu.memory_space<vmem>> -> memref<64xi32, #tpu.memory_space<vmem>>
    %dma_start3A_7 = tpu.memref_slice %arg2[%dma_start3A, %mul3A_2] : memref<4x2048xi32, #tpu.memory_space<hbm>> -> memref<1x64xi32, #tpu.memory_space<hbm>>
    %dma_start3A_8 = tpu.memref_squeeze %dma_start3A_7 : memref<1x64xi32, #tpu.memory_space<hbm>> -> memref<64xi32, #tpu.memory_space<hbm>>
    %dma_start3A_9 = arith.constant 0 : i32
    %dma_start3A_10 = tpu.memref_slice %arg8[%dma_start3A_3, %dma_start3A_9] : memref<4x64xi32, #tpu.memory_space<vmem>> -> memref<1x64xi32, #tpu.memory_space<vmem>>
    %dma_start3A_11 = tpu.memref_squeeze %dma_start3A_10 : memref<1x64xi32, #tpu.memory_space<vmem>> -> memref<64xi32, #tpu.memory_space<vmem>>
    %dma_start3A_12 = tpu.memref_slice %arg2[%dma_start3A, %mul3A_2] : memref<4x2048xi32, #tpu.memory_space<hbm>> -> memref<1x64xi32, #tpu.memory_space<hbm>>
    %dma_start3A_13 = tpu.memref_squeeze %dma_start3A_12 : memref<1x64xi32, #tpu.memory_space<hbm>> -> memref<64xi32, #tpu.memory_space<hbm>>
    tpu.enqueue_dma source(%dma_start3A_13 : memref<64xi32, #tpu.memory_space<hbm>>) target(%dma_start3A_11 : memref<64xi32, #tpu.memory_space<vmem>>) target_semaphore(%arg16 : memref<!tpu.dma_semaphore, #tpu.memory_space<semaphore_mem>>)
    %dma_start3A_14 = arith.constant 1 : i32
    %dma_start3A_15 = arith.constant 1 : i32
    %dma_start3A_16 = arith.constant 0 : i32
    %dma_start3A_17 = tpu.memref_slice %arg8[%dma_start3A_15, %dma_start3A_16] : memref<4x64xi32, #tpu.memory_space<vmem>> -> memref<1x64xi32, #tpu.memory_space<vmem>>
    %dma_start3A_18 = tpu.memref_squeeze %dma_start3A_17 : memref<1x64xi32, #tpu.memory_space<vmem>> -> memref<64xi32, #tpu.memory_space<vmem>>
    %dma_start3A_19 = tpu.memref_slice %arg2[%dma_start3A_14, %mul3A_2] : memref<4x2048xi32, #tpu.memory_space<hbm>> -> memref<1x64xi32, #tpu.memory_space<hbm>>
    %dma_start3A_20 = tpu.memref_squeeze %dma_start3A_19 : memref<1x64xi32, #tpu.memory_space<hbm>> -> memref<64xi32, #tpu.memory_space<hbm>>
    %dma_start3A_21 = arith.constant 0 : i32
    %dma_start3A_22 = tpu.memref_slice %arg8[%dma_start3A_15, %dma_start3A_21] : memref<4x64xi32, #tpu.memory_space<vmem>> -> memref<1x64xi32, #tpu.memory_space<vmem>>
    %dma_start3A_23 = tpu.memref_squeeze %dma_start3A_22 : memref<1x64xi32, #tpu.memory_space<vmem>> -> memref<64xi32, #tpu.memory_space<vmem>>
    %dma_start3A_24 = tpu.memref_slice %arg2[%dma_start3A_14, %mul3A_2] : memref<4x2048xi32, #tpu.memory_space<hbm>> -> memref<1x64xi32, #tpu.memory_space<hbm>>
    %dma_start3A_25 = tpu.memref_squeeze %dma_start3A_24 : memref<1x64xi32, #tpu.memory_space<hbm>> -> memref<64xi32, #tpu.memory_space<hbm>>
    tpu.enqueue_dma source(%dma_start3A_25 : memref<64xi32, #tpu.memory_space<hbm>>) target(%dma_start3A_23 : memref<64xi32, #tpu.memory_space<vmem>>) target_semaphore(%arg16 : memref<!tpu.dma_semaphore, #tpu.memory_space<semaphore_mem>>)
    %dma_start3A_26 = arith.constant 2 : i32
    %dma_start3A_27 = arith.constant 2 : i32
    %dma_start3A_28 = arith.constant 0 : i32
    %dma_start3A_29 = tpu.memref_slice %arg8[%dma_start3A_27, %dma_start3A_28] : memref<4x64xi32, #tpu.memory_space<vmem>> -> memref<1x64xi32, #tpu.memory_space<vmem>>
    %dma_start3A_30 = tpu.memref_squeeze %dma_start3A_29 : memref<1x64xi32, #tpu.memory_space<vmem>> -> memref<64xi32, #tpu.memory_space<vmem>>
    %dma_start3A_31 = tpu.memref_slice %arg2[%dma_start3A_26, %mul3A_2] : memref<4x2048xi32, #tpu.memory_space<hbm>> -> memref<1x64xi32, #tpu.memory_space<hbm>>
    %dma_start3A_32 = tpu.memref_squeeze %dma_start3A_31 : memref<1x64xi32, #tpu.memory_space<hbm>> -> memref<64xi32, #tpu.memory_space<hbm>>
    %dma_start3A_33 = arith.constant 0 : i32
    %dma_start3A_34 = tpu.memref_slice %arg8[%dma_start3A_27, %dma_start3A_33] : memref<4x64xi32, #tpu.memory_space<vmem>> -> memref<1x64xi32, #tpu.memory_space<vmem>>
    %dma_start3A_35 = tpu.memref_squeeze %dma_start3A_34 : memref<1x64xi32, #tpu.memory_space<vmem>> -> memref<64xi32, #tpu.memory_space<vmem>>
    %dma_start3A_36 = tpu.memref_slice %arg2[%dma_start3A_26, %mul3A_2] : memref<4x2048xi32, #tpu.memory_space<hbm>> -> memref<1x64xi32, #tpu.memory_space<hbm>>
    %dma_start3A_37 = tpu.memref_squeeze %dma_start3A_36 : memref<1x64xi32, #tpu.memory_space<hbm>> -> memref<64xi32, #tpu.memory_space<hbm>>
    tpu.enqueue_dma source(%dma_start3A_37 : memref<64xi32, #tpu.memory_space<hbm>>) target(%dma_start3A_35 : memref<64xi32, #tpu.memory_space<vmem>>) target_semaphore(%arg16 : memref<!tpu.dma_semaphore, #tpu.memory_space<semaphore_mem>>)
    %dma_start3A_38 = arith.constant 3 : i32
    %dma_start3A_39 = arith.constant 3 : i32
    %dma_start3A_40 = arith.constant 0 : i32
    %dma_start3A_41 = tpu.memref_slice %arg8[%dma_start3A_39, %dma_start3A_40] : memref<4x64xi32, #tpu.memory_space<vmem>> -> memref<1x64xi32, #tpu.memory_space<vmem>>
    %dma_start3A_42 = tpu.memref_squeeze %dma_start3A_41 : memref<1x64xi32, #tpu.memory_space<vmem>> -> memref<64xi32, #tpu.memory_space<vmem>>
    %dma_start3A_43 = tpu.memref_slice %arg2[%dma_start3A_38, %mul3A_2] : memref<4x2048xi32, #tpu.memory_space<hbm>> -> memref<1x64xi32, #tpu.memory_space<hbm>>
    %dma_start3A_44 = tpu.memref_squeeze %dma_start3A_43 : memref<1x64xi32, #tpu.memory_space<hbm>> -> memref<64xi32, #tpu.memory_space<hbm>>
    %dma_start3A_45 = arith.constant 0 : i32
    %dma_start3A_46 = tpu.memref_slice %arg8[%dma_start3A_39, %dma_start3A_45] : memref<4x64xi32, #tpu.memory_space<vmem>> -> memref<1x64xi32, #tpu.memory_space<vmem>>
    %dma_start3A_47 = tpu.memref_squeeze %dma_start3A_46 : memref<1x64xi32, #tpu.memory_space<vmem>> -> memref<64xi32, #tpu.memory_space<vmem>>
    %dma_start3A_48 = tpu.memref_slice %arg2[%dma_start3A_38, %mul3A_2] : memref<4x2048xi32, #tpu.memory_space<hbm>> -> memref<1x64xi32, #tpu.memory_space<hbm>>
    %dma_start3A_49 = tpu.memref_squeeze %dma_start3A_48 : memref<1x64xi32, #tpu.memory_space<hbm>> -> memref<64xi32, #tpu.memory_space<hbm>>
    tpu.enqueue_dma source(%dma_start3A_49 : memref<64xi32, #tpu.memory_space<hbm>>) target(%dma_start3A_47 : memref<64xi32, #tpu.memory_space<vmem>>) target_semaphore(%arg16 : memref<!tpu.dma_semaphore, #tpu.memory_space<semaphore_mem>>)
    %dma_start3A_50 = arith.constant 0 : i32
    %dma_start3A_51 = arith.constant 0 : i32
    %dma_start3A_52 = arith.constant 0 : i32
    %dma_start3A_53 = tpu.memref_slice %arg9[%dma_start3A_51, %dma_start3A_52] : memref<4x64xi32, #tpu.memory_space<vmem>> -> memref<1x64xi32, #tpu.memory_space<vmem>>
    %dma_start3A_54 = tpu.memref_squeeze %dma_start3A_53 : memref<1x64xi32, #tpu.memory_space<vmem>> -> memref<64xi32, #tpu.memory_space<vmem>>
    %dma_start3A_55 = tpu.memref_slice %arg3[%dma_start3A_50, %mul3A_2] : memref<4x2048xi32, #tpu.memory_space<hbm>> -> memref<1x64xi32, #tpu.memory_space<hbm>>
    %dma_start3A_56 = tpu.memref_squeeze %dma_start3A_55 : memref<1x64xi32, #tpu.memory_space<hbm>> -> memref<64xi32, #tpu.memory_space<hbm>>
    %dma_start3A_57 = arith.constant 0 : i32
    %dma_start3A_58 = tpu.memref_slice %arg9[%dma_start3A_51, %dma_start3A_57] : memref<4x64xi32, #tpu.memory_space<vmem>> -> memref<1x64xi32, #tpu.memory_space<vmem>>
    %dma_start3A_59 = tpu.memref_squeeze %dma_start3A_58 : memref<1x64xi32, #tpu.memory_space<vmem>> -> memref<64xi32, #tpu.memory_space<vmem>>
    %dma_start3A_60 = tpu.memref_slice %arg3[%dma_start3A_50, %mul3A_2] : memref<4x2048xi32, #tpu.memory_space<hbm>> -> memref<1x64xi32, #tpu.memory_space<hbm>>
    %dma_start3A_61 = tpu.memref_squeeze %dma_start3A_60 : memref<1x64xi32, #tpu.memory_space<hbm>> -> memref<64xi32, #tpu.memory_space<hbm>>
    tpu.enqueue_dma source(%dma_start3A_61 : memref<64xi32, #tpu.memory_space<hbm>>) target(%dma_start3A_59 : memref<64xi32, #tpu.memory_space<vmem>>) target_semaphore(%arg17 : memref<!tpu.dma_semaphore, #tpu.memory_space<semaphore_mem>>)
    %dma_start3A_62 = arith.constant 1 : i32
    %dma_start3A_63 = arith.constant 1 : i32
    %dma_start3A_64 = arith.constant 0 : i32
    %dma_start3A_65 = tpu.memref_slice %arg9[%dma_start3A_63, %dma_start3A_64] : memref<4x64xi32, #tpu.memory_space<vmem>> -> memref<1x64xi32, #tpu.memory_space<vmem>>
    %dma_start3A_66 = tpu.memref_squeeze %dma_start3A_65 : memref<1x64xi32, #tpu.memory_space<vmem>> -> memref<64xi32, #tpu.memory_space<vmem>>
    %dma_start3A_67 = tpu.memref_slice %arg3[%dma_start3A_62, %mul3A_2] : memref<4x2048xi32, #tpu.memory_space<hbm>> -> memref<1x64xi32, #tpu.memory_space<hbm>>
    %dma_start3A_68 = tpu.memref_squeeze %dma_start3A_67 : memref<1x64xi32, #tpu.memory_space<hbm>> -> memref<64xi32, #tpu.memory_space<hbm>>
    %dma_start3A_69 = arith.constant 0 : i32
    %dma_start3A_70 = tpu.memref_slice %arg9[%dma_start3A_63, %dma_start3A_69] : memref<4x64xi32, #tpu.memory_space<vmem>> -> memref<1x64xi32, #tpu.memory_space<vmem>>
    %dma_start3A_71 = tpu.memref_squeeze %dma_start3A_70 : memref<1x64xi32, #tpu.memory_space<vmem>> -> memref<64xi32, #tpu.memory_space<vmem>>
    %dma_start3A_72 = tpu.memref_slice %arg3[%dma_start3A_62, %mul3A_2] : memref<4x2048xi32, #tpu.memory_space<hbm>> -> memref<1x64xi32, #tpu.memory_space<hbm>>
    %dma_start3A_73 = tpu.memref_squeeze %dma_start3A_72 : memref<1x64xi32, #tpu.memory_space<hbm>> -> memref<64xi32, #tpu.memory_space<hbm>>
    tpu.enqueue_dma source(%dma_start3A_73 : memref<64xi32, #tpu.memory_space<hbm>>) target(%dma_start3A_71 : memref<64xi32, #tpu.memory_space<vmem>>) target_semaphore(%arg17 : memref<!tpu.dma_semaphore, #tpu.memory_space<semaphore_mem>>)
    %dma_start3A_74 = arith.constant 2 : i32
    %dma_start3A_75 = arith.constant 2 : i32
    %dma_start3A_76 = arith.constant 0 : i32
    %dma_start3A_77 = tpu.memref_slice %arg9[%dma_start3A_75, %dma_start3A_76] : memref<4x64xi32, #tpu.memory_space<vmem>> -> memref<1x64xi32, #tpu.memory_space<vmem>>
    %dma_start3A_78 = tpu.memref_squeeze %dma_start3A_77 : memref<1x64xi32, #tpu.memory_space<vmem>> -> memref<64xi32, #tpu.memory_space<vmem>>
    %dma_start3A_79 = tpu.memref_slice %arg3[%dma_start3A_74, %mul3A_2] : memref<4x2048xi32, #tpu.memory_space<hbm>> -> memref<1x64xi32, #tpu.memory_space<hbm>>
    %dma_start3A_80 = tpu.memref_squeeze %dma_start3A_79 : memref<1x64xi32, #tpu.memory_space<hbm>> -> memref<64xi32, #tpu.memory_space<hbm>>
    %dma_start3A_81 = arith.constant 0 : i32
    %dma_start3A_82 = tpu.memref_slice %arg9[%dma_start3A_75, %dma_start3A_81] : memref<4x64xi32, #tpu.memory_space<vmem>> -> memref<1x64xi32, #tpu.memory_space<vmem>>
    %dma_start3A_83 = tpu.memref_squeeze %dma_start3A_82 : memref<1x64xi32, #tpu.memory_space<vmem>> -> memref<64xi32, #tpu.memory_space<vmem>>
    %dma_start3A_84 = tpu.memref_slice %arg3[%dma_start3A_74, %mul3A_2] : memref<4x2048xi32, #tpu.memory_space<hbm>> -> memref<1x64xi32, #tpu.memory_space<hbm>>
    %dma_start3A_85 = tpu.memref_squeeze %dma_start3A_84 : memref<1x64xi32, #tpu.memory_space<hbm>> -> memref<64xi32, #tpu.memory_space<hbm>>
    tpu.enqueue_dma source(%dma_start3A_85 : memref<64xi32, #tpu.memory_space<hbm>>) target(%dma_start3A_83 : memref<64xi32, #tpu.memory_space<vmem>>) target_semaphore(%arg17 : memref<!tpu.dma_semaphore, #tpu.memory_space<semaphore_mem>>)
    %dma_start3A_86 = arith.constant 3 : i32
    %dma_start3A_87 = arith.constant 3 : i32
    %dma_start3A_88 = arith.constant 0 : i32
    %dma_start3A_89 = tpu.memref_slice %arg9[%dma_start3A_87, %dma_start3A_88] : memref<4x64xi32, #tpu.memory_space<vmem>> -> memref<1x64xi32, #tpu.memory_space<vmem>>
    %dma_start3A_90 = tpu.memref_squeeze %dma_start3A_89 : memref<1x64xi32, #tpu.memory_space<vmem>> -> memref<64xi32, #tpu.memory_space<vmem>>
    %dma_start3A_91 = tpu.memref_slice %arg3[%dma_start3A_86, %mul3A_2] : memref<4x2048xi32, #tpu.memory_space<hbm>> -> memref<1x64xi32, #tpu.memory_space<hbm>>
    %dma_start3A_92 = tpu.memref_squeeze %dma_start3A_91 : memref<1x64xi32, #tpu.memory_space<hbm>> -> memref<64xi32, #tpu.memory_space<hbm>>
    %dma_start3A_93 = arith.constant 0 : i32
    %dma_start3A_94 = tpu.memref_slice %arg9[%dma_start3A_87, %dma_start3A_93] : memref<4x64xi32, #tpu.memory_space<vmem>> -> memref<1x64xi32, #tpu.memory_space<vmem>>
    %dma_start3A_95 = tpu.memref_squeeze %dma_start3A_94 : memref<1x64xi32, #tpu.memory_space<vmem>> -> memref<64xi32, #tpu.memory_space<vmem>>
    %dma_start3A_96 = tpu.memref_slice %arg3[%dma_start3A_86, %mul3A_2] : memref<4x2048xi32, #tpu.memory_space<hbm>> -> memref<1x64xi32, #tpu.memory_space<hbm>>
    %dma_start3A_97 = tpu.memref_squeeze %dma_start3A_96 : memref<1x64xi32, #tpu.memory_space<hbm>> -> memref<64xi32, #tpu.memory_space<hbm>>
    tpu.enqueue_dma source(%dma_start3A_97 : memref<64xi32, #tpu.memory_space<hbm>>) target(%dma_start3A_95 : memref<64xi32, #tpu.memory_space<vmem>>) target_semaphore(%arg17 : memref<!tpu.dma_semaphore, #tpu.memory_space<semaphore_mem>>)
    tpu.enqueue_dma source(%arg5 : memref<2x768xf32, #tpu.memory_space<hbm>>) target(%arg13 : memref<2x768xf32, #tpu.memory_space<vmem>>) target_semaphore(%arg18 : memref<!tpu.dma_semaphore, #tpu.memory_space<semaphore_mem>>)
    %dma_start3A_98 = arith.constant 0 : i32
    %dma_start3A_99 = tpu.memref_slice %arg6[%mul3A_2, %dma_start3A_98] : memref<2048x768xf32, #tpu.memory_space<hbm>> -> memref<64x768xf32, #tpu.memory_space<hbm>>
    %dma_start3A_100 = arith.constant 0 : i32
    %dma_start3A_101 = tpu.memref_slice %arg6[%mul3A_2, %dma_start3A_100] : memref<2048x768xf32, #tpu.memory_space<hbm>> -> memref<64x768xf32, #tpu.memory_space<hbm>>
    tpu.enqueue_dma source(%dma_start3A_101 : memref<64x768xf32, #tpu.memory_space<hbm>>) target(%arg12 : memref<64x768xf32, #tpu.memory_space<vmem>>) target_semaphore(%arg18 : memref<!tpu.dma_semaphore, #tpu.memory_space<semaphore_mem>>)
    %dma_wait3A = arith.constant 0 : i32
    %dma_wait3A_102 = arith.constant 0 : i32
    %dma_wait3A_103 = arith.constant 0 : i32
    %dma_wait3A_104 = tpu.memref_slice %arg8[%dma_wait3A_102, %dma_wait3A_103] : memref<4x64xi32, #tpu.memory_space<vmem>> -> memref<1x64xi32, #tpu.memory_space<vmem>>
    %dma_wait3A_105 = tpu.memref_squeeze %dma_wait3A_104 : memref<1x64xi32, #tpu.memory_space<vmem>> -> memref<64xi32, #tpu.memory_space<vmem>>
    %dma_wait3A_106 = tpu.memref_slice %arg2[%dma_wait3A, %mul3A_2] : memref<4x2048xi32, #tpu.memory_space<hbm>> -> memref<1x64xi32, #tpu.memory_space<hbm>>
    %dma_wait3A_107 = tpu.memref_squeeze %dma_wait3A_106 : memref<1x64xi32, #tpu.memory_space<hbm>> -> memref<64xi32, #tpu.memory_space<hbm>>
    %dma_wait3A_108 = arith.constant 0 : i32
    %dma_wait3A_109 = tpu.memref_slice %arg8[%dma_wait3A_102, %dma_wait3A_108] : memref<4x64xi32, #tpu.memory_space<vmem>> -> memref<1x64xi32, #tpu.memory_space<vmem>>
    %dma_wait3A_110 = tpu.memref_squeeze %dma_wait3A_109 : memref<1x64xi32, #tpu.memory_space<vmem>> -> memref<64xi32, #tpu.memory_space<vmem>>
    %dma_wait3A_111 = tpu.memref_slice %arg2[%dma_wait3A, %mul3A_2] : memref<4x2048xi32, #tpu.memory_space<hbm>> -> memref<1x64xi32, #tpu.memory_space<hbm>>
    %dma_wait3A_112 = tpu.memref_squeeze %dma_wait3A_111 : memref<1x64xi32, #tpu.memory_space<hbm>> -> memref<64xi32, #tpu.memory_space<hbm>>
    tpu.wait_dma2 semaphore(%arg16 : memref<!tpu.dma_semaphore, #tpu.memory_space<semaphore_mem>>) src(%dma_wait3A_112 : memref<64xi32, #tpu.memory_space<hbm>>) dst(%dma_wait3A_110 : memref<64xi32, #tpu.memory_space<vmem>>)
    %dma_wait3A_113 = arith.constant 1 : i32
    %dma_wait3A_114 = arith.constant 1 : i32
    %dma_wait3A_115 = arith.constant 0 : i32
    %dma_wait3A_116 = tpu.memref_slice %arg8[%dma_wait3A_114, %dma_wait3A_115] : memref<4x64xi32, #tpu.memory_space<vmem>> -> memref<1x64xi32, #tpu.memory_space<vmem>>
    %dma_wait3A_117 = tpu.memref_squeeze %dma_wait3A_116 : memref<1x64xi32, #tpu.memory_space<vmem>> -> memref<64xi32, #tpu.memory_space<vmem>>
    %dma_wait3A_118 = tpu.memref_slice %arg2[%dma_wait3A_113, %mul3A_2] : memref<4x2048xi32, #tpu.memory_space<hbm>> -> memref<1x64xi32, #tpu.memory_space<hbm>>
    %dma_wait3A_119 = tpu.memref_squeeze %dma_wait3A_118 : memref<1x64xi32, #tpu.memory_space<hbm>> -> memref<64xi32, #tpu.memory_space<hbm>>
    %dma_wait3A_120 = arith.constant 0 : i32
    %dma_wait3A_121 = tpu.memref_slice %arg8[%dma_wait3A_114, %dma_wait3A_120] : memref<4x64xi32, #tpu.memory_space<vmem>> -> memref<1x64xi32, #tpu.memory_space<vmem>>
    %dma_wait3A_122 = tpu.memref_squeeze %dma_wait3A_121 : memref<1x64xi32, #tpu.memory_space<vmem>> -> memref<64xi32, #tpu.memory_space<vmem>>
    %dma_wait3A_123 = tpu.memref_slice %arg2[%dma_wait3A_113, %mul3A_2] : memref<4x2048xi32, #tpu.memory_space<hbm>> -> memref<1x64xi32, #tpu.memory_space<hbm>>
    %dma_wait3A_124 = tpu.memref_squeeze %dma_wait3A_123 : memref<1x64xi32, #tpu.memory_space<hbm>> -> memref<64xi32, #tpu.memory_space<hbm>>
    tpu.wait_dma2 semaphore(%arg16 : memref<!tpu.dma_semaphore, #tpu.memory_space<semaphore_mem>>) src(%dma_wait3A_124 : memref<64xi32, #tpu.memory_space<hbm>>) dst(%dma_wait3A_122 : memref<64xi32, #tpu.memory_space<vmem>>)
    %dma_wait3A_125 = arith.constant 2 : i32
    %dma_wait3A_126 = arith.constant 2 : i32
    %dma_wait3A_127 = arith.constant 0 : i32
    %dma_wait3A_128 = tpu.memref_slice %arg8[%dma_wait3A_126, %dma_wait3A_127] : memref<4x64xi32, #tpu.memory_space<vmem>> -> memref<1x64xi32, #tpu.memory_space<vmem>>
    %dma_wait3A_129 = tpu.memref_squeeze %dma_wait3A_128 : memref<1x64xi32, #tpu.memory_space<vmem>> -> memref<64xi32, #tpu.memory_space<vmem>>
    %dma_wait3A_130 = tpu.memref_slice %arg2[%dma_wait3A_125, %mul3A_2] : memref<4x2048xi32, #tpu.memory_space<hbm>> -> memref<1x64xi32, #tpu.memory_space<hbm>>
    %dma_wait3A_131 = tpu.memref_squeeze %dma_wait3A_130 : memref<1x64xi32, #tpu.memory_space<hbm>> -> memref<64xi32, #tpu.memory_space<hbm>>
    %dma_wait3A_132 = arith.constant 0 : i32
    %dma_wait3A_133 = tpu.memref_slice %arg8[%dma_wait3A_126, %dma_wait3A_132] : memref<4x64xi32, #tpu.memory_space<vmem>> -> memref<1x64xi32, #tpu.memory_space<vmem>>
    %dma_wait3A_134 = tpu.memref_squeeze %dma_wait3A_133 : memref<1x64xi32, #tpu.memory_space<vmem>> -> memref<64xi32, #tpu.memory_space<vmem>>
    %dma_wait3A_135 = tpu.memref_slice %arg2[%dma_wait3A_125, %mul3A_2] : memref<4x2048xi32, #tpu.memory_space<hbm>> -> memref<1x64xi32, #tpu.memory_space<hbm>>
    %dma_wait3A_136 = tpu.memref_squeeze %dma_wait3A_135 : memref<1x64xi32, #tpu.memory_space<hbm>> -> memref<64xi32, #tpu.memory_space<hbm>>
    tpu.wait_dma2 semaphore(%arg16 : memref<!tpu.dma_semaphore, #tpu.memory_space<semaphore_mem>>) src(%dma_wait3A_136 : memref<64xi32, #tpu.memory_space<hbm>>) dst(%dma_wait3A_134 : memref<64xi32, #tpu.memory_space<vmem>>)
    %dma_wait3A_137 = arith.constant 3 : i32
    %dma_wait3A_138 = arith.constant 3 : i32
    %dma_wait3A_139 = arith.constant 0 : i32
    %dma_wait3A_140 = tpu.memref_slice %arg8[%dma_wait3A_138, %dma_wait3A_139] : memref<4x64xi32, #tpu.memory_space<vmem>> -> memref<1x64xi32, #tpu.memory_space<vmem>>
    %dma_wait3A_141 = tpu.memref_squeeze %dma_wait3A_140 : memref<1x64xi32, #tpu.memory_space<vmem>> -> memref<64xi32, #tpu.memory_space<vmem>>
    %dma_wait3A_142 = tpu.memref_slice %arg2[%dma_wait3A_137, %mul3A_2] : memref<4x2048xi32, #tpu.memory_space<hbm>> -> memref<1x64xi32, #tpu.memory_space<hbm>>
    %dma_wait3A_143 = tpu.memref_squeeze %dma_wait3A_142 : memref<1x64xi32, #tpu.memory_space<hbm>> -> memref<64xi32, #tpu.memory_space<hbm>>
    %dma_wait3A_144 = arith.constant 0 : i32
    %dma_wait3A_145 = tpu.memref_slice %arg8[%dma_wait3A_138, %dma_wait3A_144] : memref<4x64xi32, #tpu.memory_space<vmem>> -> memref<1x64xi32, #tpu.memory_space<vmem>>
    %dma_wait3A_146 = tpu.memref_squeeze %dma_wait3A_145 : memref<1x64xi32, #tpu.memory_space<vmem>> -> memref<64xi32, #tpu.memory_space<vmem>>
    %dma_wait3A_147 = tpu.memref_slice %arg2[%dma_wait3A_137, %mul3A_2] : memref<4x2048xi32, #tpu.memory_space<hbm>> -> memref<1x64xi32, #tpu.memory_space<hbm>>
    %dma_wait3A_148 = tpu.memref_squeeze %dma_wait3A_147 : memref<1x64xi32, #tpu.memory_space<hbm>> -> memref<64xi32, #tpu.memory_space<hbm>>
    tpu.wait_dma2 semaphore(%arg16 : memref<!tpu.dma_semaphore, #tpu.memory_space<semaphore_mem>>) src(%dma_wait3A_148 : memref<64xi32, #tpu.memory_space<hbm>>) dst(%dma_wait3A_146 : memref<64xi32, #tpu.memory_space<vmem>>)
    %dma_start3A_149 = arith.constant 0 : i32
    %dma_start3A_150 = arith.constant 0 : i32
    %dma_start3A_151 = tpu.memref_slice %arg8[%dma_start3A_149, %dma_start3A_150] : memref<4x64xi32, #tpu.memory_space<vmem>> -> memref<1x32xi32, #tpu.memory_space<vmem>>
    %dma_start3A_152 = tpu.memref_squeeze %dma_start3A_151 : memref<1x32xi32, #tpu.memory_space<vmem>> -> memref<32xi32, #tpu.memory_space<vmem>>
    %dma_start3A_153 = arith.constant 0 : i32
    %dma_start3A_154 = arith.constant 0 : i32
    %dma_start3A_155 = tpu.memref_slice %arg4[%dma_start3A_153, %dma_start3A_154] : memref<100000x768xf32, #tpu.memory_space<hbm>> -> memref<100000x768xf32, #tpu.memory_space<hbm>>
    tpu.enqueue_indirect_dma source(%dma_start3A_155 : memref<100000x768xf32, #tpu.memory_space<hbm>>) target(%arg10 : memref<32x768xf32, #tpu.memory_space<vmem>>) offsets(%dma_start3A_152 : memref<32xi32, #tpu.memory_space<vmem>>) semaphore(%arg14 : memref<!tpu.dma_semaphore, #tpu.memory_space<semaphore_mem>>)
    %dma_wait3A_156 = arith.constant 0 : i32
    %dma_wait3A_157 = arith.constant 0 : i32
    %dma_wait3A_158 = arith.constant 0 : i32
    %dma_wait3A_159 = tpu.memref_slice %arg9[%dma_wait3A_157, %dma_wait3A_158] : memref<4x64xi32, #tpu.memory_space<vmem>> -> memref<1x64xi32, #tpu.memory_space<vmem>>
    %dma_wait3A_160 = tpu.memref_squeeze %dma_wait3A_159 : memref<1x64xi32, #tpu.memory_space<vmem>> -> memref<64xi32, #tpu.memory_space<vmem>>
    %dma_wait3A_161 = tpu.memref_slice %arg3[%dma_wait3A_156, %mul3A_2] : memref<4x2048xi32, #tpu.memory_space<hbm>> -> memref<1x64xi32, #tpu.memory_space<hbm>>
    %dma_wait3A_162 = tpu.memref_squeeze %dma_wait3A_161 : memref<1x64xi32, #tpu.memory_space<hbm>> -> memref<64xi32, #tpu.memory_space<hbm>>
    %dma_wait3A_163 = arith.constant 0 : i32
    %dma_wait3A_164 = tpu.memref_slice %arg9[%dma_wait3A_157, %dma_wait3A_163] : memref<4x64xi32, #tpu.memory_space<vmem>> -> memref<1x64xi32, #tpu.memory_space<vmem>>
    %dma_wait3A_165 = tpu.memref_squeeze %dma_wait3A_164 : memref<1x64xi32, #tpu.memory_space<vmem>> -> memref<64xi32, #tpu.memory_space<vmem>>
    %dma_wait3A_166 = tpu.memref_slice %arg3[%dma_wait3A_156, %mul3A_2] : memref<4x2048xi32, #tpu.memory_space<hbm>> -> memref<1x64xi32, #tpu.memory_space<hbm>>
    %dma_wait3A_167 = tpu.memref_squeeze %dma_wait3A_166 : memref<1x64xi32, #tpu.memory_space<hbm>> -> memref<64xi32, #tpu.memory_space<hbm>>
    tpu.wait_dma2 semaphore(%arg17 : memref<!tpu.dma_semaphore, #tpu.memory_space<semaphore_mem>>) src(%dma_wait3A_167 : memref<64xi32, #tpu.memory_space<hbm>>) dst(%dma_wait3A_165 : memref<64xi32, #tpu.memory_space<vmem>>)
    %dma_wait3A_168 = arith.constant 1 : i32
    %dma_wait3A_169 = arith.constant 1 : i32
    %dma_wait3A_170 = arith.constant 0 : i32
    %dma_wait3A_171 = tpu.memref_slice %arg9[%dma_wait3A_169, %dma_wait3A_170] : memref<4x64xi32, #tpu.memory_space<vmem>> -> memref<1x64xi32, #tpu.memory_space<vmem>>
    %dma_wait3A_172 = tpu.memref_squeeze %dma_wait3A_171 : memref<1x64xi32, #tpu.memory_space<vmem>> -> memref<64xi32, #tpu.memory_space<vmem>>
    %dma_wait3A_173 = tpu.memref_slice %arg3[%dma_wait3A_168, %mul3A_2] : memref<4x2048xi32, #tpu.memory_space<hbm>> -> memref<1x64xi32, #tpu.memory_space<hbm>>
    %dma_wait3A_174 = tpu.memref_squeeze %dma_wait3A_173 : memref<1x64xi32, #tpu.memory_space<hbm>> -> memref<64xi32, #tpu.memory_space<hbm>>
    %dma_wait3A_175 = arith.constant 0 : i32
    %dma_wait3A_176 = tpu.memref_slice %arg9[%dma_wait3A_169, %dma_wait3A_175] : memref<4x64xi32, #tpu.memory_space<vmem>> -> memref<1x64xi32, #tpu.memory_space<vmem>>
    %dma_wait3A_177 = tpu.memref_squeeze %dma_wait3A_176 : memref<1x64xi32, #tpu.memory_space<vmem>> -> memref<64xi32, #tpu.memory_space<vmem>>
    %dma_wait3A_178 = tpu.memref_slice %arg3[%dma_wait3A_168, %mul3A_2] : memref<4x2048xi32, #tpu.memory_space<hbm>> -> memref<1x64xi32, #tpu.memory_space<hbm>>
    %dma_wait3A_179 = tpu.memref_squeeze %dma_wait3A_178 : memref<1x64xi32, #tpu.memory_space<hbm>> -> memref<64xi32, #tpu.memory_space<hbm>>
    tpu.wait_dma2 semaphore(%arg17 : memref<!tpu.dma_semaphore, #tpu.memory_space<semaphore_mem>>) src(%dma_wait3A_179 : memref<64xi32, #tpu.memory_space<hbm>>) dst(%dma_wait3A_177 : memref<64xi32, #tpu.memory_space<vmem>>)
    %dma_wait3A_180 = arith.constant 2 : i32
    %dma_wait3A_181 = arith.constant 2 : i32
    %dma_wait3A_182 = arith.constant 0 : i32
    %dma_wait3A_183 = tpu.memref_slice %arg9[%dma_wait3A_181, %dma_wait3A_182] : memref<4x64xi32, #tpu.memory_space<vmem>> -> memref<1x64xi32, #tpu.memory_space<vmem>>
    %dma_wait3A_184 = tpu.memref_squeeze %dma_wait3A_183 : memref<1x64xi32, #tpu.memory_space<vmem>> -> memref<64xi32, #tpu.memory_space<vmem>>
    %dma_wait3A_185 = tpu.memref_slice %arg3[%dma_wait3A_180, %mul3A_2] : memref<4x2048xi32, #tpu.memory_space<hbm>> -> memref<1x64xi32, #tpu.memory_space<hbm>>
    %dma_wait3A_186 = tpu.memref_squeeze %dma_wait3A_185 : memref<1x64xi32, #tpu.memory_space<hbm>> -> memref<64xi32, #tpu.memory_space<hbm>>
    %dma_wait3A_187 = arith.constant 0 : i32
    %dma_wait3A_188 = tpu.memref_slice %arg9[%dma_wait3A_181, %dma_wait3A_187] : memref<4x64xi32, #tpu.memory_space<vmem>> -> memref<1x64xi32, #tpu.memory_space<vmem>>
    %dma_wait3A_189 = tpu.memref_squeeze %dma_wait3A_188 : memref<1x64xi32, #tpu.memory_space<vmem>> -> memref<64xi32, #tpu.memory_space<vmem>>
    %dma_wait3A_190 = tpu.memref_slice %arg3[%dma_wait3A_180, %mul3A_2] : memref<4x2048xi32, #tpu.memory_space<hbm>> -> memref<1x64xi32, #tpu.memory_space<hbm>>
    %dma_wait3A_191 = tpu.memref_squeeze %dma_wait3A_190 : memref<1x64xi32, #tpu.memory_space<hbm>> -> memref<64xi32, #tpu.memory_space<hbm>>
    tpu.wait_dma2 semaphore(%arg17 : memref<!tpu.dma_semaphore, #tpu.memory_space<semaphore_mem>>) src(%dma_wait3A_191 : memref<64xi32, #tpu.memory_space<hbm>>) dst(%dma_wait3A_189 : memref<64xi32, #tpu.memory_space<vmem>>)
    %dma_wait3A_192 = arith.constant 3 : i32
    %dma_wait3A_193 = arith.constant 3 : i32
    %dma_wait3A_194 = arith.constant 0 : i32
    %dma_wait3A_195 = tpu.memref_slice %arg9[%dma_wait3A_193, %dma_wait3A_194] : memref<4x64xi32, #tpu.memory_space<vmem>> -> memref<1x64xi32, #tpu.memory_space<vmem>>
    %dma_wait3A_196 = tpu.memref_squeeze %dma_wait3A_195 : memref<1x64xi32, #tpu.memory_space<vmem>> -> memref<64xi32, #tpu.memory_space<vmem>>
    %dma_wait3A_197 = tpu.memref_slice %arg3[%dma_wait3A_192, %mul3A_2] : memref<4x2048xi32, #tpu.memory_space<hbm>> -> memref<1x64xi32, #tpu.memory_space<hbm>>
    %dma_wait3A_198 = tpu.memref_squeeze %dma_wait3A_197 : memref<1x64xi32, #tpu.memory_space<hbm>> -> memref<64xi32, #tpu.memory_space<hbm>>
    %dma_wait3A_199 = arith.constant 0 : i32
    %dma_wait3A_200 = tpu.memref_slice %arg9[%dma_wait3A_193, %dma_wait3A_199] : memref<4x64xi32, #tpu.memory_space<vmem>> -> memref<1x64xi32, #tpu.memory_space<vmem>>
    %dma_wait3A_201 = tpu.memref_squeeze %dma_wait3A_200 : memref<1x64xi32, #tpu.memory_space<vmem>> -> memref<64xi32, #tpu.memory_space<vmem>>
    %dma_wait3A_202 = tpu.memref_slice %arg3[%dma_wait3A_192, %mul3A_2] : memref<4x2048xi32, #tpu.memory_space<hbm>> -> memref<1x64xi32, #tpu.memory_space<hbm>>
    %dma_wait3A_203 = tpu.memref_squeeze %dma_wait3A_202 : memref<1x64xi32, #tpu.memory_space<hbm>> -> memref<64xi32, #tpu.memory_space<hbm>>
    tpu.wait_dma2 semaphore(%arg17 : memref<!tpu.dma_semaphore, #tpu.memory_space<semaphore_mem>>) src(%dma_wait3A_203 : memref<64xi32, #tpu.memory_space<hbm>>) dst(%dma_wait3A_201 : memref<64xi32, #tpu.memory_space<vmem>>)
    tpu.wait_dma2 semaphore(%arg18 : memref<!tpu.dma_semaphore, #tpu.memory_space<semaphore_mem>>) src(%arg5 : memref<2x768xf32, #tpu.memory_space<hbm>>) dst(%arg13 : memref<2x768xf32, #tpu.memory_space<vmem>>)
    %dma_wait3A_204 = arith.constant 0 : i32
    %dma_wait3A_205 = tpu.memref_slice %arg6[%mul3A_2, %dma_wait3A_204] : memref<2048x768xf32, #tpu.memory_space<hbm>> -> memref<64x768xf32, #tpu.memory_space<hbm>>
    %dma_wait3A_206 = arith.constant 0 : i32
    %dma_wait3A_207 = tpu.memref_slice %arg6[%mul3A_2, %dma_wait3A_206] : memref<2048x768xf32, #tpu.memory_space<hbm>> -> memref<64x768xf32, #tpu.memory_space<hbm>>
    tpu.wait_dma2 semaphore(%arg18 : memref<!tpu.dma_semaphore, #tpu.memory_space<semaphore_mem>>) src(%dma_wait3A_207 : memref<64x768xf32, #tpu.memory_space<hbm>>) dst(%arg12 : memref<64x768xf32, #tpu.memory_space<vmem>>)
    %scan3A = arith.constant 0 : i32
    %scan3A_208 = arith.constant 4 : i32
    %scan3A_209 = arith.addi %scan3A, %scan3A_208 : i32
    %scan3A_210 = arith.constant 1 : i32
    scf.for %scan3A_220 = %scan3A to %scan3A_209 step %scan3A_210  : i32 {
      %mul3A_221 = arith.constant 2 : i32
      %mul3A_222 = arith.muli %scan3A_220, %mul3A_221 : i32
      %add3A_223 = arith.constant 0 : i32
      %add3A_224 = arith.addi %mul3A_222, %add3A_223 : i32
      %dma_wait3A_225 = arith.constant 0 : i32
      %dma_wait3A_226 = tpu.memref_slice %arg8[%scan3A_220, %dma_wait3A_225] : memref<4x64xi32, #tpu.memory_space<vmem>> -> memref<1x32xi32, #tpu.memory_space<vmem>>
      %dma_wait3A_227 = tpu.memref_squeeze %dma_wait3A_226 : memref<1x32xi32, #tpu.memory_space<vmem>> -> memref<32xi32, #tpu.memory_space<vmem>>
      %dma_wait3A_228 = arith.constant 0 : i32
      %dma_wait3A_229 = arith.constant 0 : i32
      %dma_wait3A_230 = tpu.memref_slice %arg4[%dma_wait3A_228, %dma_wait3A_229] : memref<100000x768xf32, #tpu.memory_space<hbm>> -> memref<100000x768xf32, #tpu.memory_space<hbm>>
      tpu.wait_indirect_dma semaphore(%arg14 : memref<!tpu.dma_semaphore, #tpu.memory_space<semaphore_mem>>) src(%dma_wait3A_230 : memref<100000x768xf32, #tpu.memory_space<hbm>>) dst(%arg10 : memref<32x768xf32, #tpu.memory_space<vmem>>)
      %ge3A = arith.constant 1 : i32
      %ge3A_231 = arith.cmpi sge, %add3A_224, %ge3A : i32
      %convert_element_type3A = arith.extui %ge3A_231 : i1 to i32
      %cond3A = arith.constant 0 : i32
      %cond3A_232 = arith.cmpi ne, %convert_element_type3A, %cond3A : i32
      scf.if %cond3A_232 {
        %add3A_507 = arith.constant 0 : i32
        %add3A_508 = arith.addi %scan3A_220, %add3A_507 : i32
        %sub3A = arith.constant 1 : i32
        %sub3A_509 = arith.subi %add3A_508, %sub3A : i32
        %mul3A_510 = arith.constant 2048 : i32
        %mul3A_511 = arith.muli %sub3A_509, %mul3A_510 : i32
        %add3A_512 = arith.addi %mul3A_511, %mul3A_2 : i32
        %add3A_513 = arith.constant 32 : i32
        %add3A_514 = arith.addi %add3A_512, %add3A_513 : i32
        %dma_wait3A_515 = arith.constant 0 : i32
        %dma_wait3A_516 = tpu.memref_slice %arg7[%add3A_514, %dma_wait3A_515] : memref<8192x768xf32, #tpu.memory_space<hbm>> -> memref<32x768xf32, #tpu.memory_space<hbm>>
        %dma_wait3A_517 = arith.constant 0 : i32
        %dma_wait3A_518 = tpu.memref_slice %arg7[%add3A_514, %dma_wait3A_517] : memref<8192x768xf32, #tpu.memory_space<hbm>> -> memref<32x768xf32, #tpu.memory_space<hbm>>
        tpu.wait_dma2 semaphore(%arg20 : memref<!tpu.dma_semaphore, #tpu.memory_space<semaphore_mem>>) src(%arg11 : memref<32x768xf32, #tpu.memory_space<vmem>>) dst(%dma_wait3A_518 : memref<32x768xf32, #tpu.memory_space<hbm>>)
      } else {
      }
      %add3A_233 = arith.constant 1 : i32
      %add3A_234 = arith.addi %add3A_224, %add3A_233 : i32
      %lt3A = arith.constant 8 : i32
      %lt3A_235 = arith.cmpi slt, %add3A_234, %lt3A : i32
      %convert_element_type3A_236 = arith.extui %lt3A_235 : i1 to i32
      %cond3A_237 = arith.constant 0 : i32
      %cond3A_238 = arith.cmpi ne, %convert_element_type3A_236, %cond3A_237 : i32
      scf.if %cond3A_238 {
        %add3A_507 = arith.constant 0 : i32
        %add3A_508 = arith.addi %scan3A_220, %add3A_507 : i32
        %dma_start3A_509 = arith.constant 32 : i32
        %dma_start3A_510 = tpu.memref_slice %arg8[%add3A_508, %dma_start3A_509] : memref<4x64xi32, #tpu.memory_space<vmem>> -> memref<1x32xi32, #tpu.memory_space<vmem>>
        %dma_start3A_511 = tpu.memref_squeeze %dma_start3A_510 : memref<1x32xi32, #tpu.memory_space<vmem>> -> memref<32xi32, #tpu.memory_space<vmem>>
        %dma_start3A_512 = arith.constant 0 : i32
        %dma_start3A_513 = arith.constant 0 : i32
        %dma_start3A_514 = tpu.memref_slice %arg4[%dma_start3A_512, %dma_start3A_513] : memref<100000x768xf32, #tpu.memory_space<hbm>> -> memref<100000x768xf32, #tpu.memory_space<hbm>>
        tpu.enqueue_indirect_dma source(%dma_start3A_514 : memref<100000x768xf32, #tpu.memory_space<hbm>>) target(%arg11 : memref<32x768xf32, #tpu.memory_space<vmem>>) offsets(%dma_start3A_511 : memref<32xi32, #tpu.memory_space<vmem>>) semaphore(%arg15 : memref<!tpu.dma_semaphore, #tpu.memory_space<semaphore_mem>>)
      } else {
      }
      %get3A = arith.index_cast %scan3A_220 : i32 to index
      %get3A_239 = arith.constant 0 : index
      %get3A_240 = tpu.vector_load %arg9[%get3A, %get3A_239] {strides = array<i32>} : memref<4x64xi32, #tpu.memory_space<vmem>>, vector<1x16xi32>,
      %get3A_241 = vector.shape_cast %get3A_240 : vector<1x16xi32> to vector<16xi32>
      %convert_element_type3A_242 = arith.sitofp %get3A_241 : vector<16xi32> to vector<16xf32>
      %slice3A = vector.extract_strided_slice %convert_element_type3A_242 {offsets = [0], sizes = [1], strides = [1]} : vector<16xf32> to vector<1xf32>
      %squeeze3A = vector.extract %slice3A[0] : f32 from vector<1xf32>
      %broadcast_in_dim3A = vector.broadcast %squeeze3A : f32 to vector<16xf32>
      %slice3A_243 = vector.extract_strided_slice %convert_element_type3A_242 {offsets = [1], sizes = [1], strides = [1]} : vector<16xf32> to vector<1xf32>
      %squeeze3A_244 = vector.extract %slice3A_243[0] : f32 from vector<1xf32>
      %broadcast_in_dim3A_245 = vector.broadcast %squeeze3A_244 : f32 to vector<16xf32>
      %slice3A_246 = vector.extract_strided_slice %convert_element_type3A_242 {offsets = [2], sizes = [1], strides = [1]} : vector<16xf32> to vector<1xf32>
      %squeeze3A_247 = vector.extract %slice3A_246[0] : f32 from vector<1xf32>
      %broadcast_in_dim3A_248 = vector.broadcast %squeeze3A_247 : f32 to vector<16xf32>
      %slice3A_249 = vector.extract_strided_slice %convert_element_type3A_242 {offsets = [3], sizes = [1], strides = [1]} : vector<16xf32> to vector<1xf32>
      %squeeze3A_250 = vector.extract %slice3A_249[0] : f32 from vector<1xf32>
      %broadcast_in_dim3A_251 = vector.broadcast %squeeze3A_250 : f32 to vector<16xf32>
      %slice3A_252 = vector.extract_strided_slice %convert_element_type3A_242 {offsets = [4], sizes = [1], strides = [1]} : vector<16xf32> to vector<1xf32>
      %squeeze3A_253 = vector.extract %slice3A_252[0] : f32 from vector<1xf32>
      %broadcast_in_dim3A_254 = vector.broadcast %squeeze3A_253 : f32 to vector<16xf32>
      %slice3A_255 = vector.extract_strided_slice %convert_element_type3A_242 {offsets = [5], sizes = [1], strides = [1]} : vector<16xf32> to vector<1xf32>
      %squeeze3A_256 = vector.extract %slice3A_255[0] : f32 from vector<1xf32>
      %broadcast_in_dim3A_257 = vector.broadcast %squeeze3A_256 : f32 to vector<16xf32>
      %slice3A_258 = vector.extract_strided_slice %convert_element_type3A_242 {offsets = [6], sizes = [1], strides = [1]} : vector<16xf32> to vector<1xf32>
      %squeeze3A_259 = vector.extract %slice3A_258[0] : f32 from vector<1xf32>
      %broadcast_in_dim3A_260 = vector.broadcast %squeeze3A_259 : f32 to vector<16xf32>
      %slice3A_261 = vector.extract_strided_slice %convert_element_type3A_242 {offsets = [7], sizes = [1], strides = [1]} : vector<16xf32> to vector<1xf32>
      %squeeze3A_262 = vector.extract %slice3A_261[0] : f32 from vector<1xf32>
      %broadcast_in_dim3A_263 = vector.broadcast %squeeze3A_262 : f32 to vector<16xf32>
      %slice3A_264 = vector.extract_strided_slice %convert_element_type3A_242 {offsets = [8], sizes = [1], strides = [1]} : vector<16xf32> to vector<1xf32>
      %squeeze3A_265 = vector.extract %slice3A_264[0] : f32 from vector<1xf32>
      %broadcast_in_dim3A_266 = vector.broadcast %squeeze3A_265 : f32 to vector<16xf32>
      %slice3A_267 = vector.extract_strided_slice %convert_element_type3A_242 {offsets = [9], sizes = [1], strides = [1]} : vector<16xf32> to vector<1xf32>
      %squeeze3A_268 = vector.extract %slice3A_267[0] : f32 from vector<1xf32>
      %broadcast_in_dim3A_269 = vector.broadcast %squeeze3A_268 : f32 to vector<16xf32>
      %slice3A_270 = vector.extract_strided_slice %convert_element_type3A_242 {offsets = [10], sizes = [1], strides = [1]} : vector<16xf32> to vector<1xf32>
      %squeeze3A_271 = vector.extract %slice3A_270[0] : f32 from vector<1xf32>
      %broadcast_in_dim3A_272 = vector.broadcast %squeeze3A_271 : f32 to vector<16xf32>
      %slice3A_273 = vector.extract_strided_slice %convert_element_type3A_242 {offsets = [11], sizes = [1], strides = [1]} : vector<16xf32> to vector<1xf32>
      %squeeze3A_274 = vector.extract %slice3A_273[0] : f32 from vector<1xf32>
      %broadcast_in_dim3A_275 = vector.broadcast %squeeze3A_274 : f32 to vector<16xf32>
      %slice3A_276 = vector.extract_strided_slice %convert_element_type3A_242 {offsets = [12], sizes = [1], strides = [1]} : vector<16xf32> to vector<1xf32>
      %squeeze3A_277 = vector.extract %slice3A_276[0] : f32 from vector<1xf32>
      %broadcast_in_dim3A_278 = vector.broadcast %squeeze3A_277 : f32 to vector<16xf32>
      %slice3A_279 = vector.extract_strided_slice %convert_element_type3A_242 {offsets = [13], sizes = [1], strides = [1]} : vector<16xf32> to vector<1xf32>
      %squeeze3A_280 = vector.extract %slice3A_279[0] : f32 from vector<1xf32>
      %broadcast_in_dim3A_281 = vector.broadcast %squeeze3A_280 : f32 to vector<16xf32>
      %slice3A_282 = vector.extract_strided_slice %convert_element_type3A_242 {offsets = [14], sizes = [1], strides = [1]} : vector<16xf32> to vector<1xf32>
      %squeeze3A_283 = vector.extract %slice3A_282[0] : f32 from vector<1xf32>
      %broadcast_in_dim3A_284 = vector.broadcast %squeeze3A_283 : f32 to vector<16xf32>
      %slice3A_285 = vector.extract_strided_slice %convert_element_type3A_242 {offsets = [15], sizes = [1], strides = [1]} : vector<16xf32> to vector<1xf32>
      %squeeze3A_286 = vector.extract %slice3A_285[0] : f32 from vector<1xf32>
      %broadcast_in_dim3A_287 = vector.broadcast %squeeze3A_286 : f32 to vector<16xf32>
      %scan3A_288 = arith.constant 0 : i32
      %scan3A_289 = arith.constant 48 : i32
      %scan3A_290 = arith.addi %scan3A_288, %scan3A_289 : i32
      %scan3A_291 = arith.constant 1 : i32
      scf.for %scan3A_507 = %scan3A_288 to %scan3A_290 step %scan3A_291  : i32 {
        %mul3A_508 = arith.constant 16 : i32
        %mul3A_509 = arith.muli %scan3A_507, %mul3A_508 : i32
        %get3A_510 = arith.constant 0 : i32
        %get3A_511 = arith.index_cast %get3A_510 : i32 to index
        %get3A_512 = arith.index_cast %mul3A_509 : i32 to index
        %get3A_513 = tpu.vector_load %arg13[%get3A_511, %get3A_512] {strides = array<i32>} : memref<2x768xf32, #tpu.memory_space<vmem>>, vector<1x16xf32>,
        %get3A_514 = vector.shape_cast %get3A_513 : vector<1x16xf32> to vector<16xf32>
        %get3A_515 = arith.constant 1 : i32
        %get3A_516 = arith.index_cast %get3A_515 : i32 to index
        %get3A_517 = arith.index_cast %mul3A_509 : i32 to index
        %get3A_518 = tpu.vector_load %arg13[%get3A_516, %get3A_517] {strides = array<i32>} : memref<2x768xf32, #tpu.memory_space<vmem>>, vector<1x16xf32>,
        %get3A_519 = vector.shape_cast %get3A_518 : vector<1x16xf32> to vector<16xf32>
        %sub3A = arith.subf %get3A_519, %get3A_514 : vector<16xf32>
        %get3A_520 = arith.constant 0 : i32
        %get3A_521 = arith.index_cast %get3A_520 : i32 to index
        %get3A_522 = arith.index_cast %mul3A_509 : i32 to index
        %get3A_523 = tpu.vector_load %arg10[%get3A_521, %get3A_522] {strides = array<i32>} : memref<32x768xf32, #tpu.memory_space<vmem>>, vector<1x16xf32>,
        %get3A_524 = vector.shape_cast %get3A_523 : vector<1x16xf32> to vector<16xf32>
        %get3A_525 = arith.constant 0 : i32
        %get3A_526 = arith.index_cast %get3A_525 : i32 to index
        %get3A_527 = arith.index_cast %mul3A_509 : i32 to index
        %get3A_528 = tpu.vector_load %arg12[%get3A_526, %get3A_527] {strides = array<i32>} : memref<64x768xf32, #tpu.memory_space<vmem>>, vector<1x16xf32>,
        %get3A_529 = vector.shape_cast %get3A_528 : vector<1x16xf32> to vector<16xf32>
        %add3A_530 = arith.addf %get3A_524, %get3A_529 : vector<16xf32>
        %mul3A_531 = arith.mulf %broadcast_in_dim3A, %sub3A : vector<16xf32>
        %add3A_532 = arith.addf %get3A_514, %mul3A_531 : vector<16xf32>
        %add3A_533 = arith.addf %add3A_530, %add3A_532 : vector<16xf32>
        %swap3A = arith.constant 0 : i32
        %swap3A_534 = arith.index_cast %swap3A : i32 to index
        %swap3A_535 = arith.index_cast %mul3A_509 : i32 to index
        %swap3A_536 = tpu.vector_load %arg10[%swap3A_534, %swap3A_535] {strides = array<i32>} : memref<32x768xf32, #tpu.memory_space<vmem>>, vector<1x16xf32>,
        %swap3A_537 = vector.shape_cast %swap3A_536 : vector<1x16xf32> to vector<16xf32>
        %swap3A_538 = vector.shape_cast %add3A_533 : vector<16xf32> to vector<1x16xf32>
        tpu.vector_store %arg10[%swap3A_534, %swap3A_535], %swap3A_538 {strides = array<i32>} : memref<32x768xf32, #tpu.memory_space<vmem>>, vector<1x16xf32>,
        %get3A_539 = arith.constant 1 : i32
        %get3A_540 = arith.index_cast %get3A_539 : i32 to index
        %get3A_541 = arith.index_cast %mul3A_509 : i32 to index
        %get3A_542 = tpu.vector_load %arg10[%get3A_540, %get3A_541] {strides = array<i32>} : memref<32x768xf32, #tpu.memory_space<vmem>>, vector<1x16xf32>,
        %get3A_543 = vector.shape_cast %get3A_542 : vector<1x16xf32> to vector<16xf32>
        %get3A_544 = arith.constant 1 : i32
        %get3A_545 = arith.index_cast %get3A_544 : i32 to index
        %get3A_546 = arith.index_cast %mul3A_509 : i32 to index
        %get3A_547 = tpu.vector_load %arg12[%get3A_545, %get3A_546] {strides = array<i32>} : memref<64x768xf32, #tpu.memory_space<vmem>>, vector<1x16xf32>,
        %get3A_548 = vector.shape_cast %get3A_547 : vector<1x16xf32> to vector<16xf32>
        %add3A_549 = arith.addf %get3A_543, %get3A_548 : vector<16xf32>
        %mul3A_550 = arith.mulf %broadcast_in_dim3A_245, %sub3A : vector<16xf32>
        %add3A_551 = arith.addf %get3A_514, %mul3A_550 : vector<16xf32>
        %add3A_552 = arith.addf %add3A_549, %add3A_551 : vector<16xf32>
        %swap3A_553 = arith.constant 1 : i32
        %swap3A_554 = arith.index_cast %swap3A_553 : i32 to index
        %swap3A_555 = arith.index_cast %mul3A_509 : i32 to index
        %swap3A_556 = tpu.vector_load %arg10[%swap3A_554, %swap3A_555] {strides = array<i32>} : memref<32x768xf32, #tpu.memory_space<vmem>>, vector<1x16xf32>,
        %swap3A_557 = vector.shape_cast %swap3A_556 : vector<1x16xf32> to vector<16xf32>
        %swap3A_558 = vector.shape_cast %add3A_552 : vector<16xf32> to vector<1x16xf32>
        tpu.vector_store %arg10[%swap3A_554, %swap3A_555], %swap3A_558 {strides = array<i32>} : memref<32x768xf32, #tpu.memory_space<vmem>>, vector<1x16xf32>,
        %get3A_559 = arith.constant 2 : i32
        %get3A_560 = arith.index_cast %get3A_559 : i32 to index
        %get3A_561 = arith.index_cast %mul3A_509 : i32 to index
        %get3A_562 = tpu.vector_load %arg10[%get3A_560, %get3A_561] {strides = array<i32>} : memref<32x768xf32, #tpu.memory_space<vmem>>, vector<1x16xf32>,
        %get3A_563 = vector.shape_cast %get3A_562 : vector<1x16xf32> to vector<16xf32>
        %get3A_564 = arith.constant 2 : i32
        %get3A_565 = arith.index_cast %get3A_564 : i32 to index
        %get3A_566 = arith.index_cast %mul3A_509 : i32 to index
        %get3A_567 = tpu.vector_load %arg12[%get3A_565, %get3A_566] {strides = array<i32>} : memref<64x768xf32, #tpu.memory_space<vmem>>, vector<1x16xf32>,
        %get3A_568 = vector.shape_cast %get3A_567 : vector<1x16xf32> to vector<16xf32>
        %add3A_569 = arith.addf %get3A_563, %get3A_568 : vector<16xf32>
        %mul3A_570 = arith.mulf %broadcast_in_dim3A_248, %sub3A : vector<16xf32>
        %add3A_571 = arith.addf %get3A_514, %mul3A_570 : vector<16xf32>
        %add3A_572 = arith.addf %add3A_569, %add3A_571 : vector<16xf32>
        %swap3A_573 = arith.constant 2 : i32
        %swap3A_574 = arith.index_cast %swap3A_573 : i32 to index
        %swap3A_575 = arith.index_cast %mul3A_509 : i32 to index
        %swap3A_576 = tpu.vector_load %arg10[%swap3A_574, %swap3A_575] {strides = array<i32>} : memref<32x768xf32, #tpu.memory_space<vmem>>, vector<1x16xf32>,
        %swap3A_577 = vector.shape_cast %swap3A_576 : vector<1x16xf32> to vector<16xf32>
        %swap3A_578 = vector.shape_cast %add3A_572 : vector<16xf32> to vector<1x16xf32>
        tpu.vector_store %arg10[%swap3A_574, %swap3A_575], %swap3A_578 {strides = array<i32>} : memref<32x768xf32, #tpu.memory_space<vmem>>, vector<1x16xf32>,
        %get3A_579 = arith.constant 3 : i32
        %get3A_580 = arith.index_cast %get3A_579 : i32 to index
        %get3A_581 = arith.index_cast %mul3A_509 : i32 to index
        %get3A_582 = tpu.vector_load %arg10[%get3A_580, %get3A_581] {strides = array<i32>} : memref<32x768xf32, #tpu.memory_space<vmem>>, vector<1x16xf32>,
        %get3A_583 = vector.shape_cast %get3A_582 : vector<1x16xf32> to vector<16xf32>
        %get3A_584 = arith.constant 3 : i32
        %get3A_585 = arith.index_cast %get3A_584 : i32 to index
        %get3A_586 = arith.index_cast %mul3A_509 : i32 to index
        %get3A_587 = tpu.vector_load %arg12[%get3A_585, %get3A_586] {strides = array<i32>} : memref<64x768xf32, #tpu.memory_space<vmem>>, vector<1x16xf32>,
        %get3A_588 = vector.shape_cast %get3A_587 : vector<1x16xf32> to vector<16xf32>
        %add3A_589 = arith.addf %get3A_583, %get3A_588 : vector<16xf32>
        %mul3A_590 = arith.mulf %broadcast_in_dim3A_251, %sub3A : vector<16xf32>
        %add3A_591 = arith.addf %get3A_514, %mul3A_590 : vector<16xf32>
        %add3A_592 = arith.addf %add3A_589, %add3A_591 : vector<16xf32>
        %swap3A_593 = arith.constant 3 : i32
        %swap3A_594 = arith.index_cast %swap3A_593 : i32 to index
        %swap3A_595 = arith.index_cast %mul3A_509 : i32 to index
        %swap3A_596 = tpu.vector_load %arg10[%swap3A_594, %swap3A_595] {strides = array<i32>} : memref<32x768xf32, #tpu.memory_space<vmem>>, vector<1x16xf32>,
        %swap3A_597 = vector.shape_cast %swap3A_596 : vector<1x16xf32> to vector<16xf32>
        %swap3A_598 = vector.shape_cast %add3A_592 : vector<16xf32> to vector<1x16xf32>
        tpu.vector_store %arg10[%swap3A_594, %swap3A_595], %swap3A_598 {strides = array<i32>} : memref<32x768xf32, #tpu.memory_space<vmem>>, vector<1x16xf32>,
        %get3A_599 = arith.constant 4 : i32
        %get3A_600 = arith.index_cast %get3A_599 : i32 to index
        %get3A_601 = arith.index_cast %mul3A_509 : i32 to index
        %get3A_602 = tpu.vector_load %arg10[%get3A_600, %get3A_601] {strides = array<i32>} : memref<32x768xf32, #tpu.memory_space<vmem>>, vector<1x16xf32>,
        %get3A_603 = vector.shape_cast %get3A_602 : vector<1x16xf32> to vector<16xf32>
        %get3A_604 = arith.constant 4 : i32
        %get3A_605 = arith.index_cast %get3A_604 : i32 to index
        %get3A_606 = arith.index_cast %mul3A_509 : i32 to index
        %get3A_607 = tpu.vector_load %arg12[%get3A_605, %get3A_606] {strides = array<i32>} : memref<64x768xf32, #tpu.memory_space<vmem>>, vector<1x16xf32>,
        %get3A_608 = vector.shape_cast %get3A_607 : vector<1x16xf32> to vector<16xf32>
        %add3A_609 = arith.addf %get3A_603, %get3A_608 : vector<16xf32>
        %mul3A_610 = arith.mulf %broadcast_in_dim3A_254, %sub3A : vector<16xf32>
        %add3A_611 = arith.addf %get3A_514, %mul3A_610 : vector<16xf32>
        %add3A_612 = arith.addf %add3A_609, %add3A_611 : vector<16xf32>
        %swap3A_613 = arith.constant 4 : i32
        %swap3A_614 = arith.index_cast %swap3A_613 : i32 to index
        %swap3A_615 = arith.index_cast %mul3A_509 : i32 to index
        %swap3A_616 = tpu.vector_load %arg10[%swap3A_614, %swap3A_615] {strides = array<i32>} : memref<32x768xf32, #tpu.memory_space<vmem>>, vector<1x16xf32>,
        %swap3A_617 = vector.shape_cast %swap3A_616 : vector<1x16xf32> to vector<16xf32>
        %swap3A_618 = vector.shape_cast %add3A_612 : vector<16xf32> to vector<1x16xf32>
        tpu.vector_store %arg10[%swap3A_614, %swap3A_615], %swap3A_618 {strides = array<i32>} : memref<32x768xf32, #tpu.memory_space<vmem>>, vector<1x16xf32>,
        %get3A_619 = arith.constant 5 : i32
        %get3A_620 = arith.index_cast %get3A_619 : i32 to index
        %get3A_621 = arith.index_cast %mul3A_509 : i32 to index
        %get3A_622 = tpu.vector_load %arg10[%get3A_620, %get3A_621] {strides = array<i32>} : memref<32x768xf32, #tpu.memory_space<vmem>>, vector<1x16xf32>,
        %get3A_623 = vector.shape_cast %get3A_622 : vector<1x16xf32> to vector<16xf32>
        %get3A_624 = arith.constant 5 : i32
        %get3A_625 = arith.index_cast %get3A_624 : i32 to index
        %get3A_626 = arith.index_cast %mul3A_509 : i32 to index
        %get3A_627 = tpu.vector_load %arg12[%get3A_625, %get3A_626] {strides = array<i32>} : memref<64x768xf32, #tpu.memory_space<vmem>>, vector<1x16xf32>,
        %get3A_628 = vector.shape_cast %get3A_627 : vector<1x16xf32> to vector<16xf32>
        %add3A_629 = arith.addf %get3A_623, %get3A_628 : vector<16xf32>
        %mul3A_630 = arith.mulf %broadcast_in_dim3A_257, %sub3A : vector<16xf32>
        %add3A_631 = arith.addf %get3A_514, %mul3A_630 : vector<16xf32>
        %add3A_632 = arith.addf %add3A_629, %add3A_631 : vector<16xf32>
        %swap3A_633 = arith.constant 5 : i32
        %swap3A_634 = arith.index_cast %swap3A_633 : i32 to index
        %swap3A_635 = arith.index_cast %mul3A_509 : i32 to index
        %swap3A_636 = tpu.vector_load %arg10[%swap3A_634, %swap3A_635] {strides = array<i32>} : memref<32x768xf32, #tpu.memory_space<vmem>>, vector<1x16xf32>,
        %swap3A_637 = vector.shape_cast %swap3A_636 : vector<1x16xf32> to vector<16xf32>
        %swap3A_638 = vector.shape_cast %add3A_632 : vector<16xf32> to vector<1x16xf32>
        tpu.vector_store %arg10[%swap3A_634, %swap3A_635], %swap3A_638 {strides = array<i32>} : memref<32x768xf32, #tpu.memory_space<vmem>>, vector<1x16xf32>,
        %get3A_639 = arith.constant 6 : i32
        %get3A_640 = arith.index_cast %get3A_639 : i32 to index
        %get3A_641 = arith.index_cast %mul3A_509 : i32 to index
        %get3A_642 = tpu.vector_load %arg10[%get3A_640, %get3A_641] {strides = array<i32>} : memref<32x768xf32, #tpu.memory_space<vmem>>, vector<1x16xf32>,
        %get3A_643 = vector.shape_cast %get3A_642 : vector<1x16xf32> to vector<16xf32>
        %get3A_644 = arith.constant 6 : i32
        %get3A_645 = arith.index_cast %get3A_644 : i32 to index
        %get3A_646 = arith.index_cast %mul3A_509 : i32 to index
        %get3A_647 = tpu.vector_load %arg12[%get3A_645, %get3A_646] {strides = array<i32>} : memref<64x768xf32, #tpu.memory_space<vmem>>, vector<1x16xf32>,
        %get3A_648 = vector.shape_cast %get3A_647 : vector<1x16xf32> to vector<16xf32>
        %add3A_649 = arith.addf %get3A_643, %get3A_648 : vector<16xf32>
        %mul3A_650 = arith.mulf %broadcast_in_dim3A_260, %sub3A : vector<16xf32>
        %add3A_651 = arith.addf %get3A_514, %mul3A_650 : vector<16xf32>
        %add3A_652 = arith.addf %add3A_649, %add3A_651 : vector<16xf32>
        %swap3A_653 = arith.constant 6 : i32
        %swap3A_654 = arith.index_cast %swap3A_653 : i32 to index
        %swap3A_655 = arith.index_cast %mul3A_509 : i32 to index
        %swap3A_656 = tpu.vector_load %arg10[%swap3A_654, %swap3A_655] {strides = array<i32>} : memref<32x768xf32, #tpu.memory_space<vmem>>, vector<1x16xf32>,
        %swap3A_657 = vector.shape_cast %swap3A_656 : vector<1x16xf32> to vector<16xf32>
        %swap3A_658 = vector.shape_cast %add3A_652 : vector<16xf32> to vector<1x16xf32>
        tpu.vector_store %arg10[%swap3A_654, %swap3A_655], %swap3A_658 {strides = array<i32>} : memref<32x768xf32, #tpu.memory_space<vmem>>, vector<1x16xf32>,
        %get3A_659 = arith.constant 7 : i32
        %get3A_660 = arith.index_cast %get3A_659 : i32 to index
        %get3A_661 = arith.index_cast %mul3A_509 : i32 to index
        %get3A_662 = tpu.vector_load %arg10[%get3A_660, %get3A_661] {strides = array<i32>} : memref<32x768xf32, #tpu.memory_space<vmem>>, vector<1x16xf32>,
        %get3A_663 = vector.shape_cast %get3A_662 : vector<1x16xf32> to vector<16xf32>
        %get3A_664 = arith.constant 7 : i32
        %get3A_665 = arith.index_cast %get3A_664 : i32 to index
        %get3A_666 = arith.index_cast %mul3A_509 : i32 to index
        %get3A_667 = tpu.vector_load %arg12[%get3A_665, %get3A_666] {strides = array<i32>} : memref<64x768xf32, #tpu.memory_space<vmem>>, vector<1x16xf32>,
        %get3A_668 = vector.shape_cast %get3A_667 : vector<1x16xf32> to vector<16xf32>
        %add3A_669 = arith.addf %get3A_663, %get3A_668 : vector<16xf32>
        %mul3A_670 = arith.mulf %broadcast_in_dim3A_263, %sub3A : vector<16xf32>
        %add3A_671 = arith.addf %get3A_514, %mul3A_670 : vector<16xf32>
        %add3A_672 = arith.addf %add3A_669, %add3A_671 : vector<16xf32>
        %swap3A_673 = arith.constant 7 : i32
        %swap3A_674 = arith.index_cast %swap3A_673 : i32 to index
        %swap3A_675 = arith.index_cast %mul3A_509 : i32 to index
        %swap3A_676 = tpu.vector_load %arg10[%swap3A_674, %swap3A_675] {strides = array<i32>} : memref<32x768xf32, #tpu.memory_space<vmem>>, vector<1x16xf32>,
        %swap3A_677 = vector.shape_cast %swap3A_676 : vector<1x16xf32> to vector<16xf32>
        %swap3A_678 = vector.shape_cast %add3A_672 : vector<16xf32> to vector<1x16xf32>
        tpu.vector_store %arg10[%swap3A_674, %swap3A_675], %swap3A_678 {strides = array<i32>} : memref<32x768xf32, #tpu.memory_space<vmem>>, vector<1x16xf32>,
        %get3A_679 = arith.constant 8 : i32
        %get3A_680 = arith.index_cast %get3A_679 : i32 to index
        %get3A_681 = arith.index_cast %mul3A_509 : i32 to index
        %get3A_682 = tpu.vector_load %arg10[%get3A_680, %get3A_681] {strides = array<i32>} : memref<32x768xf32, #tpu.memory_space<vmem>>, vector<1x16xf32>,
        %get3A_683 = vector.shape_cast %get3A_682 : vector<1x16xf32> to vector<16xf32>
        %get3A_684 = arith.constant 8 : i32
        %get3A_685 = arith.index_cast %get3A_684 : i32 to index
        %get3A_686 = arith.index_cast %mul3A_509 : i32 to index
        %get3A_687 = tpu.vector_load %arg12[%get3A_685, %get3A_686] {strides = array<i32>} : memref<64x768xf32, #tpu.memory_space<vmem>>, vector<1x16xf32>,
        %get3A_688 = vector.shape_cast %get3A_687 : vector<1x16xf32> to vector<16xf32>
        %add3A_689 = arith.addf %get3A_683, %get3A_688 : vector<16xf32>
        %mul3A_690 = arith.mulf %broadcast_in_dim3A_266, %sub3A : vector<16xf32>
        %add3A_691 = arith.addf %get3A_514, %mul3A_690 : vector<16xf32>
        %add3A_692 = arith.addf %add3A_689, %add3A_691 : vector<16xf32>
        %swap3A_693 = arith.constant 8 : i32
        %swap3A_694 = arith.index_cast %swap3A_693 : i32 to index
        %swap3A_695 = arith.index_cast %mul3A_509 : i32 to index
        %swap3A_696 = tpu.vector_load %arg10[%swap3A_694, %swap3A_695] {strides = array<i32>} : memref<32x768xf32, #tpu.memory_space<vmem>>, vector<1x16xf32>,
        %swap3A_697 = vector.shape_cast %swap3A_696 : vector<1x16xf32> to vector<16xf32>
        %swap3A_698 = vector.shape_cast %add3A_692 : vector<16xf32> to vector<1x16xf32>
        tpu.vector_store %arg10[%swap3A_694, %swap3A_695], %swap3A_698 {strides = array<i32>} : memref<32x768xf32, #tpu.memory_space<vmem>>, vector<1x16xf32>,
        %get3A_699 = arith.constant 9 : i32
        %get3A_700 = arith.index_cast %get3A_699 : i32 to index
        %get3A_701 = arith.index_cast %mul3A_509 : i32 to index
        %get3A_702 = tpu.vector_load %arg10[%get3A_700, %get3A_701] {strides = array<i32>} : memref<32x768xf32, #tpu.memory_space<vmem>>, vector<1x16xf32>,
        %get3A_703 = vector.shape_cast %get3A_702 : vector<1x16xf32> to vector<16xf32>
        %get3A_704 = arith.constant 9 : i32
        %get3A_705 = arith.index_cast %get3A_704 : i32 to index
        %get3A_706 = arith.index_cast %mul3A_509 : i32 to index
        %get3A_707 = tpu.vector_load %arg12[%get3A_705, %get3A_706] {strides = array<i32>} : memref<64x768xf32, #tpu.memory_space<vmem>>, vector<1x16xf32>,
        %get3A_708 = vector.shape_cast %get3A_707 : vector<1x16xf32> to vector<16xf32>
        %add3A_709 = arith.addf %get3A_703, %get3A_708 : vector<16xf32>
        %mul3A_710 = arith.mulf %broadcast_in_dim3A_269, %sub3A : vector<16xf32>
        %add3A_711 = arith.addf %get3A_514, %mul3A_710 : vector<16xf32>
        %add3A_712 = arith.addf %add3A_709, %add3A_711 : vector<16xf32>
        %swap3A_713 = arith.constant 9 : i32
        %swap3A_714 = arith.index_cast %swap3A_713 : i32 to index
        %swap3A_715 = arith.index_cast %mul3A_509 : i32 to index
        %swap3A_716 = tpu.vector_load %arg10[%swap3A_714, %swap3A_715] {strides = array<i32>} : memref<32x768xf32, #tpu.memory_space<vmem>>, vector<1x16xf32>,
        %swap3A_717 = vector.shape_cast %swap3A_716 : vector<1x16xf32> to vector<16xf32>
        %swap3A_718 = vector.shape_cast %add3A_712 : vector<16xf32> to vector<1x16xf32>
        tpu.vector_store %arg10[%swap3A_714, %swap3A_715], %swap3A_718 {strides = array<i32>} : memref<32x768xf32, #tpu.memory_space<vmem>>, vector<1x16xf32>,
        %get3A_719 = arith.constant 10 : i32
        %get3A_720 = arith.index_cast %get3A_719 : i32 to index
        %get3A_721 = arith.index_cast %mul3A_509 : i32 to index
        %get3A_722 = tpu.vector_load %arg10[%get3A_720, %get3A_721] {strides = array<i32>} : memref<32x768xf32, #tpu.memory_space<vmem>>, vector<1x16xf32>,
        %get3A_723 = vector.shape_cast %get3A_722 : vector<1x16xf32> to vector<16xf32>
        %get3A_724 = arith.constant 10 : i32
        %get3A_725 = arith.index_cast %get3A_724 : i32 to index
        %get3A_726 = arith.index_cast %mul3A_509 : i32 to index
        %get3A_727 = tpu.vector_load %arg12[%get3A_725, %get3A_726] {strides = array<i32>} : memref<64x768xf32, #tpu.memory_space<vmem>>, vector<1x16xf32>,
        %get3A_728 = vector.shape_cast %get3A_727 : vector<1x16xf32> to vector<16xf32>
        %add3A_729 = arith.addf %get3A_723, %get3A_728 : vector<16xf32>
        %mul3A_730 = arith.mulf %broadcast_in_dim3A_272, %sub3A : vector<16xf32>
        %add3A_731 = arith.addf %get3A_514, %mul3A_730 : vector<16xf32>
        %add3A_732 = arith.addf %add3A_729, %add3A_731 : vector<16xf32>
        %swap3A_733 = arith.constant 10 : i32
        %swap3A_734 = arith.index_cast %swap3A_733 : i32 to index
        %swap3A_735 = arith.index_cast %mul3A_509 : i32 to index
        %swap3A_736 = tpu.vector_load %arg10[%swap3A_734, %swap3A_735] {strides = array<i32>} : memref<32x768xf32, #tpu.memory_space<vmem>>, vector<1x16xf32>,
        %swap3A_737 = vector.shape_cast %swap3A_736 : vector<1x16xf32> to vector<16xf32>
        %swap3A_738 = vector.shape_cast %add3A_732 : vector<16xf32> to vector<1x16xf32>
        tpu.vector_store %arg10[%swap3A_734, %swap3A_735], %swap3A_738 {strides = array<i32>} : memref<32x768xf32, #tpu.memory_space<vmem>>, vector<1x16xf32>,
        %get3A_739 = arith.constant 11 : i32
        %get3A_740 = arith.index_cast %get3A_739 : i32 to index
        %get3A_741 = arith.index_cast %mul3A_509 : i32 to index
        %get3A_742 = tpu.vector_load %arg10[%get3A_740, %get3A_741] {strides = array<i32>} : memref<32x768xf32, #tpu.memory_space<vmem>>, vector<1x16xf32>,
        %get3A_743 = vector.shape_cast %get3A_742 : vector<1x16xf32> to vector<16xf32>
        %get3A_744 = arith.constant 11 : i32
        %get3A_745 = arith.index_cast %get3A_744 : i32 to index
        %get3A_746 = arith.index_cast %mul3A_509 : i32 to index
        %get3A_747 = tpu.vector_load %arg12[%get3A_745, %get3A_746] {strides = array<i32>} : memref<64x768xf32, #tpu.memory_space<vmem>>, vector<1x16xf32>,
        %get3A_748 = vector.shape_cast %get3A_747 : vector<1x16xf32> to vector<16xf32>
        %add3A_749 = arith.addf %get3A_743, %get3A_748 : vector<16xf32>
        %mul3A_750 = arith.mulf %broadcast_in_dim3A_275, %sub3A : vector<16xf32>
        %add3A_751 = arith.addf %get3A_514, %mul3A_750 : vector<16xf32>
        %add3A_752 = arith.addf %add3A_749, %add3A_751 : vector<16xf32>
        %swap3A_753 = arith.constant 11 : i32
        %swap3A_754 = arith.index_cast %swap3A_753 : i32 to index
        %swap3A_755 = arith.index_cast %mul3A_509 : i32 to index
        %swap3A_756 = tpu.vector_load %arg10[%swap3A_754, %swap3A_755] {strides = array<i32>} : memref<32x768xf32, #tpu.memory_space<vmem>>, vector<1x16xf32>,
        %swap3A_757 = vector.shape_cast %swap3A_756 : vector<1x16xf32> to vector<16xf32>
        %swap3A_758 = vector.shape_cast %add3A_752 : vector<16xf32> to vector<1x16xf32>
        tpu.vector_store %arg10[%swap3A_754, %swap3A_755], %swap3A_758 {strides = array<i32>} : memref<32x768xf32, #tpu.memory_space<vmem>>, vector<1x16xf32>,
        %get3A_759 = arith.constant 12 : i32
        %get3A_760 = arith.index_cast %get3A_759 : i32 to index
        %get3A_761 = arith.index_cast %mul3A_509 : i32 to index
        %get3A_762 = tpu.vector_load %arg10[%get3A_760, %get3A_761] {strides = array<i32>} : memref<32x768xf32, #tpu.memory_space<vmem>>, vector<1x16xf32>,
        %get3A_763 = vector.shape_cast %get3A_762 : vector<1x16xf32> to vector<16xf32>
        %get3A_764 = arith.constant 12 : i32
        %get3A_765 = arith.index_cast %get3A_764 : i32 to index
        %get3A_766 = arith.index_cast %mul3A_509 : i32 to index
        %get3A_767 = tpu.vector_load %arg12[%get3A_765, %get3A_766] {strides = array<i32>} : memref<64x768xf32, #tpu.memory_space<vmem>>, vector<1x16xf32>,
        %get3A_768 = vector.shape_cast %get3A_767 : vector<1x16xf32> to vector<16xf32>
        %add3A_769 = arith.addf %get3A_763, %get3A_768 : vector<16xf32>
        %mul3A_770 = arith.mulf %broadcast_in_dim3A_278, %sub3A : vector<16xf32>
        %add3A_771 = arith.addf %get3A_514, %mul3A_770 : vector<16xf32>
        %add3A_772 = arith.addf %add3A_769, %add3A_771 : vector<16xf32>
        %swap3A_773 = arith.constant 12 : i32
        %swap3A_774 = arith.index_cast %swap3A_773 : i32 to index
        %swap3A_775 = arith.index_cast %mul3A_509 : i32 to index
        %swap3A_776 = tpu.vector_load %arg10[%swap3A_774, %swap3A_775] {strides = array<i32>} : memref<32x768xf32, #tpu.memory_space<vmem>>, vector<1x16xf32>,
        %swap3A_777 = vector.shape_cast %swap3A_776 : vector<1x16xf32> to vector<16xf32>
        %swap3A_778 = vector.shape_cast %add3A_772 : vector<16xf32> to vector<1x16xf32>
        tpu.vector_store %arg10[%swap3A_774, %swap3A_775], %swap3A_778 {strides = array<i32>} : memref<32x768xf32, #tpu.memory_space<vmem>>, vector<1x16xf32>,
        %get3A_779 = arith.constant 13 : i32
        %get3A_780 = arith.index_cast %get3A_779 : i32 to index
        %get3A_781 = arith.index_cast %mul3A_509 : i32 to index
        %get3A_782 = tpu.vector_load %arg10[%get3A_780, %get3A_781] {strides = array<i32>} : memref<32x768xf32, #tpu.memory_space<vmem>>, vector<1x16xf32>,
        %get3A_783 = vector.shape_cast %get3A_782 : vector<1x16xf32> to vector<16xf32>
        %get3A_784 = arith.constant 13 : i32
        %get3A_785 = arith.index_cast %get3A_784 : i32 to index
        %get3A_786 = arith.index_cast %mul3A_509 : i32 to index
        %get3A_787 = tpu.vector_load %arg12[%get3A_785, %get3A_786] {strides = array<i32>} : memref<64x768xf32, #tpu.memory_space<vmem>>, vector<1x16xf32>,
        %get3A_788 = vector.shape_cast %get3A_787 : vector<1x16xf32> to vector<16xf32>
        %add3A_789 = arith.addf %get3A_783, %get3A_788 : vector<16xf32>
        %mul3A_790 = arith.mulf %broadcast_in_dim3A_281, %sub3A : vector<16xf32>
        %add3A_791 = arith.addf %get3A_514, %mul3A_790 : vector<16xf32>
        %add3A_792 = arith.addf %add3A_789, %add3A_791 : vector<16xf32>
        %swap3A_793 = arith.constant 13 : i32
        %swap3A_794 = arith.index_cast %swap3A_793 : i32 to index
        %swap3A_795 = arith.index_cast %mul3A_509 : i32 to index
        %swap3A_796 = tpu.vector_load %arg10[%swap3A_794, %swap3A_795] {strides = array<i32>} : memref<32x768xf32, #tpu.memory_space<vmem>>, vector<1x16xf32>,
        %swap3A_797 = vector.shape_cast %swap3A_796 : vector<1x16xf32> to vector<16xf32>
        %swap3A_798 = vector.shape_cast %add3A_792 : vector<16xf32> to vector<1x16xf32>
        tpu.vector_store %arg10[%swap3A_794, %swap3A_795], %swap3A_798 {strides = array<i32>} : memref<32x768xf32, #tpu.memory_space<vmem>>, vector<1x16xf32>,
        %get3A_799 = arith.constant 14 : i32
        %get3A_800 = arith.index_cast %get3A_799 : i32 to index
        %get3A_801 = arith.index_cast %mul3A_509 : i32 to index
        %get3A_802 = tpu.vector_load %arg10[%get3A_800, %get3A_801] {strides = array<i32>} : memref<32x768xf32, #tpu.memory_space<vmem>>, vector<1x16xf32>,
        %get3A_803 = vector.shape_cast %get3A_802 : vector<1x16xf32> to vector<16xf32>
        %get3A_804 = arith.constant 14 : i32
        %get3A_805 = arith.index_cast %get3A_804 : i32 to index
        %get3A_806 = arith.index_cast %mul3A_509 : i32 to index
        %get3A_807 = tpu.vector_load %arg12[%get3A_805, %get3A_806] {strides = array<i32>} : memref<64x768xf32, #tpu.memory_space<vmem>>, vector<1x16xf32>,
        %get3A_808 = vector.shape_cast %get3A_807 : vector<1x16xf32> to vector<16xf32>
        %add3A_809 = arith.addf %get3A_803, %get3A_808 : vector<16xf32>
        %mul3A_810 = arith.mulf %broadcast_in_dim3A_284, %sub3A : vector<16xf32>
        %add3A_811 = arith.addf %get3A_514, %mul3A_810 : vector<16xf32>
        %add3A_812 = arith.addf %add3A_809, %add3A_811 : vector<16xf32>
        %swap3A_813 = arith.constant 14 : i32
        %swap3A_814 = arith.index_cast %swap3A_813 : i32 to index
        %swap3A_815 = arith.index_cast %mul3A_509 : i32 to index
        %swap3A_816 = tpu.vector_load %arg10[%swap3A_814, %swap3A_815] {strides = array<i32>} : memref<32x768xf32, #tpu.memory_space<vmem>>, vector<1x16xf32>,
        %swap3A_817 = vector.shape_cast %swap3A_816 : vector<1x16xf32> to vector<16xf32>
        %swap3A_818 = vector.shape_cast %add3A_812 : vector<16xf32> to vector<1x16xf32>
        tpu.vector_store %arg10[%swap3A_814, %swap3A_815], %swap3A_818 {strides = array<i32>} : memref<32x768xf32, #tpu.memory_space<vmem>>, vector<1x16xf32>,
        %get3A_819 = arith.constant 15 : i32
        %get3A_820 = arith.index_cast %get3A_819 : i32 to index
        %get3A_821 = arith.index_cast %mul3A_509 : i32 to index
        %get3A_822 = tpu.vector_load %arg10[%get3A_820, %get3A_821] {strides = array<i32>} : memref<32x768xf32, #tpu.memory_space<vmem>>, vector<1x16xf32>,
        %get3A_823 = vector.shape_cast %get3A_822 : vector<1x16xf32> to vector<16xf32>
        %get3A_824 = arith.constant 15 : i32
        %get3A_825 = arith.index_cast %get3A_824 : i32 to index
        %get3A_826 = arith.index_cast %mul3A_509 : i32 to index
        %get3A_827 = tpu.vector_load %arg12[%get3A_825, %get3A_826] {strides = array<i32>} : memref<64x768xf32, #tpu.memory_space<vmem>>, vector<1x16xf32>,
        %get3A_828 = vector.shape_cast %get3A_827 : vector<1x16xf32> to vector<16xf32>
        %add3A_829 = arith.addf %get3A_823, %get3A_828 : vector<16xf32>
        %mul3A_830 = arith.mulf %broadcast_in_dim3A_287, %sub3A : vector<16xf32>
        %add3A_831 = arith.addf %get3A_514, %mul3A_830 : vector<16xf32>
        %add3A_832 = arith.addf %add3A_829, %add3A_831 : vector<16xf32>
        %swap3A_833 = arith.constant 15 : i32
        %swap3A_834 = arith.index_cast %swap3A_833 : i32 to index
        %swap3A_835 = arith.index_cast %mul3A_509 : i32 to index
        %swap3A_836 = tpu.vector_load %arg10[%swap3A_834, %swap3A_835] {strides = array<i32>} : memref<32x768xf32, #tpu.memory_space<vmem>>, vector<1x16xf32>,
        %swap3A_837 = vector.shape_cast %swap3A_836 : vector<1x16xf32> to vector<16xf32>
        %swap3A_838 = vector.shape_cast %add3A_832 : vector<16xf32> to vector<1x16xf32>
        tpu.vector_store %arg10[%swap3A_834, %swap3A_835], %swap3A_838 {strides = array<i32>} : memref<32x768xf32, #tpu.memory_space<vmem>>, vector<1x16xf32>,
      }
      %scan3A_292 = arith.constant 48 : i32
      %get3A_293 = arith.index_cast %scan3A_220 : i32 to index
      %get3A_294 = arith.constant 16 : index
      %get3A_295 = tpu.vector_load %arg9[%get3A_293, %get3A_294] {strides = array<i32>} : memref<4x64xi32, #tpu.memory_space<vmem>>, vector<1x16xi32>,
      %get3A_296 = vector.shape_cast %get3A_295 : vector<1x16xi32> to vector<16xi32>
      %convert_element_type3A_297 = arith.sitofp %get3A_296 : vector<16xi32> to vector<16xf32>
      %slice3A_298 = vector.extract_strided_slice %convert_element_type3A_297 {offsets = [0], sizes = [1], strides = [1]} : vector<16xf32> to vector<1xf32>
      %squeeze3A_299 = vector.extract %slice3A_298[0] : f32 from vector<1xf32>
      %broadcast_in_dim3A_300 = vector.broadcast %squeeze3A_299 : f32 to vector<16xf32>
      %slice3A_301 = vector.extract_strided_slice %convert_element_type3A_297 {offsets = [1], sizes = [1], strides = [1]} : vector<16xf32> to vector<1xf32>
      %squeeze3A_302 = vector.extract %slice3A_301[0] : f32 from vector<1xf32>
      %broadcast_in_dim3A_303 = vector.broadcast %squeeze3A_302 : f32 to vector<16xf32>
      %slice3A_304 = vector.extract_strided_slice %convert_element_type3A_297 {offsets = [2], sizes = [1], strides = [1]} : vector<16xf32> to vector<1xf32>
      %squeeze3A_305 = vector.extract %slice3A_304[0] : f32 from vector<1xf32>
      %broadcast_in_dim3A_306 = vector.broadcast %squeeze3A_305 : f32 to vector<16xf32>
      %slice3A_307 = vector.extract_strided_slice %convert_element_type3A_297 {offsets = [3], sizes = [1], strides = [1]} : vector<16xf32> to vector<1xf32>
      %squeeze3A_308 = vector.extract %slice3A_307[0] : f32 from vector<1xf32>
      %broadcast_in_dim3A_309 = vector.broadcast %squeeze3A_308 : f32 to vector<16xf32>
      %slice3A_310 = vector.extract_strided_slice %convert_element_type3A_297 {offsets = [4], sizes = [1], strides = [1]} : vector<16xf32> to vector<1xf32>
      %squeeze3A_311 = vector.extract %slice3A_310[0] : f32 from vector<1xf32>
      %broadcast_in_dim3A_312 = vector.broadcast %squeeze3A_311 : f32 to vector<16xf32>
      %slice3A_313 = vector.extract_strided_slice %convert_element_type3A_297 {offsets = [5], sizes = [1], strides = [1]} : vector<16xf32> to vector<1xf32>
      %squeeze3A_314 = vector.extract %slice3A_313[0] : f32 from vector<1xf32>
      %broadcast_in_dim3A_315 = vector.broadcast %squeeze3A_314 : f32 to vector<16xf32>
      %slice3A_316 = vector.extract_strided_slice %convert_element_type3A_297 {offsets = [6], sizes = [1], strides = [1]} : vector<16xf32> to vector<1xf32>
      %squeeze3A_317 = vector.extract %slice3A_316[0] : f32 from vector<1xf32>
      %broadcast_in_dim3A_318 = vector.broadcast %squeeze3A_317 : f32 to vector<16xf32>
      %slice3A_319 = vector.extract_strided_slice %convert_element_type3A_297 {offsets = [7], sizes = [1], strides = [1]} : vector<16xf32> to vector<1xf32>
      %squeeze3A_320 = vector.extract %slice3A_319[0] : f32 from vector<1xf32>
      %broadcast_in_dim3A_321 = vector.broadcast %squeeze3A_320 : f32 to vector<16xf32>
      %slice3A_322 = vector.extract_strided_slice %convert_element_type3A_297 {offsets = [8], sizes = [1], strides = [1]} : vector<16xf32> to vector<1xf32>
      %squeeze3A_323 = vector.extract %slice3A_322[0] : f32 from vector<1xf32>
      %broadcast_in_dim3A_324 = vector.broadcast %squeeze3A_323 : f32 to vector<16xf32>
      %slice3A_325 = vector.extract_strided_slice %convert_element_type3A_297 {offsets = [9], sizes = [1], strides = [1]} : vector<16xf32> to vector<1xf32>
      %squeeze3A_326 = vector.extract %slice3A_325[0] : f32 from vector<1xf32>
      %broadcast_in_dim3A_327 = vector.broadcast %squeeze3A_326 : f32 to vector<16xf32>
      %slice3A_328 = vector.extract_strided_slice %convert_element_type3A_297 {offsets = [10], sizes = [1], strides = [1]} : vector<16xf32> to vector<1xf32>
      %squeeze3A_329 = vector.extract %slice3A_328[0] : f32 from vector<1xf32>
      %broadcast_in_dim3A_330 = vector.broadcast %squeeze3A_329 : f32 to vector<16xf32>
      %slice3A_331 = vector.extract_strided_slice %convert_element_type3A_297 {offsets = [11], sizes = [1], strides = [1]} : vector<16xf32> to vector<1xf32>
      %squeeze3A_332 = vector.extract %slice3A_331[0] : f32 from vector<1xf32>
      %broadcast_in_dim3A_333 = vector.broadcast %squeeze3A_332 : f32 to vector<16xf32>
      %slice3A_334 = vector.extract_strided_slice %convert_element_type3A_297 {offsets = [12], sizes = [1], strides = [1]} : vector<16xf32> to vector<1xf32>
      %squeeze3A_335 = vector.extract %slice3A_334[0] : f32 from vector<1xf32>
      %broadcast_in_dim3A_336 = vector.broadcast %squeeze3A_335 : f32 to vector<16xf32>
      %slice3A_337 = vector.extract_strided_slice %convert_element_type3A_297 {offsets = [13], sizes = [1], strides = [1]} : vector<16xf32> to vector<1xf32>
      %squeeze3A_338 = vector.extract %slice3A_337[0] : f32 from vector<1xf32>
      %broadcast_in_dim3A_339 = vector.broadcast %squeeze3A_338 : f32 to vector<16xf32>
      %slice3A_340 = vector.extract_strided_slice %convert_element_type3A_297 {offsets = [14], sizes = [1], strides = [1]} : vector<16xf32> to vector<1xf32>
      %squeeze3A_341 = vector.extract %slice3A_340[0] : f32 from vector<1xf32>
      %broadcast_in_dim3A_342 = vector.broadcast %squeeze3A_341 : f32 to vector<16xf32>
      %slice3A_343 = vector.extract_strided_slice %convert_element_type3A_297 {offsets = [15], sizes = [1], strides = [1]} : vector<16xf32> to vector<1xf32>
      %squeeze3A_344 = vector.extract %slice3A_343[0] : f32 from vector<1xf32>
      %broadcast_in_dim3A_345 = vector.broadcast %squeeze3A_344 : f32 to vector<16xf32>
      %scan3A_346 = arith.constant 0 : i32
      %scan3A_347 = arith.constant 48 : i32
      %scan3A_348 = arith.addi %scan3A_346, %scan3A_347 : i32
      %scan3A_349 = arith.constant 1 : i32
      scf.for %scan3A_507 = %scan3A_346 to %scan3A_348 step %scan3A_349  : i32 {
        %mul3A_508 = arith.constant 16 : i32
        %mul3A_509 = arith.muli %scan3A_507, %mul3A_508 : i32
        %get3A_510 = arith.constant 0 : i32
        %get3A_511 = arith.index_cast %get3A_510 : i32 to index
        %get3A_512 = arith.index_cast %mul3A_509 : i32 to index
        %get3A_513 = tpu.vector_load %arg13[%get3A_511, %get3A_512] {strides = array<i32>} : memref<2x768xf32, #tpu.memory_space<vmem>>, vector<1x16xf32>,
        %get3A_514 = vector.shape_cast %get3A_513 : vector<1x16xf32> to vector<16xf32>
        %get3A_515 = arith.constant 1 : i32
        %get3A_516 = arith.index_cast %get3A_515 : i32 to index
        %get3A_517 = arith.index_cast %mul3A_509 : i32 to index
        %get3A_518 = tpu.vector_load %arg13[%get3A_516, %get3A_517] {strides = array<i32>} : memref<2x768xf32, #tpu.memory_space<vmem>>, vector<1x16xf32>,
        %get3A_519 = vector.shape_cast %get3A_518 : vector<1x16xf32> to vector<16xf32>
        %sub3A = arith.subf %get3A_519, %get3A_514 : vector<16xf32>
        %get3A_520 = arith.constant 16 : i32
        %get3A_521 = arith.index_cast %get3A_520 : i32 to index
        %get3A_522 = arith.index_cast %mul3A_509 : i32 to index
        %get3A_523 = tpu.vector_load %arg10[%get3A_521, %get3A_522] {strides = array<i32>} : memref<32x768xf32, #tpu.memory_space<vmem>>, vector<1x16xf32>,
        %get3A_524 = vector.shape_cast %get3A_523 : vector<1x16xf32> to vector<16xf32>
        %get3A_525 = arith.constant 16 : i32
        %get3A_526 = arith.index_cast %get3A_525 : i32 to index
        %get3A_527 = arith.index_cast %mul3A_509 : i32 to index
        %get3A_528 = tpu.vector_load %arg12[%get3A_526, %get3A_527] {strides = array<i32>} : memref<64x768xf32, #tpu.memory_space<vmem>>, vector<1x16xf32>,
        %get3A_529 = vector.shape_cast %get3A_528 : vector<1x16xf32> to vector<16xf32>
        %add3A_530 = arith.addf %get3A_524, %get3A_529 : vector<16xf32>
        %mul3A_531 = arith.mulf %broadcast_in_dim3A_300, %sub3A : vector<16xf32>
        %add3A_532 = arith.addf %get3A_514, %mul3A_531 : vector<16xf32>
        %add3A_533 = arith.addf %add3A_530, %add3A_532 : vector<16xf32>
        %swap3A = arith.constant 16 : i32
        %swap3A_534 = arith.index_cast %swap3A : i32 to index
        %swap3A_535 = arith.index_cast %mul3A_509 : i32 to index
        %swap3A_536 = tpu.vector_load %arg10[%swap3A_534, %swap3A_535] {strides = array<i32>} : memref<32x768xf32, #tpu.memory_space<vmem>>, vector<1x16xf32>,
        %swap3A_537 = vector.shape_cast %swap3A_536 : vector<1x16xf32> to vector<16xf32>
        %swap3A_538 = vector.shape_cast %add3A_533 : vector<16xf32> to vector<1x16xf32>
        tpu.vector_store %arg10[%swap3A_534, %swap3A_535], %swap3A_538 {strides = array<i32>} : memref<32x768xf32, #tpu.memory_space<vmem>>, vector<1x16xf32>,
        %get3A_539 = arith.constant 17 : i32
        %get3A_540 = arith.index_cast %get3A_539 : i32 to index
        %get3A_541 = arith.index_cast %mul3A_509 : i32 to index
        %get3A_542 = tpu.vector_load %arg10[%get3A_540, %get3A_541] {strides = array<i32>} : memref<32x768xf32, #tpu.memory_space<vmem>>, vector<1x16xf32>,
        %get3A_543 = vector.shape_cast %get3A_542 : vector<1x16xf32> to vector<16xf32>
        %get3A_544 = arith.constant 17 : i32
        %get3A_545 = arith.index_cast %get3A_544 : i32 to index
        %get3A_546 = arith.index_cast %mul3A_509 : i32 to index
        %get3A_547 = tpu.vector_load %arg12[%get3A_545, %get3A_546] {strides = array<i32>} : memref<64x768xf32, #tpu.memory_space<vmem>>, vector<1x16xf32>,
        %get3A_548 = vector.shape_cast %get3A_547 : vector<1x16xf32> to vector<16xf32>
        %add3A_549 = arith.addf %get3A_543, %get3A_548 : vector<16xf32>
        %mul3A_550 = arith.mulf %broadcast_in_dim3A_303, %sub3A : vector<16xf32>
        %add3A_551 = arith.addf %get3A_514, %mul3A_550 : vector<16xf32>
        %add3A_552 = arith.addf %add3A_549, %add3A_551 : vector<16xf32>
        %swap3A_553 = arith.constant 17 : i32
        %swap3A_554 = arith.index_cast %swap3A_553 : i32 to index
        %swap3A_555 = arith.index_cast %mul3A_509 : i32 to index
        %swap3A_556 = tpu.vector_load %arg10[%swap3A_554, %swap3A_555] {strides = array<i32>} : memref<32x768xf32, #tpu.memory_space<vmem>>, vector<1x16xf32>,
        %swap3A_557 = vector.shape_cast %swap3A_556 : vector<1x16xf32> to vector<16xf32>
        %swap3A_558 = vector.shape_cast %add3A_552 : vector<16xf32> to vector<1x16xf32>
        tpu.vector_store %arg10[%swap3A_554, %swap3A_555], %swap3A_558 {strides = array<i32>} : memref<32x768xf32, #tpu.memory_space<vmem>>, vector<1x16xf32>,
        %get3A_559 = arith.constant 18 : i32
        %get3A_560 = arith.index_cast %get3A_559 : i32 to index
        %get3A_561 = arith.index_cast %mul3A_509 : i32 to index
        %get3A_562 = tpu.vector_load %arg10[%get3A_560, %get3A_561] {strides = array<i32>} : memref<32x768xf32, #tpu.memory_space<vmem>>, vector<1x16xf32>,
        %get3A_563 = vector.shape_cast %get3A_562 : vector<1x16xf32> to vector<16xf32>
        %get3A_564 = arith.constant 18 : i32
        %get3A_565 = arith.index_cast %get3A_564 : i32 to index
        %get3A_566 = arith.index_cast %mul3A_509 : i32 to index
        %get3A_567 = tpu.vector_load %arg12[%get3A_565, %get3A_566] {strides = array<i32>} : memref<64x768xf32, #tpu.memory_space<vmem>>, vector<1x16xf32>,
        %get3A_568 = vector.shape_cast %get3A_567 : vector<1x16xf32> to vector<16xf32>
        %add3A_569 = arith.addf %get3A_563, %get3A_568 : vector<16xf32>
        %mul3A_570 = arith.mulf %broadcast_in_dim3A_306, %sub3A : vector<16xf32>
        %add3A_571 = arith.addf %get3A_514, %mul3A_570 : vector<16xf32>
        %add3A_572 = arith.addf %add3A_569, %add3A_571 : vector<16xf32>
        %swap3A_573 = arith.constant 18 : i32
        %swap3A_574 = arith.index_cast %swap3A_573 : i32 to index
        %swap3A_575 = arith.index_cast %mul3A_509 : i32 to index
        %swap3A_576 = tpu.vector_load %arg10[%swap3A_574, %swap3A_575] {strides = array<i32>} : memref<32x768xf32, #tpu.memory_space<vmem>>, vector<1x16xf32>,
        %swap3A_577 = vector.shape_cast %swap3A_576 : vector<1x16xf32> to vector<16xf32>
        %swap3A_578 = vector.shape_cast %add3A_572 : vector<16xf32> to vector<1x16xf32>
        tpu.vector_store %arg10[%swap3A_574, %swap3A_575], %swap3A_578 {strides = array<i32>} : memref<32x768xf32, #tpu.memory_space<vmem>>, vector<1x16xf32>,
        %get3A_579 = arith.constant 19 : i32
        %get3A_580 = arith.index_cast %get3A_579 : i32 to index
        %get3A_581 = arith.index_cast %mul3A_509 : i32 to index
        %get3A_582 = tpu.vector_load %arg10[%get3A_580, %get3A_581] {strides = array<i32>} : memref<32x768xf32, #tpu.memory_space<vmem>>, vector<1x16xf32>,
        %get3A_583 = vector.shape_cast %get3A_582 : vector<1x16xf32> to vector<16xf32>
        %get3A_584 = arith.constant 19 : i32
        %get3A_585 = arith.index_cast %get3A_584 : i32 to index
        %get3A_586 = arith.index_cast %mul3A_509 : i32 to index
        %get3A_587 = tpu.vector_load %arg12[%get3A_585, %get3A_586] {strides = array<i32>} : memref<64x768xf32, #tpu.memory_space<vmem>>, vector<1x16xf32>,
        %get3A_588 = vector.shape_cast %get3A_587 : vector<1x16xf32> to vector<16xf32>
        %add3A_589 = arith.addf %get3A_583, %get3A_588 : vector<16xf32>
        %mul3A_590 = arith.mulf %broadcast_in_dim3A_309, %sub3A : vector<16xf32>
        %add3A_591 = arith.addf %get3A_514, %mul3A_590 : vector<16xf32>
        %add3A_592 = arith.addf %add3A_589, %add3A_591 : vector<16xf32>
        %swap3A_593 = arith.constant 19 : i32
        %swap3A_594 = arith.index_cast %swap3A_593 : i32 to index
        %swap3A_595 = arith.index_cast %mul3A_509 : i32 to index
        %swap3A_596 = tpu.vector_load %arg10[%swap3A_594, %swap3A_595] {strides = array<i32>} : memref<32x768xf32, #tpu.memory_space<vmem>>, vector<1x16xf32>,
        %swap3A_597 = vector.shape_cast %swap3A_596 : vector<1x16xf32> to vector<16xf32>
        %swap3A_598 = vector.shape_cast %add3A_592 : vector<16xf32> to vector<1x16xf32>
        tpu.vector_store %arg10[%swap3A_594, %swap3A_595], %swap3A_598 {strides = array<i32>} : memref<32x768xf32, #tpu.memory_space<vmem>>, vector<1x16xf32>,
        %get3A_599 = arith.constant 20 : i32
        %get3A_600 = arith.index_cast %get3A_599 : i32 to index
        %get3A_601 = arith.index_cast %mul3A_509 : i32 to index
        %get3A_602 = tpu.vector_load %arg10[%get3A_600, %get3A_601] {strides = array<i32>} : memref<32x768xf32, #tpu.memory_space<vmem>>, vector<1x16xf32>,
        %get3A_603 = vector.shape_cast %get3A_602 : vector<1x16xf32> to vector<16xf32>
        %get3A_604 = arith.constant 20 : i32
        %get3A_605 = arith.index_cast %get3A_604 : i32 to index
        %get3A_606 = arith.index_cast %mul3A_509 : i32 to index
        %get3A_607 = tpu.vector_load %arg12[%get3A_605, %get3A_606] {strides = array<i32>} : memref<64x768xf32, #tpu.memory_space<vmem>>, vector<1x16xf32>,
        %get3A_608 = vector.shape_cast %get3A_607 : vector<1x16xf32> to vector<16xf32>
        %add3A_609 = arith.addf %get3A_603, %get3A_608 : vector<16xf32>
        %mul3A_610 = arith.mulf %broadcast_in_dim3A_312, %sub3A : vector<16xf32>
        %add3A_611 = arith.addf %get3A_514, %mul3A_610 : vector<16xf32>
        %add3A_612 = arith.addf %add3A_609, %add3A_611 : vector<16xf32>
        %swap3A_613 = arith.constant 20 : i32
        %swap3A_614 = arith.index_cast %swap3A_613 : i32 to index
        %swap3A_615 = arith.index_cast %mul3A_509 : i32 to index
        %swap3A_616 = tpu.vector_load %arg10[%swap3A_614, %swap3A_615] {strides = array<i32>} : memref<32x768xf32, #tpu.memory_space<vmem>>, vector<1x16xf32>,
        %swap3A_617 = vector.shape_cast %swap3A_616 : vector<1x16xf32> to vector<16xf32>
        %swap3A_618 = vector.shape_cast %add3A_612 : vector<16xf32> to vector<1x16xf32>
        tpu.vector_store %arg10[%swap3A_614, %swap3A_615], %swap3A_618 {strides = array<i32>} : memref<32x768xf32, #tpu.memory_space<vmem>>, vector<1x16xf32>,
        %get3A_619 = arith.constant 21 : i32
        %get3A_620 = arith.index_cast %get3A_619 : i32 to index
        %get3A_621 = arith.index_cast %mul3A_509 : i32 to index
        %get3A_622 = tpu.vector_load %arg10[%get3A_620, %get3A_621] {strides = array<i32>} : memref<32x768xf32, #tpu.memory_space<vmem>>, vector<1x16xf32>,
        %get3A_623 = vector.shape_cast %get3A_622 : vector<1x16xf32> to vector<16xf32>
        %get3A_624 = arith.constant 21 : i32
        %get3A_625 = arith.index_cast %get3A_624 : i32 to index
        %get3A_626 = arith.index_cast %mul3A_509 : i32 to index
        %get3A_627 = tpu.vector_load %arg12[%get3A_625, %get3A_626] {strides = array<i32>} : memref<64x768xf32, #tpu.memory_space<vmem>>, vector<1x16xf32>,
        %get3A_628 = vector.shape_cast %get3A_627 : vector<1x16xf32> to vector<16xf32>
        %add3A_629 = arith.addf %get3A_623, %get3A_628 : vector<16xf32>
        %mul3A_630 = arith.mulf %broadcast_in_dim3A_315, %sub3A : vector<16xf32>
        %add3A_631 = arith.addf %get3A_514, %mul3A_630 : vector<16xf32>
        %add3A_632 = arith.addf %add3A_629, %add3A_631 : vector<16xf32>
        %swap3A_633 = arith.constant 21 : i32
        %swap3A_634 = arith.index_cast %swap3A_633 : i32 to index
        %swap3A_635 = arith.index_cast %mul3A_509 : i32 to index
        %swap3A_636 = tpu.vector_load %arg10[%swap3A_634, %swap3A_635] {strides = array<i32>} : memref<32x768xf32, #tpu.memory_space<vmem>>, vector<1x16xf32>,
        %swap3A_637 = vector.shape_cast %swap3A_636 : vector<1x16xf32> to vector<16xf32>
        %swap3A_638 = vector.shape_cast %add3A_632 : vector<16xf32> to vector<1x16xf32>
        tpu.vector_store %arg10[%swap3A_634, %swap3A_635], %swap3A_638 {strides = array<i32>} : memref<32x768xf32, #tpu.memory_space<vmem>>, vector<1x16xf32>,
        %get3A_639 = arith.constant 22 : i32
        %get3A_640 = arith.index_cast %get3A_639 : i32 to index
        %get3A_641 = arith.index_cast %mul3A_509 : i32 to index
        %get3A_642 = tpu.vector_load %arg10[%get3A_640, %get3A_641] {strides = array<i32>} : memref<32x768xf32, #tpu.memory_space<vmem>>, vector<1x16xf32>,
        %get3A_643 = vector.shape_cast %get3A_642 : vector<1x16xf32> to vector<16xf32>
        %get3A_644 = arith.constant 22 : i32
        %get3A_645 = arith.index_cast %get3A_644 : i32 to index
        %get3A_646 = arith.index_cast %mul3A_509 : i32 to index
        %get3A_647 = tpu.vector_load %arg12[%get3A_645, %get3A_646] {strides = array<i32>} : memref<64x768xf32, #tpu.memory_space<vmem>>, vector<1x16xf32>,
        %get3A_648 = vector.shape_cast %get3A_647 : vector<1x16xf32> to vector<16xf32>
        %add3A_649 = arith.addf %get3A_643, %get3A_648 : vector<16xf32>
        %mul3A_650 = arith.mulf %broadcast_in_dim3A_318, %sub3A : vector<16xf32>
        %add3A_651 = arith.addf %get3A_514, %mul3A_650 : vector<16xf32>
        %add3A_652 = arith.addf %add3A_649, %add3A_651 : vector<16xf32>
        %swap3A_653 = arith.constant 22 : i32
        %swap3A_654 = arith.index_cast %swap3A_653 : i32 to index
        %swap3A_655 = arith.index_cast %mul3A_509 : i32 to index
        %swap3A_656 = tpu.vector_load %arg10[%swap3A_654, %swap3A_655] {strides = array<i32>} : memref<32x768xf32, #tpu.memory_space<vmem>>, vector<1x16xf32>,
        %swap3A_657 = vector.shape_cast %swap3A_656 : vector<1x16xf32> to vector<16xf32>
        %swap3A_658 = vector.shape_cast %add3A_652 : vector<16xf32> to vector<1x16xf32>
        tpu.vector_store %arg10[%swap3A_654, %swap3A_655], %swap3A_658 {strides = array<i32>} : memref<32x768xf32, #tpu.memory_space<vmem>>, vector<1x16xf32>,
        %get3A_659 = arith.constant 23 : i32
        %get3A_660 = arith.index_cast %get3A_659 : i32 to index
        %get3A_661 = arith.index_cast %mul3A_509 : i32 to index
        %get3A_662 = tpu.vector_load %arg10[%get3A_660, %get3A_661] {strides = array<i32>} : memref<32x768xf32, #tpu.memory_space<vmem>>, vector<1x16xf32>,
        %get3A_663 = vector.shape_cast %get3A_662 : vector<1x16xf32> to vector<16xf32>
        %get3A_664 = arith.constant 23 : i32
        %get3A_665 = arith.index_cast %get3A_664 : i32 to index
        %get3A_666 = arith.index_cast %mul3A_509 : i32 to index
        %get3A_667 = tpu.vector_load %arg12[%get3A_665, %get3A_666] {strides = array<i32>} : memref<64x768xf32, #tpu.memory_space<vmem>>, vector<1x16xf32>,
        %get3A_668 = vector.shape_cast %get3A_667 : vector<1x16xf32> to vector<16xf32>
        %add3A_669 = arith.addf %get3A_663, %get3A_668 : vector<16xf32>
        %mul3A_670 = arith.mulf %broadcast_in_dim3A_321, %sub3A : vector<16xf32>
        %add3A_671 = arith.addf %get3A_514, %mul3A_670 : vector<16xf32>
        %add3A_672 = arith.addf %add3A_669, %add3A_671 : vector<16xf32>
        %swap3A_673 = arith.constant 23 : i32
        %swap3A_674 = arith.index_cast %swap3A_673 : i32 to index
        %swap3A_675 = arith.index_cast %mul3A_509 : i32 to index
        %swap3A_676 = tpu.vector_load %arg10[%swap3A_674, %swap3A_675] {strides = array<i32>} : memref<32x768xf32, #tpu.memory_space<vmem>>, vector<1x16xf32>,
        %swap3A_677 = vector.shape_cast %swap3A_676 : vector<1x16xf32> to vector<16xf32>
        %swap3A_678 = vector.shape_cast %add3A_672 : vector<16xf32> to vector<1x16xf32>
        tpu.vector_store %arg10[%swap3A_674, %swap3A_675], %swap3A_678 {strides = array<i32>} : memref<32x768xf32, #tpu.memory_space<vmem>>, vector<1x16xf32>,
        %get3A_679 = arith.constant 24 : i32
        %get3A_680 = arith.index_cast %get3A_679 : i32 to index
        %get3A_681 = arith.index_cast %mul3A_509 : i32 to index
        %get3A_682 = tpu.vector_load %arg10[%get3A_680, %get3A_681] {strides = array<i32>} : memref<32x768xf32, #tpu.memory_space<vmem>>, vector<1x16xf32>,
        %get3A_683 = vector.shape_cast %get3A_682 : vector<1x16xf32> to vector<16xf32>
        %get3A_684 = arith.constant 24 : i32
        %get3A_685 = arith.index_cast %get3A_684 : i32 to index
        %get3A_686 = arith.index_cast %mul3A_509 : i32 to index
        %get3A_687 = tpu.vector_load %arg12[%get3A_685, %get3A_686] {strides = array<i32>} : memref<64x768xf32, #tpu.memory_space<vmem>>, vector<1x16xf32>,
        %get3A_688 = vector.shape_cast %get3A_687 : vector<1x16xf32> to vector<16xf32>
        %add3A_689 = arith.addf %get3A_683, %get3A_688 : vector<16xf32>
        %mul3A_690 = arith.mulf %broadcast_in_dim3A_324, %sub3A : vector<16xf32>
        %add3A_691 = arith.addf %get3A_514, %mul3A_690 : vector<16xf32>
        %add3A_692 = arith.addf %add3A_689, %add3A_691 : vector<16xf32>
        %swap3A_693 = arith.constant 24 : i32
        %swap3A_694 = arith.index_cast %swap3A_693 : i32 to index
        %swap3A_695 = arith.index_cast %mul3A_509 : i32 to index
        %swap3A_696 = tpu.vector_load %arg10[%swap3A_694, %swap3A_695] {strides = array<i32>} : memref<32x768xf32, #tpu.memory_space<vmem>>, vector<1x16xf32>,
        %swap3A_697 = vector.shape_cast %swap3A_696 : vector<1x16xf32> to vector<16xf32>
        %swap3A_698 = vector.shape_cast %add3A_692 : vector<16xf32> to vector<1x16xf32>
        tpu.vector_store %arg10[%swap3A_694, %swap3A_695], %swap3A_698 {strides = array<i32>} : memref<32x768xf32, #tpu.memory_space<vmem>>, vector<1x16xf32>,
        %get3A_699 = arith.constant 25 : i32
        %get3A_700 = arith.index_cast %get3A_699 : i32 to index
        %get3A_701 = arith.index_cast %mul3A_509 : i32 to index
        %get3A_702 = tpu.vector_load %arg10[%get3A_700, %get3A_701] {strides = array<i32>} : memref<32x768xf32, #tpu.memory_space<vmem>>, vector<1x16xf32>,
        %get3A_703 = vector.shape_cast %get3A_702 : vector<1x16xf32> to vector<16xf32>
        %get3A_704 = arith.constant 25 : i32
        %get3A_705 = arith.index_cast %get3A_704 : i32 to index
        %get3A_706 = arith.index_cast %mul3A_509 : i32 to index
        %get3A_707 = tpu.vector_load %arg12[%get3A_705, %get3A_706] {strides = array<i32>} : memref<64x768xf32, #tpu.memory_space<vmem>>, vector<1x16xf32>,
        %get3A_708 = vector.shape_cast %get3A_707 : vector<1x16xf32> to vector<16xf32>
        %add3A_709 = arith.addf %get3A_703, %get3A_708 : vector<16xf32>
        %mul3A_710 = arith.mulf %broadcast_in_dim3A_327, %sub3A : vector<16xf32>
        %add3A_711 = arith.addf %get3A_514, %mul3A_710 : vector<16xf32>
        %add3A_712 = arith.addf %add3A_709, %add3A_711 : vector<16xf32>
        %swap3A_713 = arith.constant 25 : i32
        %swap3A_714 = arith.index_cast %swap3A_713 : i32 to index
        %swap3A_715 = arith.index_cast %mul3A_509 : i32 to index
        %swap3A_716 = tpu.vector_load %arg10[%swap3A_714, %swap3A_715] {strides = array<i32>} : memref<32x768xf32, #tpu.memory_space<vmem>>, vector<1x16xf32>,
        %swap3A_717 = vector.shape_cast %swap3A_716 : vector<1x16xf32> to vector<16xf32>
        %swap3A_718 = vector.shape_cast %add3A_712 : vector<16xf32> to vector<1x16xf32>
        tpu.vector_store %arg10[%swap3A_714, %swap3A_715], %swap3A_718 {strides = array<i32>} : memref<32x768xf32, #tpu.memory_space<vmem>>, vector<1x16xf32>,
        %get3A_719 = arith.constant 26 : i32
        %get3A_720 = arith.index_cast %get3A_719 : i32 to index
        %get3A_721 = arith.index_cast %mul3A_509 : i32 to index
        %get3A_722 = tpu.vector_load %arg10[%get3A_720, %get3A_721] {strides = array<i32>} : memref<32x768xf32, #tpu.memory_space<vmem>>, vector<1x16xf32>,
        %get3A_723 = vector.shape_cast %get3A_722 : vector<1x16xf32> to vector<16xf32>
        %get3A_724 = arith.constant 26 : i32
        %get3A_725 = arith.index_cast %get3A_724 : i32 to index
        %get3A_726 = arith.index_cast %mul3A_509 : i32 to index
        %get3A_727 = tpu.vector_load %arg12[%get3A_725, %get3A_726] {strides = array<i32>} : memref<64x768xf32, #tpu.memory_space<vmem>>, vector<1x16xf32>,
        %get3A_728 = vector.shape_cast %get3A_727 : vector<1x16xf32> to vector<16xf32>
        %add3A_729 = arith.addf %get3A_723, %get3A_728 : vector<16xf32>
        %mul3A_730 = arith.mulf %broadcast_in_dim3A_330, %sub3A : vector<16xf32>
        %add3A_731 = arith.addf %get3A_514, %mul3A_730 : vector<16xf32>
        %add3A_732 = arith.addf %add3A_729, %add3A_731 : vector<16xf32>
        %swap3A_733 = arith.constant 26 : i32
        %swap3A_734 = arith.index_cast %swap3A_733 : i32 to index
        %swap3A_735 = arith.index_cast %mul3A_509 : i32 to index
        %swap3A_736 = tpu.vector_load %arg10[%swap3A_734, %swap3A_735] {strides = array<i32>} : memref<32x768xf32, #tpu.memory_space<vmem>>, vector<1x16xf32>,
        %swap3A_737 = vector.shape_cast %swap3A_736 : vector<1x16xf32> to vector<16xf32>
        %swap3A_738 = vector.shape_cast %add3A_732 : vector<16xf32> to vector<1x16xf32>
        tpu.vector_store %arg10[%swap3A_734, %swap3A_735], %swap3A_738 {strides = array<i32>} : memref<32x768xf32, #tpu.memory_space<vmem>>, vector<1x16xf32>,
        %get3A_739 = arith.constant 27 : i32
        %get3A_740 = arith.index_cast %get3A_739 : i32 to index
        %get3A_741 = arith.index_cast %mul3A_509 : i32 to index
        %get3A_742 = tpu.vector_load %arg10[%get3A_740, %get3A_741] {strides = array<i32>} : memref<32x768xf32, #tpu.memory_space<vmem>>, vector<1x16xf32>,
        %get3A_743 = vector.shape_cast %get3A_742 : vector<1x16xf32> to vector<16xf32>
        %get3A_744 = arith.constant 27 : i32
        %get3A_745 = arith.index_cast %get3A_744 : i32 to index
        %get3A_746 = arith.index_cast %mul3A_509 : i32 to index
        %get3A_747 = tpu.vector_load %arg12[%get3A_745, %get3A_746] {strides = array<i32>} : memref<64x768xf32, #tpu.memory_space<vmem>>, vector<1x16xf32>,
        %get3A_748 = vector.shape_cast %get3A_747 : vector<1x16xf32> to vector<16xf32>
        %add3A_749 = arith.addf %get3A_743, %get3A_748 : vector<16xf32>
        %mul3A_750 = arith.mulf %broadcast_in_dim3A_333, %sub3A : vector<16xf32>
        %add3A_751 = arith.addf %get3A_514, %mul3A_750 : vector<16xf32>
        %add3A_752 = arith.addf %add3A_749, %add3A_751 : vector<16xf32>
        %swap3A_753 = arith.constant 27 : i32
        %swap3A_754 = arith.index_cast %swap3A_753 : i32 to index
        %swap3A_755 = arith.index_cast %mul3A_509 : i32 to index
        %swap3A_756 = tpu.vector_load %arg10[%swap3A_754, %swap3A_755] {strides = array<i32>} : memref<32x768xf32, #tpu.memory_space<vmem>>, vector<1x16xf32>,
        %swap3A_757 = vector.shape_cast %swap3A_756 : vector<1x16xf32> to vector<16xf32>
        %swap3A_758 = vector.shape_cast %add3A_752 : vector<16xf32> to vector<1x16xf32>
        tpu.vector_store %arg10[%swap3A_754, %swap3A_755], %swap3A_758 {strides = array<i32>} : memref<32x768xf32, #tpu.memory_space<vmem>>, vector<1x16xf32>,
        %get3A_759 = arith.constant 28 : i32
        %get3A_760 = arith.index_cast %get3A_759 : i32 to index
        %get3A_761 = arith.index_cast %mul3A_509 : i32 to index
        %get3A_762 = tpu.vector_load %arg10[%get3A_760, %get3A_761] {strides = array<i32>} : memref<32x768xf32, #tpu.memory_space<vmem>>, vector<1x16xf32>,
        %get3A_763 = vector.shape_cast %get3A_762 : vector<1x16xf32> to vector<16xf32>
        %get3A_764 = arith.constant 28 : i32
        %get3A_765 = arith.index_cast %get3A_764 : i32 to index
        %get3A_766 = arith.index_cast %mul3A_509 : i32 to index
        %get3A_767 = tpu.vector_load %arg12[%get3A_765, %get3A_766] {strides = array<i32>} : memref<64x768xf32, #tpu.memory_space<vmem>>, vector<1x16xf32>,
        %get3A_768 = vector.shape_cast %get3A_767 : vector<1x16xf32> to vector<16xf32>
        %add3A_769 = arith.addf %get3A_763, %get3A_768 : vector<16xf32>
        %mul3A_770 = arith.mulf %broadcast_in_dim3A_336, %sub3A : vector<16xf32>
        %add3A_771 = arith.addf %get3A_514, %mul3A_770 : vector<16xf32>
        %add3A_772 = arith.addf %add3A_769, %add3A_771 : vector<16xf32>
        %swap3A_773 = arith.constant 28 : i32
        %swap3A_774 = arith.index_cast %swap3A_773 : i32 to index
        %swap3A_775 = arith.index_cast %mul3A_509 : i32 to index
        %swap3A_776 = tpu.vector_load %arg10[%swap3A_774, %swap3A_775] {strides = array<i32>} : memref<32x768xf32, #tpu.memory_space<vmem>>, vector<1x16xf32>,
        %swap3A_777 = vector.shape_cast %swap3A_776 : vector<1x16xf32> to vector<16xf32>
        %swap3A_778 = vector.shape_cast %add3A_772 : vector<16xf32> to vector<1x16xf32>
        tpu.vector_store %arg10[%swap3A_774, %swap3A_775], %swap3A_778 {strides = array<i32>} : memref<32x768xf32, #tpu.memory_space<vmem>>, vector<1x16xf32>,
        %get3A_779 = arith.constant 29 : i32
        %get3A_780 = arith.index_cast %get3A_779 : i32 to index
        %get3A_781 = arith.index_cast %mul3A_509 : i32 to index
        %get3A_782 = tpu.vector_load %arg10[%get3A_780, %get3A_781] {strides = array<i32>} : memref<32x768xf32, #tpu.memory_space<vmem>>, vector<1x16xf32>,
        %get3A_783 = vector.shape_cast %get3A_782 : vector<1x16xf32> to vector<16xf32>
        %get3A_784 = arith.constant 29 : i32
        %get3A_785 = arith.index_cast %get3A_784 : i32 to index
        %get3A_786 = arith.index_cast %mul3A_509 : i32 to index
        %get3A_787 = tpu.vector_load %arg12[%get3A_785, %get3A_786] {strides = array<i32>} : memref<64x768xf32, #tpu.memory_space<vmem>>, vector<1x16xf32>,
        %get3A_788 = vector.shape_cast %get3A_787 : vector<1x16xf32> to vector<16xf32>
        %add3A_789 = arith.addf %get3A_783, %get3A_788 : vector<16xf32>
        %mul3A_790 = arith.mulf %broadcast_in_dim3A_339, %sub3A : vector<16xf32>
        %add3A_791 = arith.addf %get3A_514, %mul3A_790 : vector<16xf32>
        %add3A_792 = arith.addf %add3A_789, %add3A_791 : vector<16xf32>
        %swap3A_793 = arith.constant 29 : i32
        %swap3A_794 = arith.index_cast %swap3A_793 : i32 to index
        %swap3A_795 = arith.index_cast %mul3A_509 : i32 to index
        %swap3A_796 = tpu.vector_load %arg10[%swap3A_794, %swap3A_795] {strides = array<i32>} : memref<32x768xf32, #tpu.memory_space<vmem>>, vector<1x16xf32>,
        %swap3A_797 = vector.shape_cast %swap3A_796 : vector<1x16xf32> to vector<16xf32>
        %swap3A_798 = vector.shape_cast %add3A_792 : vector<16xf32> to vector<1x16xf32>
        tpu.vector_store %arg10[%swap3A_794, %swap3A_795], %swap3A_798 {strides = array<i32>} : memref<32x768xf32, #tpu.memory_space<vmem>>, vector<1x16xf32>,
        %get3A_799 = arith.constant 30 : i32
        %get3A_800 = arith.index_cast %get3A_799 : i32 to index
        %get3A_801 = arith.index_cast %mul3A_509 : i32 to index
        %get3A_802 = tpu.vector_load %arg10[%get3A_800, %get3A_801] {strides = array<i32>} : memref<32x768xf32, #tpu.memory_space<vmem>>, vector<1x16xf32>,
        %get3A_803 = vector.shape_cast %get3A_802 : vector<1x16xf32> to vector<16xf32>
        %get3A_804 = arith.constant 30 : i32
        %get3A_805 = arith.index_cast %get3A_804 : i32 to index
        %get3A_806 = arith.index_cast %mul3A_509 : i32 to index
        %get3A_807 = tpu.vector_load %arg12[%get3A_805, %get3A_806] {strides = array<i32>} : memref<64x768xf32, #tpu.memory_space<vmem>>, vector<1x16xf32>,
        %get3A_808 = vector.shape_cast %get3A_807 : vector<1x16xf32> to vector<16xf32>
        %add3A_809 = arith.addf %get3A_803, %get3A_808 : vector<16xf32>
        %mul3A_810 = arith.mulf %broadcast_in_dim3A_342, %sub3A : vector<16xf32>
        %add3A_811 = arith.addf %get3A_514, %mul3A_810 : vector<16xf32>
        %add3A_812 = arith.addf %add3A_809, %add3A_811 : vector<16xf32>
        %swap3A_813 = arith.constant 30 : i32
        %swap3A_814 = arith.index_cast %swap3A_813 : i32 to index
        %swap3A_815 = arith.index_cast %mul3A_509 : i32 to index
        %swap3A_816 = tpu.vector_load %arg10[%swap3A_814, %swap3A_815] {strides = array<i32>} : memref<32x768xf32, #tpu.memory_space<vmem>>, vector<1x16xf32>,
        %swap3A_817 = vector.shape_cast %swap3A_816 : vector<1x16xf32> to vector<16xf32>
        %swap3A_818 = vector.shape_cast %add3A_812 : vector<16xf32> to vector<1x16xf32>
        tpu.vector_store %arg10[%swap3A_814, %swap3A_815], %swap3A_818 {strides = array<i32>} : memref<32x768xf32, #tpu.memory_space<vmem>>, vector<1x16xf32>,
        %get3A_819 = arith.constant 31 : i32
        %get3A_820 = arith.index_cast %get3A_819 : i32 to index
        %get3A_821 = arith.index_cast %mul3A_509 : i32 to index
        %get3A_822 = tpu.vector_load %arg10[%get3A_820, %get3A_821] {strides = array<i32>} : memref<32x768xf32, #tpu.memory_space<vmem>>, vector<1x16xf32>,
        %get3A_823 = vector.shape_cast %get3A_822 : vector<1x16xf32> to vector<16xf32>
        %get3A_824 = arith.constant 31 : i32
        %get3A_825 = arith.index_cast %get3A_824 : i32 to index
        %get3A_826 = arith.index_cast %mul3A_509 : i32 to index
        %get3A_827 = tpu.vector_load %arg12[%get3A_825, %get3A_826] {strides = array<i32>} : memref<64x768xf32, #tpu.memory_space<vmem>>, vector<1x16xf32>,
        %get3A_828 = vector.shape_cast %get3A_827 : vector<1x16xf32> to vector<16xf32>
        %add3A_829 = arith.addf %get3A_823, %get3A_828 : vector<16xf32>
        %mul3A_830 = arith.mulf %broadcast_in_dim3A_345, %sub3A : vector<16xf32>
        %add3A_831 = arith.addf %get3A_514, %mul3A_830 : vector<16xf32>
        %add3A_832 = arith.addf %add3A_829, %add3A_831 : vector<16xf32>
        %swap3A_833 = arith.constant 31 : i32
        %swap3A_834 = arith.index_cast %swap3A_833 : i32 to index
        %swap3A_835 = arith.index_cast %mul3A_509 : i32 to index
        %swap3A_836 = tpu.vector_load %arg10[%swap3A_834, %swap3A_835] {strides = array<i32>} : memref<32x768xf32, #tpu.memory_space<vmem>>, vector<1x16xf32>,
        %swap3A_837 = vector.shape_cast %swap3A_836 : vector<1x16xf32> to vector<16xf32>
        %swap3A_838 = vector.shape_cast %add3A_832 : vector<16xf32> to vector<1x16xf32>
        tpu.vector_store %arg10[%swap3A_834, %swap3A_835], %swap3A_838 {strides = array<i32>} : memref<32x768xf32, #tpu.memory_space<vmem>>, vector<1x16xf32>,
      }
      %scan3A_350 = arith.constant 48 : i32
      %mul3A_351 = arith.constant 2048 : i32
      %mul3A_352 = arith.muli %scan3A_220, %mul3A_351 : i32
      %add3A_353 = arith.addi %mul3A_352, %mul3A_2 : i32
      %add3A_354 = arith.constant 0 : i32
      %add3A_355 = arith.addi %add3A_353, %add3A_354 : i32
      %dma_start3A_356 = arith.constant 0 : i32
      %dma_start3A_357 = tpu.memref_slice %arg7[%add3A_355, %dma_start3A_356] : memref<8192x768xf32, #tpu.memory_space<hbm>> -> memref<32x768xf32, #tpu.memory_space<hbm>>
      %dma_start3A_358 = arith.constant 0 : i32
      %dma_start3A_359 = tpu.memref_slice %arg7[%add3A_355, %dma_start3A_358] : memref<8192x768xf32, #tpu.memory_space<hbm>> -> memref<32x768xf32, #tpu.memory_space<hbm>>
      tpu.enqueue_dma source(%arg10 : memref<32x768xf32, #tpu.memory_space<vmem>>) target(%dma_start3A_359 : memref<32x768xf32, #tpu.memory_space<hbm>>) target_semaphore(%arg19 : memref<!tpu.dma_semaphore, #tpu.memory_space<semaphore_mem>>)
      %mul3A_360 = arith.constant 2 : i32
      %mul3A_361 = arith.muli %scan3A_220, %mul3A_360 : i32
      %add3A_362 = arith.constant 1 : i32
      %add3A_363 = arith.addi %mul3A_361, %add3A_362 : i32
      %dma_wait3A_364 = arith.constant 32 : i32
      %dma_wait3A_365 = tpu.memref_slice %arg8[%scan3A_220, %dma_wait3A_364] : memref<4x64xi32, #tpu.memory_space<vmem>> -> memref<1x32xi32, #tpu.memory_space<vmem>>
      %dma_wait3A_366 = tpu.memref_squeeze %dma_wait3A_365 : memref<1x32xi32, #tpu.memory_space<vmem>> -> memref<32xi32, #tpu.memory_space<vmem>>
      %dma_wait3A_367 = arith.constant 0 : i32
      %dma_wait3A_368 = arith.constant 0 : i32
      %dma_wait3A_369 = tpu.memref_slice %arg4[%dma_wait3A_367, %dma_wait3A_368] : memref<100000x768xf32, #tpu.memory_space<hbm>> -> memref<100000x768xf32, #tpu.memory_space<hbm>>
      tpu.wait_indirect_dma semaphore(%arg15 : memref<!tpu.dma_semaphore, #tpu.memory_space<semaphore_mem>>) src(%dma_wait3A_369 : memref<100000x768xf32, #tpu.memory_space<hbm>>) dst(%arg11 : memref<32x768xf32, #tpu.memory_space<vmem>>)
      %ge3A_370 = arith.constant 1 : i32
      %ge3A_371 = arith.cmpi sge, %add3A_363, %ge3A_370 : i32
      %convert_element_type3A_372 = arith.extui %ge3A_371 : i1 to i32
      %cond3A_373 = arith.constant 0 : i32
      %cond3A_374 = arith.cmpi ne, %convert_element_type3A_372, %cond3A_373 : i32
      scf.if %cond3A_374 {
        %add3A_507 = arith.constant 1 : i32
        %add3A_508 = arith.addi %scan3A_220, %add3A_507 : i32
        %sub3A = arith.constant 1 : i32
        %sub3A_509 = arith.subi %add3A_508, %sub3A : i32
        %mul3A_510 = arith.constant 2048 : i32
        %mul3A_511 = arith.muli %sub3A_509, %mul3A_510 : i32
        %add3A_512 = arith.addi %mul3A_511, %mul3A_2 : i32
        %add3A_513 = arith.constant 0 : i32
        %add3A_514 = arith.addi %add3A_512, %add3A_513 : i32
        %dma_wait3A_515 = arith.constant 0 : i32
        %dma_wait3A_516 = tpu.memref_slice %arg7[%add3A_514, %dma_wait3A_515] : memref<8192x768xf32, #tpu.memory_space<hbm>> -> memref<32x768xf32, #tpu.memory_space<hbm>>
        %dma_wait3A_517 = arith.constant 0 : i32
        %dma_wait3A_518 = tpu.memref_slice %arg7[%add3A_514, %dma_wait3A_517] : memref<8192x768xf32, #tpu.memory_space<hbm>> -> memref<32x768xf32, #tpu.memory_space<hbm>>
        tpu.wait_dma2 semaphore(%arg19 : memref<!tpu.dma_semaphore, #tpu.memory_space<semaphore_mem>>) src(%arg10 : memref<32x768xf32, #tpu.memory_space<vmem>>) dst(%dma_wait3A_518 : memref<32x768xf32, #tpu.memory_space<hbm>>)
      } else {
      }
      %add3A_375 = arith.constant 1 : i32
      %add3A_376 = arith.addi %add3A_363, %add3A_375 : i32
      %lt3A_377 = arith.constant 8 : i32
      %lt3A_378 = arith.cmpi slt, %add3A_376, %lt3A_377 : i32
      %convert_element_type3A_379 = arith.extui %lt3A_378 : i1 to i32
      %cond3A_380 = arith.constant 0 : i32
      %cond3A_381 = arith.cmpi ne, %convert_element_type3A_379, %cond3A_380 : i32
      scf.if %cond3A_381 {
        %add3A_507 = arith.constant 1 : i32
        %add3A_508 = arith.addi %scan3A_220, %add3A_507 : i32
        %dma_start3A_509 = arith.constant 0 : i32
        %dma_start3A_510 = tpu.memref_slice %arg8[%add3A_508, %dma_start3A_509] : memref<4x64xi32, #tpu.memory_space<vmem>> -> memref<1x32xi32, #tpu.memory_space<vmem>>
        %dma_start3A_511 = tpu.memref_squeeze %dma_start3A_510 : memref<1x32xi32, #tpu.memory_space<vmem>> -> memref<32xi32, #tpu.memory_space<vmem>>
        %dma_start3A_512 = arith.constant 0 : i32
        %dma_start3A_513 = arith.constant 0 : i32
        %dma_start3A_514 = tpu.memref_slice %arg4[%dma_start3A_512, %dma_start3A_513] : memref<100000x768xf32, #tpu.memory_space<hbm>> -> memref<100000x768xf32, #tpu.memory_space<hbm>>
        tpu.enqueue_indirect_dma source(%dma_start3A_514 : memref<100000x768xf32, #tpu.memory_space<hbm>>) target(%arg10 : memref<32x768xf32, #tpu.memory_space<vmem>>) offsets(%dma_start3A_511 : memref<32xi32, #tpu.memory_space<vmem>>) semaphore(%arg14 : memref<!tpu.dma_semaphore, #tpu.memory_space<semaphore_mem>>)
      } else {
      }
      %get3A_382 = arith.index_cast %scan3A_220 : i32 to index
      %get3A_383 = arith.constant 32 : index
      %get3A_384 = tpu.vector_load %arg9[%get3A_382, %get3A_383] {strides = array<i32>} : memref<4x64xi32, #tpu.memory_space<vmem>>, vector<1x16xi32>,
      %get3A_385 = vector.shape_cast %get3A_384 : vector<1x16xi32> to vector<16xi32>
      %convert_element_type3A_386 = arith.sitofp %get3A_385 : vector<16xi32> to vector<16xf32>
      %slice3A_387 = vector.extract_strided_slice %convert_element_type3A_386 {offsets = [0], sizes = [1], strides = [1]} : vector<16xf32> to vector<1xf32>
      %squeeze3A_388 = vector.extract %slice3A_387[0] : f32 from vector<1xf32>
      %broadcast_in_dim3A_389 = vector.broadcast %squeeze3A_388 : f32 to vector<16xf32>
      %slice3A_390 = vector.extract_strided_slice %convert_element_type3A_386 {offsets = [1], sizes = [1], strides = [1]} : vector<16xf32> to vector<1xf32>
      %squeeze3A_391 = vector.extract %slice3A_390[0] : f32 from vector<1xf32>
      %broadcast_in_dim3A_392 = vector.broadcast %squeeze3A_391 : f32 to vector<16xf32>
      %slice3A_393 = vector.extract_strided_slice %convert_element_type3A_386 {offsets = [2], sizes = [1], strides = [1]} : vector<16xf32> to vector<1xf32>
      %squeeze3A_394 = vector.extract %slice3A_393[0] : f32 from vector<1xf32>
      %broadcast_in_dim3A_395 = vector.broadcast %squeeze3A_394 : f32 to vector<16xf32>
      %slice3A_396 = vector.extract_strided_slice %convert_element_type3A_386 {offsets = [3], sizes = [1], strides = [1]} : vector<16xf32> to vector<1xf32>
      %squeeze3A_397 = vector.extract %slice3A_396[0] : f32 from vector<1xf32>
      %broadcast_in_dim3A_398 = vector.broadcast %squeeze3A_397 : f32 to vector<16xf32>
      %slice3A_399 = vector.extract_strided_slice %convert_element_type3A_386 {offsets = [4], sizes = [1], strides = [1]} : vector<16xf32> to vector<1xf32>
      %squeeze3A_400 = vector.extract %slice3A_399[0] : f32 from vector<1xf32>
      %broadcast_in_dim3A_401 = vector.broadcast %squeeze3A_400 : f32 to vector<16xf32>
      %slice3A_402 = vector.extract_strided_slice %convert_element_type3A_386 {offsets = [5], sizes = [1], strides = [1]} : vector<16xf32> to vector<1xf32>
      %squeeze3A_403 = vector.extract %slice3A_402[0] : f32 from vector<1xf32>
      %broadcast_in_dim3A_404 = vector.broadcast %squeeze3A_403 : f32 to vector<16xf32>
      %slice3A_405 = vector.extract_strided_slice %convert_element_type3A_386 {offsets = [6], sizes = [1], strides = [1]} : vector<16xf32> to vector<1xf32>
      %squeeze3A_406 = vector.extract %slice3A_405[0] : f32 from vector<1xf32>
      %broadcast_in_dim3A_407 = vector.broadcast %squeeze3A_406 : f32 to vector<16xf32>
      %slice3A_408 = vector.extract_strided_slice %convert_element_type3A_386 {offsets = [7], sizes = [1], strides = [1]} : vector<16xf32> to vector<1xf32>
      %squeeze3A_409 = vector.extract %slice3A_408[0] : f32 from vector<1xf32>
      %broadcast_in_dim3A_410 = vector.broadcast %squeeze3A_409 : f32 to vector<16xf32>
      %slice3A_411 = vector.extract_strided_slice %convert_element_type3A_386 {offsets = [8], sizes = [1], strides = [1]} : vector<16xf32> to vector<1xf32>
      %squeeze3A_412 = vector.extract %slice3A_411[0] : f32 from vector<1xf32>
      %broadcast_in_dim3A_413 = vector.broadcast %squeeze3A_412 : f32 to vector<16xf32>
      %slice3A_414 = vector.extract_strided_slice %convert_element_type3A_386 {offsets = [9], sizes = [1], strides = [1]} : vector<16xf32> to vector<1xf32>
      %squeeze3A_415 = vector.extract %slice3A_414[0] : f32 from vector<1xf32>
      %broadcast_in_dim3A_416 = vector.broadcast %squeeze3A_415 : f32 to vector<16xf32>
      %slice3A_417 = vector.extract_strided_slice %convert_element_type3A_386 {offsets = [10], sizes = [1], strides = [1]} : vector<16xf32> to vector<1xf32>
      %squeeze3A_418 = vector.extract %slice3A_417[0] : f32 from vector<1xf32>
      %broadcast_in_dim3A_419 = vector.broadcast %squeeze3A_418 : f32 to vector<16xf32>
      %slice3A_420 = vector.extract_strided_slice %convert_element_type3A_386 {offsets = [11], sizes = [1], strides = [1]} : vector<16xf32> to vector<1xf32>
      %squeeze3A_421 = vector.extract %slice3A_420[0] : f32 from vector<1xf32>
      %broadcast_in_dim3A_422 = vector.broadcast %squeeze3A_421 : f32 to vector<16xf32>
      %slice3A_423 = vector.extract_strided_slice %convert_element_type3A_386 {offsets = [12], sizes = [1], strides = [1]} : vector<16xf32> to vector<1xf32>
      %squeeze3A_424 = vector.extract %slice3A_423[0] : f32 from vector<1xf32>
      %broadcast_in_dim3A_425 = vector.broadcast %squeeze3A_424 : f32 to vector<16xf32>
      %slice3A_426 = vector.extract_strided_slice %convert_element_type3A_386 {offsets = [13], sizes = [1], strides = [1]} : vector<16xf32> to vector<1xf32>
      %squeeze3A_427 = vector.extract %slice3A_426[0] : f32 from vector<1xf32>
      %broadcast_in_dim3A_428 = vector.broadcast %squeeze3A_427 : f32 to vector<16xf32>
      %slice3A_429 = vector.extract_strided_slice %convert_element_type3A_386 {offsets = [14], sizes = [1], strides = [1]} : vector<16xf32> to vector<1xf32>
      %squeeze3A_430 = vector.extract %slice3A_429[0] : f32 from vector<1xf32>
      %broadcast_in_dim3A_431 = vector.broadcast %squeeze3A_430 : f32 to vector<16xf32>
      %slice3A_432 = vector.extract_strided_slice %convert_element_type3A_386 {offsets = [15], sizes = [1], strides = [1]} : vector<16xf32> to vector<1xf32>
      %squeeze3A_433 = vector.extract %slice3A_432[0] : f32 from vector<1xf32>
      %broadcast_in_dim3A_434 = vector.broadcast %squeeze3A_433 : f32 to vector<16xf32>
      %scan3A_435 = arith.constant 0 : i32
      %scan3A_436 = arith.constant 48 : i32
      %scan3A_437 = arith.addi %scan3A_435, %scan3A_436 : i32
      %scan3A_438 = arith.constant 1 : i32
      scf.for %scan3A_507 = %scan3A_435 to %scan3A_437 step %scan3A_438  : i32 {
        %mul3A_508 = arith.constant 16 : i32
        %mul3A_509 = arith.muli %scan3A_507, %mul3A_508 : i32
        %get3A_510 = arith.constant 0 : i32
        %get3A_511 = arith.index_cast %get3A_510 : i32 to index
        %get3A_512 = arith.index_cast %mul3A_509 : i32 to index
        %get3A_513 = tpu.vector_load %arg13[%get3A_511, %get3A_512] {strides = array<i32>} : memref<2x768xf32, #tpu.memory_space<vmem>>, vector<1x16xf32>,
        %get3A_514 = vector.shape_cast %get3A_513 : vector<1x16xf32> to vector<16xf32>
        %get3A_515 = arith.constant 1 : i32
        %get3A_516 = arith.index_cast %get3A_515 : i32 to index
        %get3A_517 = arith.index_cast %mul3A_509 : i32 to index
        %get3A_518 = tpu.vector_load %arg13[%get3A_516, %get3A_517] {strides = array<i32>} : memref<2x768xf32, #tpu.memory_space<vmem>>, vector<1x16xf32>,
        %get3A_519 = vector.shape_cast %get3A_518 : vector<1x16xf32> to vector<16xf32>
        %sub3A = arith.subf %get3A_519, %get3A_514 : vector<16xf32>
        %get3A_520 = arith.constant 0 : i32
        %get3A_521 = arith.index_cast %get3A_520 : i32 to index
        %get3A_522 = arith.index_cast %mul3A_509 : i32 to index
        %get3A_523 = tpu.vector_load %arg11[%get3A_521, %get3A_522] {strides = array<i32>} : memref<32x768xf32, #tpu.memory_space<vmem>>, vector<1x16xf32>,
        %get3A_524 = vector.shape_cast %get3A_523 : vector<1x16xf32> to vector<16xf32>
        %get3A_525 = arith.constant 32 : i32
        %get3A_526 = arith.index_cast %get3A_525 : i32 to index
        %get3A_527 = arith.index_cast %mul3A_509 : i32 to index
        %get3A_528 = tpu.vector_load %arg12[%get3A_526, %get3A_527] {strides = array<i32>} : memref<64x768xf32, #tpu.memory_space<vmem>>, vector<1x16xf32>,
        %get3A_529 = vector.shape_cast %get3A_528 : vector<1x16xf32> to vector<16xf32>
        %add3A_530 = arith.addf %get3A_524, %get3A_529 : vector<16xf32>
        %mul3A_531 = arith.mulf %broadcast_in_dim3A_389, %sub3A : vector<16xf32>
        %add3A_532 = arith.addf %get3A_514, %mul3A_531 : vector<16xf32>
        %add3A_533 = arith.addf %add3A_530, %add3A_532 : vector<16xf32>
        %swap3A = arith.constant 0 : i32
        %swap3A_534 = arith.index_cast %swap3A : i32 to index
        %swap3A_535 = arith.index_cast %mul3A_509 : i32 to index
        %swap3A_536 = tpu.vector_load %arg11[%swap3A_534, %swap3A_535] {strides = array<i32>} : memref<32x768xf32, #tpu.memory_space<vmem>>, vector<1x16xf32>,
        %swap3A_537 = vector.shape_cast %swap3A_536 : vector<1x16xf32> to vector<16xf32>
        %swap3A_538 = vector.shape_cast %add3A_533 : vector<16xf32> to vector<1x16xf32>
        tpu.vector_store %arg11[%swap3A_534, %swap3A_535], %swap3A_538 {strides = array<i32>} : memref<32x768xf32, #tpu.memory_space<vmem>>, vector<1x16xf32>,
        %get3A_539 = arith.constant 1 : i32
        %get3A_540 = arith.index_cast %get3A_539 : i32 to index
        %get3A_541 = arith.index_cast %mul3A_509 : i32 to index
        %get3A_542 = tpu.vector_load %arg11[%get3A_540, %get3A_541] {strides = array<i32>} : memref<32x768xf32, #tpu.memory_space<vmem>>, vector<1x16xf32>,
        %get3A_543 = vector.shape_cast %get3A_542 : vector<1x16xf32> to vector<16xf32>
        %get3A_544 = arith.constant 33 : i32
        %get3A_545 = arith.index_cast %get3A_544 : i32 to index
        %get3A_546 = arith.index_cast %mul3A_509 : i32 to index
        %get3A_547 = tpu.vector_load %arg12[%get3A_545, %get3A_546] {strides = array<i32>} : memref<64x768xf32, #tpu.memory_space<vmem>>, vector<1x16xf32>,
        %get3A_548 = vector.shape_cast %get3A_547 : vector<1x16xf32> to vector<16xf32>
        %add3A_549 = arith.addf %get3A_543, %get3A_548 : vector<16xf32>
        %mul3A_550 = arith.mulf %broadcast_in_dim3A_392, %sub3A : vector<16xf32>
        %add3A_551 = arith.addf %get3A_514, %mul3A_550 : vector<16xf32>
        %add3A_552 = arith.addf %add3A_549, %add3A_551 : vector<16xf32>
        %swap3A_553 = arith.constant 1 : i32
        %swap3A_554 = arith.index_cast %swap3A_553 : i32 to index
        %swap3A_555 = arith.index_cast %mul3A_509 : i32 to index
        %swap3A_556 = tpu.vector_load %arg11[%swap3A_554, %swap3A_555] {strides = array<i32>} : memref<32x768xf32, #tpu.memory_space<vmem>>, vector<1x16xf32>,
        %swap3A_557 = vector.shape_cast %swap3A_556 : vector<1x16xf32> to vector<16xf32>
        %swap3A_558 = vector.shape_cast %add3A_552 : vector<16xf32> to vector<1x16xf32>
        tpu.vector_store %arg11[%swap3A_554, %swap3A_555], %swap3A_558 {strides = array<i32>} : memref<32x768xf32, #tpu.memory_space<vmem>>, vector<1x16xf32>,
        %get3A_559 = arith.constant 2 : i32
        %get3A_560 = arith.index_cast %get3A_559 : i32 to index
        %get3A_561 = arith.index_cast %mul3A_509 : i32 to index
        %get3A_562 = tpu.vector_load %arg11[%get3A_560, %get3A_561] {strides = array<i32>} : memref<32x768xf32, #tpu.memory_space<vmem>>, vector<1x16xf32>,
        %get3A_563 = vector.shape_cast %get3A_562 : vector<1x16xf32> to vector<16xf32>
        %get3A_564 = arith.constant 34 : i32
        %get3A_565 = arith.index_cast %get3A_564 : i32 to index
        %get3A_566 = arith.index_cast %mul3A_509 : i32 to index
        %get3A_567 = tpu.vector_load %arg12[%get3A_565, %get3A_566] {strides = array<i32>} : memref<64x768xf32, #tpu.memory_space<vmem>>, vector<1x16xf32>,
        %get3A_568 = vector.shape_cast %get3A_567 : vector<1x16xf32> to vector<16xf32>
        %add3A_569 = arith.addf %get3A_563, %get3A_568 : vector<16xf32>
        %mul3A_570 = arith.mulf %broadcast_in_dim3A_395, %sub3A : vector<16xf32>
        %add3A_571 = arith.addf %get3A_514, %mul3A_570 : vector<16xf32>
        %add3A_572 = arith.addf %add3A_569, %add3A_571 : vector<16xf32>
        %swap3A_573 = arith.constant 2 : i32
        %swap3A_574 = arith.index_cast %swap3A_573 : i32 to index
        %swap3A_575 = arith.index_cast %mul3A_509 : i32 to index
        %swap3A_576 = tpu.vector_load %arg11[%swap3A_574, %swap3A_575] {strides = array<i32>} : memref<32x768xf32, #tpu.memory_space<vmem>>, vector<1x16xf32>,
        %swap3A_577 = vector.shape_cast %swap3A_576 : vector<1x16xf32> to vector<16xf32>
        %swap3A_578 = vector.shape_cast %add3A_572 : vector<16xf32> to vector<1x16xf32>
        tpu.vector_store %arg11[%swap3A_574, %swap3A_575], %swap3A_578 {strides = array<i32>} : memref<32x768xf32, #tpu.memory_space<vmem>>, vector<1x16xf32>,
        %get3A_579 = arith.constant 3 : i32
        %get3A_580 = arith.index_cast %get3A_579 : i32 to index
        %get3A_581 = arith.index_cast %mul3A_509 : i32 to index
        %get3A_582 = tpu.vector_load %arg11[%get3A_580, %get3A_581] {strides = array<i32>} : memref<32x768xf32, #tpu.memory_space<vmem>>, vector<1x16xf32>,
        %get3A_583 = vector.shape_cast %get3A_582 : vector<1x16xf32> to vector<16xf32>
        %get3A_584 = arith.constant 35 : i32
        %get3A_585 = arith.index_cast %get3A_584 : i32 to index
        %get3A_586 = arith.index_cast %mul3A_509 : i32 to index
        %get3A_587 = tpu.vector_load %arg12[%get3A_585, %get3A_586] {strides = array<i32>} : memref<64x768xf32, #tpu.memory_space<vmem>>, vector<1x16xf32>,
        %get3A_588 = vector.shape_cast %get3A_587 : vector<1x16xf32> to vector<16xf32>
        %add3A_589 = arith.addf %get3A_583, %get3A_588 : vector<16xf32>
        %mul3A_590 = arith.mulf %broadcast_in_dim3A_398, %sub3A : vector<16xf32>
        %add3A_591 = arith.addf %get3A_514, %mul3A_590 : vector<16xf32>
        %add3A_592 = arith.addf %add3A_589, %add3A_591 : vector<16xf32>
        %swap3A_593 = arith.constant 3 : i32
        %swap3A_594 = arith.index_cast %swap3A_593 : i32 to index
        %swap3A_595 = arith.index_cast %mul3A_509 : i32 to index
        %swap3A_596 = tpu.vector_load %arg11[%swap3A_594, %swap3A_595] {strides = array<i32>} : memref<32x768xf32, #tpu.memory_space<vmem>>, vector<1x16xf32>,
        %swap3A_597 = vector.shape_cast %swap3A_596 : vector<1x16xf32> to vector<16xf32>
        %swap3A_598 = vector.shape_cast %add3A_592 : vector<16xf32> to vector<1x16xf32>
        tpu.vector_store %arg11[%swap3A_594, %swap3A_595], %swap3A_598 {strides = array<i32>} : memref<32x768xf32, #tpu.memory_space<vmem>>, vector<1x16xf32>,
        %get3A_599 = arith.constant 4 : i32
        %get3A_600 = arith.index_cast %get3A_599 : i32 to index
        %get3A_601 = arith.index_cast %mul3A_509 : i32 to index
        %get3A_602 = tpu.vector_load %arg11[%get3A_600, %get3A_601] {strides = array<i32>} : memref<32x768xf32, #tpu.memory_space<vmem>>, vector<1x16xf32>,
        %get3A_603 = vector.shape_cast %get3A_602 : vector<1x16xf32> to vector<16xf32>
        %get3A_604 = arith.constant 36 : i32
        %get3A_605 = arith.index_cast %get3A_604 : i32 to index
        %get3A_606 = arith.index_cast %mul3A_509 : i32 to index
        %get3A_607 = tpu.vector_load %arg12[%get3A_605, %get3A_606] {strides = array<i32>} : memref<64x768xf32, #tpu.memory_space<vmem>>, vector<1x16xf32>,
        %get3A_608 = vector.shape_cast %get3A_607 : vector<1x16xf32> to vector<16xf32>
        %add3A_609 = arith.addf %get3A_603, %get3A_608 : vector<16xf32>
        %mul3A_610 = arith.mulf %broadcast_in_dim3A_401, %sub3A : vector<16xf32>
        %add3A_611 = arith.addf %get3A_514, %mul3A_610 : vector<16xf32>
        %add3A_612 = arith.addf %add3A_609, %add3A_611 : vector<16xf32>
        %swap3A_613 = arith.constant 4 : i32
        %swap3A_614 = arith.index_cast %swap3A_613 : i32 to index
        %swap3A_615 = arith.index_cast %mul3A_509 : i32 to index
        %swap3A_616 = tpu.vector_load %arg11[%swap3A_614, %swap3A_615] {strides = array<i32>} : memref<32x768xf32, #tpu.memory_space<vmem>>, vector<1x16xf32>,
        %swap3A_617 = vector.shape_cast %swap3A_616 : vector<1x16xf32> to vector<16xf32>
        %swap3A_618 = vector.shape_cast %add3A_612 : vector<16xf32> to vector<1x16xf32>
        tpu.vector_store %arg11[%swap3A_614, %swap3A_615], %swap3A_618 {strides = array<i32>} : memref<32x768xf32, #tpu.memory_space<vmem>>, vector<1x16xf32>,
        %get3A_619 = arith.constant 5 : i32
        %get3A_620 = arith.index_cast %get3A_619 : i32 to index
        %get3A_621 = arith.index_cast %mul3A_509 : i32 to index
        %get3A_622 = tpu.vector_load %arg11[%get3A_620, %get3A_621] {strides = array<i32>} : memref<32x768xf32, #tpu.memory_space<vmem>>, vector<1x16xf32>,
        %get3A_623 = vector.shape_cast %get3A_622 : vector<1x16xf32> to vector<16xf32>
        %get3A_624 = arith.constant 37 : i32
        %get3A_625 = arith.index_cast %get3A_624 : i32 to index
        %get3A_626 = arith.index_cast %mul3A_509 : i32 to index
        %get3A_627 = tpu.vector_load %arg12[%get3A_625, %get3A_626] {strides = array<i32>} : memref<64x768xf32, #tpu.memory_space<vmem>>, vector<1x16xf32>,
        %get3A_628 = vector.shape_cast %get3A_627 : vector<1x16xf32> to vector<16xf32>
        %add3A_629 = arith.addf %get3A_623, %get3A_628 : vector<16xf32>
        %mul3A_630 = arith.mulf %broadcast_in_dim3A_404, %sub3A : vector<16xf32>
        %add3A_631 = arith.addf %get3A_514, %mul3A_630 : vector<16xf32>
        %add3A_632 = arith.addf %add3A_629, %add3A_631 : vector<16xf32>
        %swap3A_633 = arith.constant 5 : i32
        %swap3A_634 = arith.index_cast %swap3A_633 : i32 to index
        %swap3A_635 = arith.index_cast %mul3A_509 : i32 to index
        %swap3A_636 = tpu.vector_load %arg11[%swap3A_634, %swap3A_635] {strides = array<i32>} : memref<32x768xf32, #tpu.memory_space<vmem>>, vector<1x16xf32>,
        %swap3A_637 = vector.shape_cast %swap3A_636 : vector<1x16xf32> to vector<16xf32>
        %swap3A_638 = vector.shape_cast %add3A_632 : vector<16xf32> to vector<1x16xf32>
        tpu.vector_store %arg11[%swap3A_634, %swap3A_635], %swap3A_638 {strides = array<i32>} : memref<32x768xf32, #tpu.memory_space<vmem>>, vector<1x16xf32>,
        %get3A_639 = arith.constant 6 : i32
        %get3A_640 = arith.index_cast %get3A_639 : i32 to index
        %get3A_641 = arith.index_cast %mul3A_509 : i32 to index
        %get3A_642 = tpu.vector_load %arg11[%get3A_640, %get3A_641] {strides = array<i32>} : memref<32x768xf32, #tpu.memory_space<vmem>>, vector<1x16xf32>,
        %get3A_643 = vector.shape_cast %get3A_642 : vector<1x16xf32> to vector<16xf32>
        %get3A_644 = arith.constant 38 : i32
        %get3A_645 = arith.index_cast %get3A_644 : i32 to index
        %get3A_646 = arith.index_cast %mul3A_509 : i32 to index
        %get3A_647 = tpu.vector_load %arg12[%get3A_645, %get3A_646] {strides = array<i32>} : memref<64x768xf32, #tpu.memory_space<vmem>>, vector<1x16xf32>,
        %get3A_648 = vector.shape_cast %get3A_647 : vector<1x16xf32> to vector<16xf32>
        %add3A_649 = arith.addf %get3A_643, %get3A_648 : vector<16xf32>
        %mul3A_650 = arith.mulf %broadcast_in_dim3A_407, %sub3A : vector<16xf32>
        %add3A_651 = arith.addf %get3A_514, %mul3A_650 : vector<16xf32>
        %add3A_652 = arith.addf %add3A_649, %add3A_651 : vector<16xf32>
        %swap3A_653 = arith.constant 6 : i32
        %swap3A_654 = arith.index_cast %swap3A_653 : i32 to index
        %swap3A_655 = arith.index_cast %mul3A_509 : i32 to index
        %swap3A_656 = tpu.vector_load %arg11[%swap3A_654, %swap3A_655] {strides = array<i32>} : memref<32x768xf32, #tpu.memory_space<vmem>>, vector<1x16xf32>,
        %swap3A_657 = vector.shape_cast %swap3A_656 : vector<1x16xf32> to vector<16xf32>
        %swap3A_658 = vector.shape_cast %add3A_652 : vector<16xf32> to vector<1x16xf32>
        tpu.vector_store %arg11[%swap3A_654, %swap3A_655], %swap3A_658 {strides = array<i32>} : memref<32x768xf32, #tpu.memory_space<vmem>>, vector<1x16xf32>,
        %get3A_659 = arith.constant 7 : i32
        %get3A_660 = arith.index_cast %get3A_659 : i32 to index
        %get3A_661 = arith.index_cast %mul3A_509 : i32 to index
        %get3A_662 = tpu.vector_load %arg11[%get3A_660, %get3A_661] {strides = array<i32>} : memref<32x768xf32, #tpu.memory_space<vmem>>, vector<1x16xf32>,
        %get3A_663 = vector.shape_cast %get3A_662 : vector<1x16xf32> to vector<16xf32>
        %get3A_664 = arith.constant 39 : i32
        %get3A_665 = arith.index_cast %get3A_664 : i32 to index
        %get3A_666 = arith.index_cast %mul3A_509 : i32 to index
        %get3A_667 = tpu.vector_load %arg12[%get3A_665, %get3A_666] {strides = array<i32>} : memref<64x768xf32, #tpu.memory_space<vmem>>, vector<1x16xf32>,
        %get3A_668 = vector.shape_cast %get3A_667 : vector<1x16xf32> to vector<16xf32>
        %add3A_669 = arith.addf %get3A_663, %get3A_668 : vector<16xf32>
        %mul3A_670 = arith.mulf %broadcast_in_dim3A_410, %sub3A : vector<16xf32>
        %add3A_671 = arith.addf %get3A_514, %mul3A_670 : vector<16xf32>
        %add3A_672 = arith.addf %add3A_669, %add3A_671 : vector<16xf32>
        %swap3A_673 = arith.constant 7 : i32
        %swap3A_674 = arith.index_cast %swap3A_673 : i32 to index
        %swap3A_675 = arith.index_cast %mul3A_509 : i32 to index
        %swap3A_676 = tpu.vector_load %arg11[%swap3A_674, %swap3A_675] {strides = array<i32>} : memref<32x768xf32, #tpu.memory_space<vmem>>, vector<1x16xf32>,
        %swap3A_677 = vector.shape_cast %swap3A_676 : vector<1x16xf32> to vector<16xf32>
        %swap3A_678 = vector.shape_cast %add3A_672 : vector<16xf32> to vector<1x16xf32>
        tpu.vector_store %arg11[%swap3A_674, %swap3A_675], %swap3A_678 {strides = array<i32>} : memref<32x768xf32, #tpu.memory_space<vmem>>, vector<1x16xf32>,
        %get3A_679 = arith.constant 8 : i32
        %get3A_680 = arith.index_cast %get3A_679 : i32 to index
        %get3A_681 = arith.index_cast %mul3A_509 : i32 to index
        %get3A_682 = tpu.vector_load %arg11[%get3A_680, %get3A_681] {strides = array<i32>} : memref<32x768xf32, #tpu.memory_space<vmem>>, vector<1x16xf32>,
        %get3A_683 = vector.shape_cast %get3A_682 : vector<1x16xf32> to vector<16xf32>
        %get3A_684 = arith.constant 40 : i32
        %get3A_685 = arith.index_cast %get3A_684 : i32 to index
        %get3A_686 = arith.index_cast %mul3A_509 : i32 to index
        %get3A_687 = tpu.vector_load %arg12[%get3A_685, %get3A_686] {strides = array<i32>} : memref<64x768xf32, #tpu.memory_space<vmem>>, vector<1x16xf32>,
        %get3A_688 = vector.shape_cast %get3A_687 : vector<1x16xf32> to vector<16xf32>
        %add3A_689 = arith.addf %get3A_683, %get3A_688 : vector<16xf32>
        %mul3A_690 = arith.mulf %broadcast_in_dim3A_413, %sub3A : vector<16xf32>
        %add3A_691 = arith.addf %get3A_514, %mul3A_690 : vector<16xf32>
        %add3A_692 = arith.addf %add3A_689, %add3A_691 : vector<16xf32>
        %swap3A_693 = arith.constant 8 : i32
        %swap3A_694 = arith.index_cast %swap3A_693 : i32 to index
        %swap3A_695 = arith.index_cast %mul3A_509 : i32 to index
        %swap3A_696 = tpu.vector_load %arg11[%swap3A_694, %swap3A_695] {strides = array<i32>} : memref<32x768xf32, #tpu.memory_space<vmem>>, vector<1x16xf32>,
        %swap3A_697 = vector.shape_cast %swap3A_696 : vector<1x16xf32> to vector<16xf32>
        %swap3A_698 = vector.shape_cast %add3A_692 : vector<16xf32> to vector<1x16xf32>
        tpu.vector_store %arg11[%swap3A_694, %swap3A_695], %swap3A_698 {strides = array<i32>} : memref<32x768xf32, #tpu.memory_space<vmem>>, vector<1x16xf32>,
        %get3A_699 = arith.constant 9 : i32
        %get3A_700 = arith.index_cast %get3A_699 : i32 to index
        %get3A_701 = arith.index_cast %mul3A_509 : i32 to index
        %get3A_702 = tpu.vector_load %arg11[%get3A_700, %get3A_701] {strides = array<i32>} : memref<32x768xf32, #tpu.memory_space<vmem>>, vector<1x16xf32>,
        %get3A_703 = vector.shape_cast %get3A_702 : vector<1x16xf32> to vector<16xf32>
        %get3A_704 = arith.constant 41 : i32
        %get3A_705 = arith.index_cast %get3A_704 : i32 to index
        %get3A_706 = arith.index_cast %mul3A_509 : i32 to index
        %get3A_707 = tpu.vector_load %arg12[%get3A_705, %get3A_706] {strides = array<i32>} : memref<64x768xf32, #tpu.memory_space<vmem>>, vector<1x16xf32>,
        %get3A_708 = vector.shape_cast %get3A_707 : vector<1x16xf32> to vector<16xf32>
        %add3A_709 = arith.addf %get3A_703, %get3A_708 : vector<16xf32>
        %mul3A_710 = arith.mulf %broadcast_in_dim3A_416, %sub3A : vector<16xf32>
        %add3A_711 = arith.addf %get3A_514, %mul3A_710 : vector<16xf32>
        %add3A_712 = arith.addf %add3A_709, %add3A_711 : vector<16xf32>
        %swap3A_713 = arith.constant 9 : i32
        %swap3A_714 = arith.index_cast %swap3A_713 : i32 to index
        %swap3A_715 = arith.index_cast %mul3A_509 : i32 to index
        %swap3A_716 = tpu.vector_load %arg11[%swap3A_714, %swap3A_715] {strides = array<i32>} : memref<32x768xf32, #tpu.memory_space<vmem>>, vector<1x16xf32>,
        %swap3A_717 = vector.shape_cast %swap3A_716 : vector<1x16xf32> to vector<16xf32>
        %swap3A_718 = vector.shape_cast %add3A_712 : vector<16xf32> to vector<1x16xf32>
        tpu.vector_store %arg11[%swap3A_714, %swap3A_715], %swap3A_718 {strides = array<i32>} : memref<32x768xf32, #tpu.memory_space<vmem>>, vector<1x16xf32>,
        %get3A_719 = arith.constant 10 : i32
        %get3A_720 = arith.index_cast %get3A_719 : i32 to index
        %get3A_721 = arith.index_cast %mul3A_509 : i32 to index
        %get3A_722 = tpu.vector_load %arg11[%get3A_720, %get3A_721] {strides = array<i32>} : memref<32x768xf32, #tpu.memory_space<vmem>>, vector<1x16xf32>,
        %get3A_723 = vector.shape_cast %get3A_722 : vector<1x16xf32> to vector<16xf32>
        %get3A_724 = arith.constant 42 : i32
        %get3A_725 = arith.index_cast %get3A_724 : i32 to index
        %get3A_726 = arith.index_cast %mul3A_509 : i32 to index
        %get3A_727 = tpu.vector_load %arg12[%get3A_725, %get3A_726] {strides = array<i32>} : memref<64x768xf32, #tpu.memory_space<vmem>>, vector<1x16xf32>,
        %get3A_728 = vector.shape_cast %get3A_727 : vector<1x16xf32> to vector<16xf32>
        %add3A_729 = arith.addf %get3A_723, %get3A_728 : vector<16xf32>
        %mul3A_730 = arith.mulf %broadcast_in_dim3A_419, %sub3A : vector<16xf32>
        %add3A_731 = arith.addf %get3A_514, %mul3A_730 : vector<16xf32>
        %add3A_732 = arith.addf %add3A_729, %add3A_731 : vector<16xf32>
        %swap3A_733 = arith.constant 10 : i32
        %swap3A_734 = arith.index_cast %swap3A_733 : i32 to index
        %swap3A_735 = arith.index_cast %mul3A_509 : i32 to index
        %swap3A_736 = tpu.vector_load %arg11[%swap3A_734, %swap3A_735] {strides = array<i32>} : memref<32x768xf32, #tpu.memory_space<vmem>>, vector<1x16xf32>,
        %swap3A_737 = vector.shape_cast %swap3A_736 : vector<1x16xf32> to vector<16xf32>
        %swap3A_738 = vector.shape_cast %add3A_732 : vector<16xf32> to vector<1x16xf32>
        tpu.vector_store %arg11[%swap3A_734, %swap3A_735], %swap3A_738 {strides = array<i32>} : memref<32x768xf32, #tpu.memory_space<vmem>>, vector<1x16xf32>,
        %get3A_739 = arith.constant 11 : i32
        %get3A_740 = arith.index_cast %get3A_739 : i32 to index
        %get3A_741 = arith.index_cast %mul3A_509 : i32 to index
        %get3A_742 = tpu.vector_load %arg11[%get3A_740, %get3A_741] {strides = array<i32>} : memref<32x768xf32, #tpu.memory_space<vmem>>, vector<1x16xf32>,
        %get3A_743 = vector.shape_cast %get3A_742 : vector<1x16xf32> to vector<16xf32>
        %get3A_744 = arith.constant 43 : i32
        %get3A_745 = arith.index_cast %get3A_744 : i32 to index
        %get3A_746 = arith.index_cast %mul3A_509 : i32 to index
        %get3A_747 = tpu.vector_load %arg12[%get3A_745, %get3A_746] {strides = array<i32>} : memref<64x768xf32, #tpu.memory_space<vmem>>, vector<1x16xf32>,
        %get3A_748 = vector.shape_cast %get3A_747 : vector<1x16xf32> to vector<16xf32>
        %add3A_749 = arith.addf %get3A_743, %get3A_748 : vector<16xf32>
        %mul3A_750 = arith.mulf %broadcast_in_dim3A_422, %sub3A : vector<16xf32>
        %add3A_751 = arith.addf %get3A_514, %mul3A_750 : vector<16xf32>
        %add3A_752 = arith.addf %add3A_749, %add3A_751 : vector<16xf32>
        %swap3A_753 = arith.constant 11 : i32
        %swap3A_754 = arith.index_cast %swap3A_753 : i32 to index
        %swap3A_755 = arith.index_cast %mul3A_509 : i32 to index
        %swap3A_756 = tpu.vector_load %arg11[%swap3A_754, %swap3A_755] {strides = array<i32>} : memref<32x768xf32, #tpu.memory_space<vmem>>, vector<1x16xf32>,
        %swap3A_757 = vector.shape_cast %swap3A_756 : vector<1x16xf32> to vector<16xf32>
        %swap3A_758 = vector.shape_cast %add3A_752 : vector<16xf32> to vector<1x16xf32>
        tpu.vector_store %arg11[%swap3A_754, %swap3A_755], %swap3A_758 {strides = array<i32>} : memref<32x768xf32, #tpu.memory_space<vmem>>, vector<1x16xf32>,
        %get3A_759 = arith.constant 12 : i32
        %get3A_760 = arith.index_cast %get3A_759 : i32 to index
        %get3A_761 = arith.index_cast %mul3A_509 : i32 to index
        %get3A_762 = tpu.vector_load %arg11[%get3A_760, %get3A_761] {strides = array<i32>} : memref<32x768xf32, #tpu.memory_space<vmem>>, vector<1x16xf32>,
        %get3A_763 = vector.shape_cast %get3A_762 : vector<1x16xf32> to vector<16xf32>
        %get3A_764 = arith.constant 44 : i32
        %get3A_765 = arith.index_cast %get3A_764 : i32 to index
        %get3A_766 = arith.index_cast %mul3A_509 : i32 to index
        %get3A_767 = tpu.vector_load %arg12[%get3A_765, %get3A_766] {strides = array<i32>} : memref<64x768xf32, #tpu.memory_space<vmem>>, vector<1x16xf32>,
        %get3A_768 = vector.shape_cast %get3A_767 : vector<1x16xf32> to vector<16xf32>
        %add3A_769 = arith.addf %get3A_763, %get3A_768 : vector<16xf32>
        %mul3A_770 = arith.mulf %broadcast_in_dim3A_425, %sub3A : vector<16xf32>
        %add3A_771 = arith.addf %get3A_514, %mul3A_770 : vector<16xf32>
        %add3A_772 = arith.addf %add3A_769, %add3A_771 : vector<16xf32>
        %swap3A_773 = arith.constant 12 : i32
        %swap3A_774 = arith.index_cast %swap3A_773 : i32 to index
        %swap3A_775 = arith.index_cast %mul3A_509 : i32 to index
        %swap3A_776 = tpu.vector_load %arg11[%swap3A_774, %swap3A_775] {strides = array<i32>} : memref<32x768xf32, #tpu.memory_space<vmem>>, vector<1x16xf32>,
        %swap3A_777 = vector.shape_cast %swap3A_776 : vector<1x16xf32> to vector<16xf32>
        %swap3A_778 = vector.shape_cast %add3A_772 : vector<16xf32> to vector<1x16xf32>
        tpu.vector_store %arg11[%swap3A_774, %swap3A_775], %swap3A_778 {strides = array<i32>} : memref<32x768xf32, #tpu.memory_space<vmem>>, vector<1x16xf32>,
        %get3A_779 = arith.constant 13 : i32
        %get3A_780 = arith.index_cast %get3A_779 : i32 to index
        %get3A_781 = arith.index_cast %mul3A_509 : i32 to index
        %get3A_782 = tpu.vector_load %arg11[%get3A_780, %get3A_781] {strides = array<i32>} : memref<32x768xf32, #tpu.memory_space<vmem>>, vector<1x16xf32>,
        %get3A_783 = vector.shape_cast %get3A_782 : vector<1x16xf32> to vector<16xf32>
        %get3A_784 = arith.constant 45 : i32
        %get3A_785 = arith.index_cast %get3A_784 : i32 to index
        %get3A_786 = arith.index_cast %mul3A_509 : i32 to index
        %get3A_787 = tpu.vector_load %arg12[%get3A_785, %get3A_786] {strides = array<i32>} : memref<64x768xf32, #tpu.memory_space<vmem>>, vector<1x16xf32>,
        %get3A_788 = vector.shape_cast %get3A_787 : vector<1x16xf32> to vector<16xf32>
        %add3A_789 = arith.addf %get3A_783, %get3A_788 : vector<16xf32>
        %mul3A_790 = arith.mulf %broadcast_in_dim3A_428, %sub3A : vector<16xf32>
        %add3A_791 = arith.addf %get3A_514, %mul3A_790 : vector<16xf32>
        %add3A_792 = arith.addf %add3A_789, %add3A_791 : vector<16xf32>
        %swap3A_793 = arith.constant 13 : i32
        %swap3A_794 = arith.index_cast %swap3A_793 : i32 to index
        %swap3A_795 = arith.index_cast %mul3A_509 : i32 to index
        %swap3A_796 = tpu.vector_load %arg11[%swap3A_794, %swap3A_795] {strides = array<i32>} : memref<32x768xf32, #tpu.memory_space<vmem>>, vector<1x16xf32>,
        %swap3A_797 = vector.shape_cast %swap3A_796 : vector<1x16xf32> to vector<16xf32>
        %swap3A_798 = vector.shape_cast %add3A_792 : vector<16xf32> to vector<1x16xf32>
        tpu.vector_store %arg11[%swap3A_794, %swap3A_795], %swap3A_798 {strides = array<i32>} : memref<32x768xf32, #tpu.memory_space<vmem>>, vector<1x16xf32>,
        %get3A_799 = arith.constant 14 : i32
        %get3A_800 = arith.index_cast %get3A_799 : i32 to index
        %get3A_801 = arith.index_cast %mul3A_509 : i32 to index
        %get3A_802 = tpu.vector_load %arg11[%get3A_800, %get3A_801] {strides = array<i32>} : memref<32x768xf32, #tpu.memory_space<vmem>>, vector<1x16xf32>,
        %get3A_803 = vector.shape_cast %get3A_802 : vector<1x16xf32> to vector<16xf32>
        %get3A_804 = arith.constant 46 : i32
        %get3A_805 = arith.index_cast %get3A_804 : i32 to index
        %get3A_806 = arith.index_cast %mul3A_509 : i32 to index
        %get3A_807 = tpu.vector_load %arg12[%get3A_805, %get3A_806] {strides = array<i32>} : memref<64x768xf32, #tpu.memory_space<vmem>>, vector<1x16xf32>,
        %get3A_808 = vector.shape_cast %get3A_807 : vector<1x16xf32> to vector<16xf32>
        %add3A_809 = arith.addf %get3A_803, %get3A_808 : vector<16xf32>
        %mul3A_810 = arith.mulf %broadcast_in_dim3A_431, %sub3A : vector<16xf32>
        %add3A_811 = arith.addf %get3A_514, %mul3A_810 : vector<16xf32>
        %add3A_812 = arith.addf %add3A_809, %add3A_811 : vector<16xf32>
        %swap3A_813 = arith.constant 14 : i32
        %swap3A_814 = arith.index_cast %swap3A_813 : i32 to index
        %swap3A_815 = arith.index_cast %mul3A_509 : i32 to index
        %swap3A_816 = tpu.vector_load %arg11[%swap3A_814, %swap3A_815] {strides = array<i32>} : memref<32x768xf32, #tpu.memory_space<vmem>>, vector<1x16xf32>,
        %swap3A_817 = vector.shape_cast %swap3A_816 : vector<1x16xf32> to vector<16xf32>
        %swap3A_818 = vector.shape_cast %add3A_812 : vector<16xf32> to vector<1x16xf32>
        tpu.vector_store %arg11[%swap3A_814, %swap3A_815], %swap3A_818 {strides = array<i32>} : memref<32x768xf32, #tpu.memory_space<vmem>>, vector<1x16xf32>,
        %get3A_819 = arith.constant 15 : i32
        %get3A_820 = arith.index_cast %get3A_819 : i32 to index
        %get3A_821 = arith.index_cast %mul3A_509 : i32 to index
        %get3A_822 = tpu.vector_load %arg11[%get3A_820, %get3A_821] {strides = array<i32>} : memref<32x768xf32, #tpu.memory_space<vmem>>, vector<1x16xf32>,
        %get3A_823 = vector.shape_cast %get3A_822 : vector<1x16xf32> to vector<16xf32>
        %get3A_824 = arith.constant 47 : i32
        %get3A_825 = arith.index_cast %get3A_824 : i32 to index
        %get3A_826 = arith.index_cast %mul3A_509 : i32 to index
        %get3A_827 = tpu.vector_load %arg12[%get3A_825, %get3A_826] {strides = array<i32>} : memref<64x768xf32, #tpu.memory_space<vmem>>, vector<1x16xf32>,
        %get3A_828 = vector.shape_cast %get3A_827 : vector<1x16xf32> to vector<16xf32>
        %add3A_829 = arith.addf %get3A_823, %get3A_828 : vector<16xf32>
        %mul3A_830 = arith.mulf %broadcast_in_dim3A_434, %sub3A : vector<16xf32>
        %add3A_831 = arith.addf %get3A_514, %mul3A_830 : vector<16xf32>
        %add3A_832 = arith.addf %add3A_829, %add3A_831 : vector<16xf32>
        %swap3A_833 = arith.constant 15 : i32
        %swap3A_834 = arith.index_cast %swap3A_833 : i32 to index
        %swap3A_835 = arith.index_cast %mul3A_509 : i32 to index
        %swap3A_836 = tpu.vector_load %arg11[%swap3A_834, %swap3A_835] {strides = array<i32>} : memref<32x768xf32, #tpu.memory_space<vmem>>, vector<1x16xf32>,
        %swap3A_837 = vector.shape_cast %swap3A_836 : vector<1x16xf32> to vector<16xf32>
        %swap3A_838 = vector.shape_cast %add3A_832 : vector<16xf32> to vector<1x16xf32>
        tpu.vector_store %arg11[%swap3A_834, %swap3A_835], %swap3A_838 {strides = array<i32>} : memref<32x768xf32, #tpu.memory_space<vmem>>, vector<1x16xf32>,
      }
      %scan3A_439 = arith.constant 48 : i32
      %get3A_440 = arith.index_cast %scan3A_220 : i32 to index
      %get3A_441 = arith.constant 48 : index
      %get3A_442 = tpu.vector_load %arg9[%get3A_440, %get3A_441] {strides = array<i32>} : memref<4x64xi32, #tpu.memory_space<vmem>>, vector<1x16xi32>,
      %get3A_443 = vector.shape_cast %get3A_442 : vector<1x16xi32> to vector<16xi32>
      %convert_element_type3A_444 = arith.sitofp %get3A_443 : vector<16xi32> to vector<16xf32>
      %slice3A_445 = vector.extract_strided_slice %convert_element_type3A_444 {offsets = [0], sizes = [1], strides = [1]} : vector<16xf32> to vector<1xf32>
      %squeeze3A_446 = vector.extract %slice3A_445[0] : f32 from vector<1xf32>
      %broadcast_in_dim3A_447 = vector.broadcast %squeeze3A_446 : f32 to vector<16xf32>
      %slice3A_448 = vector.extract_strided_slice %convert_element_type3A_444 {offsets = [1], sizes = [1], strides = [1]} : vector<16xf32> to vector<1xf32>
      %squeeze3A_449 = vector.extract %slice3A_448[0] : f32 from vector<1xf32>
      %broadcast_in_dim3A_450 = vector.broadcast %squeeze3A_449 : f32 to vector<16xf32>
      %slice3A_451 = vector.extract_strided_slice %convert_element_type3A_444 {offsets = [2], sizes = [1], strides = [1]} : vector<16xf32> to vector<1xf32>
      %squeeze3A_452 = vector.extract %slice3A_451[0] : f32 from vector<1xf32>
      %broadcast_in_dim3A_453 = vector.broadcast %squeeze3A_452 : f32 to vector<16xf32>
      %slice3A_454 = vector.extract_strided_slice %convert_element_type3A_444 {offsets = [3], sizes = [1], strides = [1]} : vector<16xf32> to vector<1xf32>
      %squeeze3A_455 = vector.extract %slice3A_454[0] : f32 from vector<1xf32>
      %broadcast_in_dim3A_456 = vector.broadcast %squeeze3A_455 : f32 to vector<16xf32>
      %slice3A_457 = vector.extract_strided_slice %convert_element_type3A_444 {offsets = [4], sizes = [1], strides = [1]} : vector<16xf32> to vector<1xf32>
      %squeeze3A_458 = vector.extract %slice3A_457[0] : f32 from vector<1xf32>
      %broadcast_in_dim3A_459 = vector.broadcast %squeeze3A_458 : f32 to vector<16xf32>
      %slice3A_460 = vector.extract_strided_slice %convert_element_type3A_444 {offsets = [5], sizes = [1], strides = [1]} : vector<16xf32> to vector<1xf32>
      %squeeze3A_461 = vector.extract %slice3A_460[0] : f32 from vector<1xf32>
      %broadcast_in_dim3A_462 = vector.broadcast %squeeze3A_461 : f32 to vector<16xf32>
      %slice3A_463 = vector.extract_strided_slice %convert_element_type3A_444 {offsets = [6], sizes = [1], strides = [1]} : vector<16xf32> to vector<1xf32>
      %squeeze3A_464 = vector.extract %slice3A_463[0] : f32 from vector<1xf32>
      %broadcast_in_dim3A_465 = vector.broadcast %squeeze3A_464 : f32 to vector<16xf32>
      %slice3A_466 = vector.extract_strided_slice %convert_element_type3A_444 {offsets = [7], sizes = [1], strides = [1]} : vector<16xf32> to vector<1xf32>
      %squeeze3A_467 = vector.extract %slice3A_466[0] : f32 from vector<1xf32>
      %broadcast_in_dim3A_468 = vector.broadcast %squeeze3A_467 : f32 to vector<16xf32>
      %slice3A_469 = vector.extract_strided_slice %convert_element_type3A_444 {offsets = [8], sizes = [1], strides = [1]} : vector<16xf32> to vector<1xf32>
      %squeeze3A_470 = vector.extract %slice3A_469[0] : f32 from vector<1xf32>
      %broadcast_in_dim3A_471 = vector.broadcast %squeeze3A_470 : f32 to vector<16xf32>
      %slice3A_472 = vector.extract_strided_slice %convert_element_type3A_444 {offsets = [9], sizes = [1], strides = [1]} : vector<16xf32> to vector<1xf32>
      %squeeze3A_473 = vector.extract %slice3A_472[0] : f32 from vector<1xf32>
      %broadcast_in_dim3A_474 = vector.broadcast %squeeze3A_473 : f32 to vector<16xf32>
      %slice3A_475 = vector.extract_strided_slice %convert_element_type3A_444 {offsets = [10], sizes = [1], strides = [1]} : vector<16xf32> to vector<1xf32>
      %squeeze3A_476 = vector.extract %slice3A_475[0] : f32 from vector<1xf32>
      %broadcast_in_dim3A_477 = vector.broadcast %squeeze3A_476 : f32 to vector<16xf32>
      %slice3A_478 = vector.extract_strided_slice %convert_element_type3A_444 {offsets = [11], sizes = [1], strides = [1]} : vector<16xf32> to vector<1xf32>
      %squeeze3A_479 = vector.extract %slice3A_478[0] : f32 from vector<1xf32>
      %broadcast_in_dim3A_480 = vector.broadcast %squeeze3A_479 : f32 to vector<16xf32>
      %slice3A_481 = vector.extract_strided_slice %convert_element_type3A_444 {offsets = [12], sizes = [1], strides = [1]} : vector<16xf32> to vector<1xf32>
      %squeeze3A_482 = vector.extract %slice3A_481[0] : f32 from vector<1xf32>
      %broadcast_in_dim3A_483 = vector.broadcast %squeeze3A_482 : f32 to vector<16xf32>
      %slice3A_484 = vector.extract_strided_slice %convert_element_type3A_444 {offsets = [13], sizes = [1], strides = [1]} : vector<16xf32> to vector<1xf32>
      %squeeze3A_485 = vector.extract %slice3A_484[0] : f32 from vector<1xf32>
      %broadcast_in_dim3A_486 = vector.broadcast %squeeze3A_485 : f32 to vector<16xf32>
      %slice3A_487 = vector.extract_strided_slice %convert_element_type3A_444 {offsets = [14], sizes = [1], strides = [1]} : vector<16xf32> to vector<1xf32>
      %squeeze3A_488 = vector.extract %slice3A_487[0] : f32 from vector<1xf32>
      %broadcast_in_dim3A_489 = vector.broadcast %squeeze3A_488 : f32 to vector<16xf32>
      %slice3A_490 = vector.extract_strided_slice %convert_element_type3A_444 {offsets = [15], sizes = [1], strides = [1]} : vector<16xf32> to vector<1xf32>
      %squeeze3A_491 = vector.extract %slice3A_490[0] : f32 from vector<1xf32>
      %broadcast_in_dim3A_492 = vector.broadcast %squeeze3A_491 : f32 to vector<16xf32>
      %scan3A_493 = arith.constant 0 : i32
      %scan3A_494 = arith.constant 48 : i32
      %scan3A_495 = arith.addi %scan3A_493, %scan3A_494 : i32
      %scan3A_496 = arith.constant 1 : i32
      scf.for %scan3A_507 = %scan3A_493 to %scan3A_495 step %scan3A_496  : i32 {
        %mul3A_508 = arith.constant 16 : i32
        %mul3A_509 = arith.muli %scan3A_507, %mul3A_508 : i32
        %get3A_510 = arith.constant 0 : i32
        %get3A_511 = arith.index_cast %get3A_510 : i32 to index
        %get3A_512 = arith.index_cast %mul3A_509 : i32 to index
        %get3A_513 = tpu.vector_load %arg13[%get3A_511, %get3A_512] {strides = array<i32>} : memref<2x768xf32, #tpu.memory_space<vmem>>, vector<1x16xf32>,
        %get3A_514 = vector.shape_cast %get3A_513 : vector<1x16xf32> to vector<16xf32>
        %get3A_515 = arith.constant 1 : i32
        %get3A_516 = arith.index_cast %get3A_515 : i32 to index
        %get3A_517 = arith.index_cast %mul3A_509 : i32 to index
        %get3A_518 = tpu.vector_load %arg13[%get3A_516, %get3A_517] {strides = array<i32>} : memref<2x768xf32, #tpu.memory_space<vmem>>, vector<1x16xf32>,
        %get3A_519 = vector.shape_cast %get3A_518 : vector<1x16xf32> to vector<16xf32>
        %sub3A = arith.subf %get3A_519, %get3A_514 : vector<16xf32>
        %get3A_520 = arith.constant 16 : i32
        %get3A_521 = arith.index_cast %get3A_520 : i32 to index
        %get3A_522 = arith.index_cast %mul3A_509 : i32 to index
        %get3A_523 = tpu.vector_load %arg11[%get3A_521, %get3A_522] {strides = array<i32>} : memref<32x768xf32, #tpu.memory_space<vmem>>, vector<1x16xf32>,
        %get3A_524 = vector.shape_cast %get3A_523 : vector<1x16xf32> to vector<16xf32>
        %get3A_525 = arith.constant 48 : i32
        %get3A_526 = arith.index_cast %get3A_525 : i32 to index
        %get3A_527 = arith.index_cast %mul3A_509 : i32 to index
        %get3A_528 = tpu.vector_load %arg12[%get3A_526, %get3A_527] {strides = array<i32>} : memref<64x768xf32, #tpu.memory_space<vmem>>, vector<1x16xf32>,
        %get3A_529 = vector.shape_cast %get3A_528 : vector<1x16xf32> to vector<16xf32>
        %add3A_530 = arith.addf %get3A_524, %get3A_529 : vector<16xf32>
        %mul3A_531 = arith.mulf %broadcast_in_dim3A_447, %sub3A : vector<16xf32>
        %add3A_532 = arith.addf %get3A_514, %mul3A_531 : vector<16xf32>
        %add3A_533 = arith.addf %add3A_530, %add3A_532 : vector<16xf32>
        %swap3A = arith.constant 16 : i32
        %swap3A_534 = arith.index_cast %swap3A : i32 to index
        %swap3A_535 = arith.index_cast %mul3A_509 : i32 to index
        %swap3A_536 = tpu.vector_load %arg11[%swap3A_534, %swap3A_535] {strides = array<i32>} : memref<32x768xf32, #tpu.memory_space<vmem>>, vector<1x16xf32>,
        %swap3A_537 = vector.shape_cast %swap3A_536 : vector<1x16xf32> to vector<16xf32>
        %swap3A_538 = vector.shape_cast %add3A_533 : vector<16xf32> to vector<1x16xf32>
        tpu.vector_store %arg11[%swap3A_534, %swap3A_535], %swap3A_538 {strides = array<i32>} : memref<32x768xf32, #tpu.memory_space<vmem>>, vector<1x16xf32>,
        %get3A_539 = arith.constant 17 : i32
        %get3A_540 = arith.index_cast %get3A_539 : i32 to index
        %get3A_541 = arith.index_cast %mul3A_509 : i32 to index
        %get3A_542 = tpu.vector_load %arg11[%get3A_540, %get3A_541] {strides = array<i32>} : memref<32x768xf32, #tpu.memory_space<vmem>>, vector<1x16xf32>,
        %get3A_543 = vector.shape_cast %get3A_542 : vector<1x16xf32> to vector<16xf32>
        %get3A_544 = arith.constant 49 : i32
        %get3A_545 = arith.index_cast %get3A_544 : i32 to index
        %get3A_546 = arith.index_cast %mul3A_509 : i32 to index
        %get3A_547 = tpu.vector_load %arg12[%get3A_545, %get3A_546] {strides = array<i32>} : memref<64x768xf32, #tpu.memory_space<vmem>>, vector<1x16xf32>,
        %get3A_548 = vector.shape_cast %get3A_547 : vector<1x16xf32> to vector<16xf32>
        %add3A_549 = arith.addf %get3A_543, %get3A_548 : vector<16xf32>
        %mul3A_550 = arith.mulf %broadcast_in_dim3A_450, %sub3A : vector<16xf32>
        %add3A_551 = arith.addf %get3A_514, %mul3A_550 : vector<16xf32>
        %add3A_552 = arith.addf %add3A_549, %add3A_551 : vector<16xf32>
        %swap3A_553 = arith.constant 17 : i32
        %swap3A_554 = arith.index_cast %swap3A_553 : i32 to index
        %swap3A_555 = arith.index_cast %mul3A_509 : i32 to index
        %swap3A_556 = tpu.vector_load %arg11[%swap3A_554, %swap3A_555] {strides = array<i32>} : memref<32x768xf32, #tpu.memory_space<vmem>>, vector<1x16xf32>,
        %swap3A_557 = vector.shape_cast %swap3A_556 : vector<1x16xf32> to vector<16xf32>
        %swap3A_558 = vector.shape_cast %add3A_552 : vector<16xf32> to vector<1x16xf32>
        tpu.vector_store %arg11[%swap3A_554, %swap3A_555], %swap3A_558 {strides = array<i32>} : memref<32x768xf32, #tpu.memory_space<vmem>>, vector<1x16xf32>,
        %get3A_559 = arith.constant 18 : i32
        %get3A_560 = arith.index_cast %get3A_559 : i32 to index
        %get3A_561 = arith.index_cast %mul3A_509 : i32 to index
        %get3A_562 = tpu.vector_load %arg11[%get3A_560, %get3A_561] {strides = array<i32>} : memref<32x768xf32, #tpu.memory_space<vmem>>, vector<1x16xf32>,
        %get3A_563 = vector.shape_cast %get3A_562 : vector<1x16xf32> to vector<16xf32>
        %get3A_564 = arith.constant 50 : i32
        %get3A_565 = arith.index_cast %get3A_564 : i32 to index
        %get3A_566 = arith.index_cast %mul3A_509 : i32 to index
        %get3A_567 = tpu.vector_load %arg12[%get3A_565, %get3A_566] {strides = array<i32>} : memref<64x768xf32, #tpu.memory_space<vmem>>, vector<1x16xf32>,
        %get3A_568 = vector.shape_cast %get3A_567 : vector<1x16xf32> to vector<16xf32>
        %add3A_569 = arith.addf %get3A_563, %get3A_568 : vector<16xf32>
        %mul3A_570 = arith.mulf %broadcast_in_dim3A_453, %sub3A : vector<16xf32>
        %add3A_571 = arith.addf %get3A_514, %mul3A_570 : vector<16xf32>
        %add3A_572 = arith.addf %add3A_569, %add3A_571 : vector<16xf32>
        %swap3A_573 = arith.constant 18 : i32
        %swap3A_574 = arith.index_cast %swap3A_573 : i32 to index
        %swap3A_575 = arith.index_cast %mul3A_509 : i32 to index
        %swap3A_576 = tpu.vector_load %arg11[%swap3A_574, %swap3A_575] {strides = array<i32>} : memref<32x768xf32, #tpu.memory_space<vmem>>, vector<1x16xf32>,
        %swap3A_577 = vector.shape_cast %swap3A_576 : vector<1x16xf32> to vector<16xf32>
        %swap3A_578 = vector.shape_cast %add3A_572 : vector<16xf32> to vector<1x16xf32>
        tpu.vector_store %arg11[%swap3A_574, %swap3A_575], %swap3A_578 {strides = array<i32>} : memref<32x768xf32, #tpu.memory_space<vmem>>, vector<1x16xf32>,
        %get3A_579 = arith.constant 19 : i32
        %get3A_580 = arith.index_cast %get3A_579 : i32 to index
        %get3A_581 = arith.index_cast %mul3A_509 : i32 to index
        %get3A_582 = tpu.vector_load %arg11[%get3A_580, %get3A_581] {strides = array<i32>} : memref<32x768xf32, #tpu.memory_space<vmem>>, vector<1x16xf32>,
        %get3A_583 = vector.shape_cast %get3A_582 : vector<1x16xf32> to vector<16xf32>
        %get3A_584 = arith.constant 51 : i32
        %get3A_585 = arith.index_cast %get3A_584 : i32 to index
        %get3A_586 = arith.index_cast %mul3A_509 : i32 to index
        %get3A_587 = tpu.vector_load %arg12[%get3A_585, %get3A_586] {strides = array<i32>} : memref<64x768xf32, #tpu.memory_space<vmem>>, vector<1x16xf32>,
        %get3A_588 = vector.shape_cast %get3A_587 : vector<1x16xf32> to vector<16xf32>
        %add3A_589 = arith.addf %get3A_583, %get3A_588 : vector<16xf32>
        %mul3A_590 = arith.mulf %broadcast_in_dim3A_456, %sub3A : vector<16xf32>
        %add3A_591 = arith.addf %get3A_514, %mul3A_590 : vector<16xf32>
        %add3A_592 = arith.addf %add3A_589, %add3A_591 : vector<16xf32>
        %swap3A_593 = arith.constant 19 : i32
        %swap3A_594 = arith.index_cast %swap3A_593 : i32 to index
        %swap3A_595 = arith.index_cast %mul3A_509 : i32 to index
        %swap3A_596 = tpu.vector_load %arg11[%swap3A_594, %swap3A_595] {strides = array<i32>} : memref<32x768xf32, #tpu.memory_space<vmem>>, vector<1x16xf32>,
        %swap3A_597 = vector.shape_cast %swap3A_596 : vector<1x16xf32> to vector<16xf32>
        %swap3A_598 = vector.shape_cast %add3A_592 : vector<16xf32> to vector<1x16xf32>
        tpu.vector_store %arg11[%swap3A_594, %swap3A_595], %swap3A_598 {strides = array<i32>} : memref<32x768xf32, #tpu.memory_space<vmem>>, vector<1x16xf32>,
        %get3A_599 = arith.constant 20 : i32
        %get3A_600 = arith.index_cast %get3A_599 : i32 to index
        %get3A_601 = arith.index_cast %mul3A_509 : i32 to index
        %get3A_602 = tpu.vector_load %arg11[%get3A_600, %get3A_601] {strides = array<i32>} : memref<32x768xf32, #tpu.memory_space<vmem>>, vector<1x16xf32>,
        %get3A_603 = vector.shape_cast %get3A_602 : vector<1x16xf32> to vector<16xf32>
        %get3A_604 = arith.constant 52 : i32
        %get3A_605 = arith.index_cast %get3A_604 : i32 to index
        %get3A_606 = arith.index_cast %mul3A_509 : i32 to index
        %get3A_607 = tpu.vector_load %arg12[%get3A_605, %get3A_606] {strides = array<i32>} : memref<64x768xf32, #tpu.memory_space<vmem>>, vector<1x16xf32>,
        %get3A_608 = vector.shape_cast %get3A_607 : vector<1x16xf32> to vector<16xf32>
        %add3A_609 = arith.addf %get3A_603, %get3A_608 : vector<16xf32>
        %mul3A_610 = arith.mulf %broadcast_in_dim3A_459, %sub3A : vector<16xf32>
        %add3A_611 = arith.addf %get3A_514, %mul3A_610 : vector<16xf32>
        %add3A_612 = arith.addf %add3A_609, %add3A_611 : vector<16xf32>
        %swap3A_613 = arith.constant 20 : i32
        %swap3A_614 = arith.index_cast %swap3A_613 : i32 to index
        %swap3A_615 = arith.index_cast %mul3A_509 : i32 to index
        %swap3A_616 = tpu.vector_load %arg11[%swap3A_614, %swap3A_615] {strides = array<i32>} : memref<32x768xf32, #tpu.memory_space<vmem>>, vector<1x16xf32>,
        %swap3A_617 = vector.shape_cast %swap3A_616 : vector<1x16xf32> to vector<16xf32>
        %swap3A_618 = vector.shape_cast %add3A_612 : vector<16xf32> to vector<1x16xf32>
        tpu.vector_store %arg11[%swap3A_614, %swap3A_615], %swap3A_618 {strides = array<i32>} : memref<32x768xf32, #tpu.memory_space<vmem>>, vector<1x16xf32>,
        %get3A_619 = arith.constant 21 : i32
        %get3A_620 = arith.index_cast %get3A_619 : i32 to index
        %get3A_621 = arith.index_cast %mul3A_509 : i32 to index
        %get3A_622 = tpu.vector_load %arg11[%get3A_620, %get3A_621] {strides = array<i32>} : memref<32x768xf32, #tpu.memory_space<vmem>>, vector<1x16xf32>,
        %get3A_623 = vector.shape_cast %get3A_622 : vector<1x16xf32> to vector<16xf32>
        %get3A_624 = arith.constant 53 : i32
        %get3A_625 = arith.index_cast %get3A_624 : i32 to index
        %get3A_626 = arith.index_cast %mul3A_509 : i32 to index
        %get3A_627 = tpu.vector_load %arg12[%get3A_625, %get3A_626] {strides = array<i32>} : memref<64x768xf32, #tpu.memory_space<vmem>>, vector<1x16xf32>,
        %get3A_628 = vector.shape_cast %get3A_627 : vector<1x16xf32> to vector<16xf32>
        %add3A_629 = arith.addf %get3A_623, %get3A_628 : vector<16xf32>
        %mul3A_630 = arith.mulf %broadcast_in_dim3A_462, %sub3A : vector<16xf32>
        %add3A_631 = arith.addf %get3A_514, %mul3A_630 : vector<16xf32>
        %add3A_632 = arith.addf %add3A_629, %add3A_631 : vector<16xf32>
        %swap3A_633 = arith.constant 21 : i32
        %swap3A_634 = arith.index_cast %swap3A_633 : i32 to index
        %swap3A_635 = arith.index_cast %mul3A_509 : i32 to index
        %swap3A_636 = tpu.vector_load %arg11[%swap3A_634, %swap3A_635] {strides = array<i32>} : memref<32x768xf32, #tpu.memory_space<vmem>>, vector<1x16xf32>,
        %swap3A_637 = vector.shape_cast %swap3A_636 : vector<1x16xf32> to vector<16xf32>
        %swap3A_638 = vector.shape_cast %add3A_632 : vector<16xf32> to vector<1x16xf32>
        tpu.vector_store %arg11[%swap3A_634, %swap3A_635], %swap3A_638 {strides = array<i32>} : memref<32x768xf32, #tpu.memory_space<vmem>>, vector<1x16xf32>,
        %get3A_639 = arith.constant 22 : i32
        %get3A_640 = arith.index_cast %get3A_639 : i32 to index
        %get3A_641 = arith.index_cast %mul3A_509 : i32 to index
        %get3A_642 = tpu.vector_load %arg11[%get3A_640, %get3A_641] {strides = array<i32>} : memref<32x768xf32, #tpu.memory_space<vmem>>, vector<1x16xf32>,
        %get3A_643 = vector.shape_cast %get3A_642 : vector<1x16xf32> to vector<16xf32>
        %get3A_644 = arith.constant 54 : i32
        %get3A_645 = arith.index_cast %get3A_644 : i32 to index
        %get3A_646 = arith.index_cast %mul3A_509 : i32 to index
        %get3A_647 = tpu.vector_load %arg12[%get3A_645, %get3A_646] {strides = array<i32>} : memref<64x768xf32, #tpu.memory_space<vmem>>, vector<1x16xf32>,
        %get3A_648 = vector.shape_cast %get3A_647 : vector<1x16xf32> to vector<16xf32>
        %add3A_649 = arith.addf %get3A_643, %get3A_648 : vector<16xf32>
        %mul3A_650 = arith.mulf %broadcast_in_dim3A_465, %sub3A : vector<16xf32>
        %add3A_651 = arith.addf %get3A_514, %mul3A_650 : vector<16xf32>
        %add3A_652 = arith.addf %add3A_649, %add3A_651 : vector<16xf32>
        %swap3A_653 = arith.constant 22 : i32
        %swap3A_654 = arith.index_cast %swap3A_653 : i32 to index
        %swap3A_655 = arith.index_cast %mul3A_509 : i32 to index
        %swap3A_656 = tpu.vector_load %arg11[%swap3A_654, %swap3A_655] {strides = array<i32>} : memref<32x768xf32, #tpu.memory_space<vmem>>, vector<1x16xf32>,
        %swap3A_657 = vector.shape_cast %swap3A_656 : vector<1x16xf32> to vector<16xf32>
        %swap3A_658 = vector.shape_cast %add3A_652 : vector<16xf32> to vector<1x16xf32>
        tpu.vector_store %arg11[%swap3A_654, %swap3A_655], %swap3A_658 {strides = array<i32>} : memref<32x768xf32, #tpu.memory_space<vmem>>, vector<1x16xf32>,
        %get3A_659 = arith.constant 23 : i32
        %get3A_660 = arith.index_cast %get3A_659 : i32 to index
        %get3A_661 = arith.index_cast %mul3A_509 : i32 to index
        %get3A_662 = tpu.vector_load %arg11[%get3A_660, %get3A_661] {strides = array<i32>} : memref<32x768xf32, #tpu.memory_space<vmem>>, vector<1x16xf32>,
        %get3A_663 = vector.shape_cast %get3A_662 : vector<1x16xf32> to vector<16xf32>
        %get3A_664 = arith.constant 55 : i32
        %get3A_665 = arith.index_cast %get3A_664 : i32 to index
        %get3A_666 = arith.index_cast %mul3A_509 : i32 to index
        %get3A_667 = tpu.vector_load %arg12[%get3A_665, %get3A_666] {strides = array<i32>} : memref<64x768xf32, #tpu.memory_space<vmem>>, vector<1x16xf32>,
        %get3A_668 = vector.shape_cast %get3A_667 : vector<1x16xf32> to vector<16xf32>
        %add3A_669 = arith.addf %get3A_663, %get3A_668 : vector<16xf32>
        %mul3A_670 = arith.mulf %broadcast_in_dim3A_468, %sub3A : vector<16xf32>
        %add3A_671 = arith.addf %get3A_514, %mul3A_670 : vector<16xf32>
        %add3A_672 = arith.addf %add3A_669, %add3A_671 : vector<16xf32>
        %swap3A_673 = arith.constant 23 : i32
        %swap3A_674 = arith.index_cast %swap3A_673 : i32 to index
        %swap3A_675 = arith.index_cast %mul3A_509 : i32 to index
        %swap3A_676 = tpu.vector_load %arg11[%swap3A_674, %swap3A_675] {strides = array<i32>} : memref<32x768xf32, #tpu.memory_space<vmem>>, vector<1x16xf32>,
        %swap3A_677 = vector.shape_cast %swap3A_676 : vector<1x16xf32> to vector<16xf32>
        %swap3A_678 = vector.shape_cast %add3A_672 : vector<16xf32> to vector<1x16xf32>
        tpu.vector_store %arg11[%swap3A_674, %swap3A_675], %swap3A_678 {strides = array<i32>} : memref<32x768xf32, #tpu.memory_space<vmem>>, vector<1x16xf32>,
        %get3A_679 = arith.constant 24 : i32
        %get3A_680 = arith.index_cast %get3A_679 : i32 to index
        %get3A_681 = arith.index_cast %mul3A_509 : i32 to index
        %get3A_682 = tpu.vector_load %arg11[%get3A_680, %get3A_681] {strides = array<i32>} : memref<32x768xf32, #tpu.memory_space<vmem>>, vector<1x16xf32>,
        %get3A_683 = vector.shape_cast %get3A_682 : vector<1x16xf32> to vector<16xf32>
        %get3A_684 = arith.constant 56 : i32
        %get3A_685 = arith.index_cast %get3A_684 : i32 to index
        %get3A_686 = arith.index_cast %mul3A_509 : i32 to index
        %get3A_687 = tpu.vector_load %arg12[%get3A_685, %get3A_686] {strides = array<i32>} : memref<64x768xf32, #tpu.memory_space<vmem>>, vector<1x16xf32>,
        %get3A_688 = vector.shape_cast %get3A_687 : vector<1x16xf32> to vector<16xf32>
        %add3A_689 = arith.addf %get3A_683, %get3A_688 : vector<16xf32>
        %mul3A_690 = arith.mulf %broadcast_in_dim3A_471, %sub3A : vector<16xf32>
        %add3A_691 = arith.addf %get3A_514, %mul3A_690 : vector<16xf32>
        %add3A_692 = arith.addf %add3A_689, %add3A_691 : vector<16xf32>
        %swap3A_693 = arith.constant 24 : i32
        %swap3A_694 = arith.index_cast %swap3A_693 : i32 to index
        %swap3A_695 = arith.index_cast %mul3A_509 : i32 to index
        %swap3A_696 = tpu.vector_load %arg11[%swap3A_694, %swap3A_695] {strides = array<i32>} : memref<32x768xf32, #tpu.memory_space<vmem>>, vector<1x16xf32>,
        %swap3A_697 = vector.shape_cast %swap3A_696 : vector<1x16xf32> to vector<16xf32>
        %swap3A_698 = vector.shape_cast %add3A_692 : vector<16xf32> to vector<1x16xf32>
        tpu.vector_store %arg11[%swap3A_694, %swap3A_695], %swap3A_698 {strides = array<i32>} : memref<32x768xf32, #tpu.memory_space<vmem>>, vector<1x16xf32>,
        %get3A_699 = arith.constant 25 : i32
        %get3A_700 = arith.index_cast %get3A_699 : i32 to index
        %get3A_701 = arith.index_cast %mul3A_509 : i32 to index
        %get3A_702 = tpu.vector_load %arg11[%get3A_700, %get3A_701] {strides = array<i32>} : memref<32x768xf32, #tpu.memory_space<vmem>>, vector<1x16xf32>,
        %get3A_703 = vector.shape_cast %get3A_702 : vector<1x16xf32> to vector<16xf32>
        %get3A_704 = arith.constant 57 : i32
        %get3A_705 = arith.index_cast %get3A_704 : i32 to index
        %get3A_706 = arith.index_cast %mul3A_509 : i32 to index
        %get3A_707 = tpu.vector_load %arg12[%get3A_705, %get3A_706] {strides = array<i32>} : memref<64x768xf32, #tpu.memory_space<vmem>>, vector<1x16xf32>,
        %get3A_708 = vector.shape_cast %get3A_707 : vector<1x16xf32> to vector<16xf32>
        %add3A_709 = arith.addf %get3A_703, %get3A_708 : vector<16xf32>
        %mul3A_710 = arith.mulf %broadcast_in_dim3A_474, %sub3A : vector<16xf32>
        %add3A_711 = arith.addf %get3A_514, %mul3A_710 : vector<16xf32>
        %add3A_712 = arith.addf %add3A_709, %add3A_711 : vector<16xf32>
        %swap3A_713 = arith.constant 25 : i32
        %swap3A_714 = arith.index_cast %swap3A_713 : i32 to index
        %swap3A_715 = arith.index_cast %mul3A_509 : i32 to index
        %swap3A_716 = tpu.vector_load %arg11[%swap3A_714, %swap3A_715] {strides = array<i32>} : memref<32x768xf32, #tpu.memory_space<vmem>>, vector<1x16xf32>,
        %swap3A_717 = vector.shape_cast %swap3A_716 : vector<1x16xf32> to vector<16xf32>
        %swap3A_718 = vector.shape_cast %add3A_712 : vector<16xf32> to vector<1x16xf32>
        tpu.vector_store %arg11[%swap3A_714, %swap3A_715], %swap3A_718 {strides = array<i32>} : memref<32x768xf32, #tpu.memory_space<vmem>>, vector<1x16xf32>,
        %get3A_719 = arith.constant 26 : i32
        %get3A_720 = arith.index_cast %get3A_719 : i32 to index
        %get3A_721 = arith.index_cast %mul3A_509 : i32 to index
        %get3A_722 = tpu.vector_load %arg11[%get3A_720, %get3A_721] {strides = array<i32>} : memref<32x768xf32, #tpu.memory_space<vmem>>, vector<1x16xf32>,
        %get3A_723 = vector.shape_cast %get3A_722 : vector<1x16xf32> to vector<16xf32>
        %get3A_724 = arith.constant 58 : i32
        %get3A_725 = arith.index_cast %get3A_724 : i32 to index
        %get3A_726 = arith.index_cast %mul3A_509 : i32 to index
        %get3A_727 = tpu.vector_load %arg12[%get3A_725, %get3A_726] {strides = array<i32>} : memref<64x768xf32, #tpu.memory_space<vmem>>, vector<1x16xf32>,
        %get3A_728 = vector.shape_cast %get3A_727 : vector<1x16xf32> to vector<16xf32>
        %add3A_729 = arith.addf %get3A_723, %get3A_728 : vector<16xf32>
        %mul3A_730 = arith.mulf %broadcast_in_dim3A_477, %sub3A : vector<16xf32>
        %add3A_731 = arith.addf %get3A_514, %mul3A_730 : vector<16xf32>
        %add3A_732 = arith.addf %add3A_729, %add3A_731 : vector<16xf32>
        %swap3A_733 = arith.constant 26 : i32
        %swap3A_734 = arith.index_cast %swap3A_733 : i32 to index
        %swap3A_735 = arith.index_cast %mul3A_509 : i32 to index
        %swap3A_736 = tpu.vector_load %arg11[%swap3A_734, %swap3A_735] {strides = array<i32>} : memref<32x768xf32, #tpu.memory_space<vmem>>, vector<1x16xf32>,
        %swap3A_737 = vector.shape_cast %swap3A_736 : vector<1x16xf32> to vector<16xf32>
        %swap3A_738 = vector.shape_cast %add3A_732 : vector<16xf32> to vector<1x16xf32>
        tpu.vector_store %arg11[%swap3A_734, %swap3A_735], %swap3A_738 {strides = array<i32>} : memref<32x768xf32, #tpu.memory_space<vmem>>, vector<1x16xf32>,
        %get3A_739 = arith.constant 27 : i32
        %get3A_740 = arith.index_cast %get3A_739 : i32 to index
        %get3A_741 = arith.index_cast %mul3A_509 : i32 to index
        %get3A_742 = tpu.vector_load %arg11[%get3A_740, %get3A_741] {strides = array<i32>} : memref<32x768xf32, #tpu.memory_space<vmem>>, vector<1x16xf32>,
        %get3A_743 = vector.shape_cast %get3A_742 : vector<1x16xf32> to vector<16xf32>
        %get3A_744 = arith.constant 59 : i32
        %get3A_745 = arith.index_cast %get3A_744 : i32 to index
        %get3A_746 = arith.index_cast %mul3A_509 : i32 to index
        %get3A_747 = tpu.vector_load %arg12[%get3A_745, %get3A_746] {strides = array<i32>} : memref<64x768xf32, #tpu.memory_space<vmem>>, vector<1x16xf32>,
        %get3A_748 = vector.shape_cast %get3A_747 : vector<1x16xf32> to vector<16xf32>
        %add3A_749 = arith.addf %get3A_743, %get3A_748 : vector<16xf32>
        %mul3A_750 = arith.mulf %broadcast_in_dim3A_480, %sub3A : vector<16xf32>
        %add3A_751 = arith.addf %get3A_514, %mul3A_750 : vector<16xf32>
        %add3A_752 = arith.addf %add3A_749, %add3A_751 : vector<16xf32>
        %swap3A_753 = arith.constant 27 : i32
        %swap3A_754 = arith.index_cast %swap3A_753 : i32 to index
        %swap3A_755 = arith.index_cast %mul3A_509 : i32 to index
        %swap3A_756 = tpu.vector_load %arg11[%swap3A_754, %swap3A_755] {strides = array<i32>} : memref<32x768xf32, #tpu.memory_space<vmem>>, vector<1x16xf32>,
        %swap3A_757 = vector.shape_cast %swap3A_756 : vector<1x16xf32> to vector<16xf32>
        %swap3A_758 = vector.shape_cast %add3A_752 : vector<16xf32> to vector<1x16xf32>
        tpu.vector_store %arg11[%swap3A_754, %swap3A_755], %swap3A_758 {strides = array<i32>} : memref<32x768xf32, #tpu.memory_space<vmem>>, vector<1x16xf32>,
        %get3A_759 = arith.constant 28 : i32
        %get3A_760 = arith.index_cast %get3A_759 : i32 to index
        %get3A_761 = arith.index_cast %mul3A_509 : i32 to index
        %get3A_762 = tpu.vector_load %arg11[%get3A_760, %get3A_761] {strides = array<i32>} : memref<32x768xf32, #tpu.memory_space<vmem>>, vector<1x16xf32>,
        %get3A_763 = vector.shape_cast %get3A_762 : vector<1x16xf32> to vector<16xf32>
        %get3A_764 = arith.constant 60 : i32
        %get3A_765 = arith.index_cast %get3A_764 : i32 to index
        %get3A_766 = arith.index_cast %mul3A_509 : i32 to index
        %get3A_767 = tpu.vector_load %arg12[%get3A_765, %get3A_766] {strides = array<i32>} : memref<64x768xf32, #tpu.memory_space<vmem>>, vector<1x16xf32>,
        %get3A_768 = vector.shape_cast %get3A_767 : vector<1x16xf32> to vector<16xf32>
        %add3A_769 = arith.addf %get3A_763, %get3A_768 : vector<16xf32>
        %mul3A_770 = arith.mulf %broadcast_in_dim3A_483, %sub3A : vector<16xf32>
        %add3A_771 = arith.addf %get3A_514, %mul3A_770 : vector<16xf32>
        %add3A_772 = arith.addf %add3A_769, %add3A_771 : vector<16xf32>
        %swap3A_773 = arith.constant 28 : i32
        %swap3A_774 = arith.index_cast %swap3A_773 : i32 to index
        %swap3A_775 = arith.index_cast %mul3A_509 : i32 to index
        %swap3A_776 = tpu.vector_load %arg11[%swap3A_774, %swap3A_775] {strides = array<i32>} : memref<32x768xf32, #tpu.memory_space<vmem>>, vector<1x16xf32>,
        %swap3A_777 = vector.shape_cast %swap3A_776 : vector<1x16xf32> to vector<16xf32>
        %swap3A_778 = vector.shape_cast %add3A_772 : vector<16xf32> to vector<1x16xf32>
        tpu.vector_store %arg11[%swap3A_774, %swap3A_775], %swap3A_778 {strides = array<i32>} : memref<32x768xf32, #tpu.memory_space<vmem>>, vector<1x16xf32>,
        %get3A_779 = arith.constant 29 : i32
        %get3A_780 = arith.index_cast %get3A_779 : i32 to index
        %get3A_781 = arith.index_cast %mul3A_509 : i32 to index
        %get3A_782 = tpu.vector_load %arg11[%get3A_780, %get3A_781] {strides = array<i32>} : memref<32x768xf32, #tpu.memory_space<vmem>>, vector<1x16xf32>,
        %get3A_783 = vector.shape_cast %get3A_782 : vector<1x16xf32> to vector<16xf32>
        %get3A_784 = arith.constant 61 : i32
        %get3A_785 = arith.index_cast %get3A_784 : i32 to index
        %get3A_786 = arith.index_cast %mul3A_509 : i32 to index
        %get3A_787 = tpu.vector_load %arg12[%get3A_785, %get3A_786] {strides = array<i32>} : memref<64x768xf32, #tpu.memory_space<vmem>>, vector<1x16xf32>,
        %get3A_788 = vector.shape_cast %get3A_787 : vector<1x16xf32> to vector<16xf32>
        %add3A_789 = arith.addf %get3A_783, %get3A_788 : vector<16xf32>
        %mul3A_790 = arith.mulf %broadcast_in_dim3A_486, %sub3A : vector<16xf32>
        %add3A_791 = arith.addf %get3A_514, %mul3A_790 : vector<16xf32>
        %add3A_792 = arith.addf %add3A_789, %add3A_791 : vector<16xf32>
        %swap3A_793 = arith.constant 29 : i32
        %swap3A_794 = arith.index_cast %swap3A_793 : i32 to index
        %swap3A_795 = arith.index_cast %mul3A_509 : i32 to index
        %swap3A_796 = tpu.vector_load %arg11[%swap3A_794, %swap3A_795] {strides = array<i32>} : memref<32x768xf32, #tpu.memory_space<vmem>>, vector<1x16xf32>,
        %swap3A_797 = vector.shape_cast %swap3A_796 : vector<1x16xf32> to vector<16xf32>
        %swap3A_798 = vector.shape_cast %add3A_792 : vector<16xf32> to vector<1x16xf32>
        tpu.vector_store %arg11[%swap3A_794, %swap3A_795], %swap3A_798 {strides = array<i32>} : memref<32x768xf32, #tpu.memory_space<vmem>>, vector<1x16xf32>,
        %get3A_799 = arith.constant 30 : i32
        %get3A_800 = arith.index_cast %get3A_799 : i32 to index
        %get3A_801 = arith.index_cast %mul3A_509 : i32 to index
        %get3A_802 = tpu.vector_load %arg11[%get3A_800, %get3A_801] {strides = array<i32>} : memref<32x768xf32, #tpu.memory_space<vmem>>, vector<1x16xf32>,
        %get3A_803 = vector.shape_cast %get3A_802 : vector<1x16xf32> to vector<16xf32>
        %get3A_804 = arith.constant 62 : i32
        %get3A_805 = arith.index_cast %get3A_804 : i32 to index
        %get3A_806 = arith.index_cast %mul3A_509 : i32 to index
        %get3A_807 = tpu.vector_load %arg12[%get3A_805, %get3A_806] {strides = array<i32>} : memref<64x768xf32, #tpu.memory_space<vmem>>, vector<1x16xf32>,
        %get3A_808 = vector.shape_cast %get3A_807 : vector<1x16xf32> to vector<16xf32>
        %add3A_809 = arith.addf %get3A_803, %get3A_808 : vector<16xf32>
        %mul3A_810 = arith.mulf %broadcast_in_dim3A_489, %sub3A : vector<16xf32>
        %add3A_811 = arith.addf %get3A_514, %mul3A_810 : vector<16xf32>
        %add3A_812 = arith.addf %add3A_809, %add3A_811 : vector<16xf32>
        %swap3A_813 = arith.constant 30 : i32
        %swap3A_814 = arith.index_cast %swap3A_813 : i32 to index
        %swap3A_815 = arith.index_cast %mul3A_509 : i32 to index
        %swap3A_816 = tpu.vector_load %arg11[%swap3A_814, %swap3A_815] {strides = array<i32>} : memref<32x768xf32, #tpu.memory_space<vmem>>, vector<1x16xf32>,
        %swap3A_817 = vector.shape_cast %swap3A_816 : vector<1x16xf32> to vector<16xf32>
        %swap3A_818 = vector.shape_cast %add3A_812 : vector<16xf32> to vector<1x16xf32>
        tpu.vector_store %arg11[%swap3A_814, %swap3A_815], %swap3A_818 {strides = array<i32>} : memref<32x768xf32, #tpu.memory_space<vmem>>, vector<1x16xf32>,
        %get3A_819 = arith.constant 31 : i32
        %get3A_820 = arith.index_cast %get3A_819 : i32 to index
        %get3A_821 = arith.index_cast %mul3A_509 : i32 to index
        %get3A_822 = tpu.vector_load %arg11[%get3A_820, %get3A_821] {strides = array<i32>} : memref<32x768xf32, #tpu.memory_space<vmem>>, vector<1x16xf32>,
        %get3A_823 = vector.shape_cast %get3A_822 : vector<1x16xf32> to vector<16xf32>
        %get3A_824 = arith.constant 63 : i32
        %get3A_825 = arith.index_cast %get3A_824 : i32 to index
        %get3A_826 = arith.index_cast %mul3A_509 : i32 to index
        %get3A_827 = tpu.vector_load %arg12[%get3A_825, %get3A_826] {strides = array<i32>} : memref<64x768xf32, #tpu.memory_space<vmem>>, vector<1x16xf32>,
        %get3A_828 = vector.shape_cast %get3A_827 : vector<1x16xf32> to vector<16xf32>
        %add3A_829 = arith.addf %get3A_823, %get3A_828 : vector<16xf32>
        %mul3A_830 = arith.mulf %broadcast_in_dim3A_492, %sub3A : vector<16xf32>
        %add3A_831 = arith.addf %get3A_514, %mul3A_830 : vector<16xf32>
        %add3A_832 = arith.addf %add3A_829, %add3A_831 : vector<16xf32>
        %swap3A_833 = arith.constant 31 : i32
        %swap3A_834 = arith.index_cast %swap3A_833 : i32 to index
        %swap3A_835 = arith.index_cast %mul3A_509 : i32 to index
        %swap3A_836 = tpu.vector_load %arg11[%swap3A_834, %swap3A_835] {strides = array<i32>} : memref<32x768xf32, #tpu.memory_space<vmem>>, vector<1x16xf32>,
        %swap3A_837 = vector.shape_cast %swap3A_836 : vector<1x16xf32> to vector<16xf32>
        %swap3A_838 = vector.shape_cast %add3A_832 : vector<16xf32> to vector<1x16xf32>
        tpu.vector_store %arg11[%swap3A_834, %swap3A_835], %swap3A_838 {strides = array<i32>} : memref<32x768xf32, #tpu.memory_space<vmem>>, vector<1x16xf32>,
      }
      %scan3A_497 = arith.constant 48 : i32
      %mul3A_498 = arith.constant 2048 : i32
      %mul3A_499 = arith.muli %scan3A_220, %mul3A_498 : i32
      %add3A_500 = arith.addi %mul3A_499, %mul3A_2 : i32
      %add3A_501 = arith.constant 32 : i32
      %add3A_502 = arith.addi %add3A_500, %add3A_501 : i32
      %dma_start3A_503 = arith.constant 0 : i32
      %dma_start3A_504 = tpu.memref_slice %arg7[%add3A_502, %dma_start3A_503] : memref<8192x768xf32, #tpu.memory_space<hbm>> -> memref<32x768xf32, #tpu.memory_space<hbm>>
      %dma_start3A_505 = arith.constant 0 : i32
      %dma_start3A_506 = tpu.memref_slice %arg7[%add3A_502, %dma_start3A_505] : memref<8192x768xf32, #tpu.memory_space<hbm>> -> memref<32x768xf32, #tpu.memory_space<hbm>>
      tpu.enqueue_dma source(%arg11 : memref<32x768xf32, #tpu.memory_space<vmem>>) target(%dma_start3A_506 : memref<32x768xf32, #tpu.memory_space<hbm>>) target_semaphore(%arg20 : memref<!tpu.dma_semaphore, #tpu.memory_space<semaphore_mem>>)
    }
    %scan3A_211 = arith.constant 4 : i32
    %add3A_212 = arith.constant 6144 : i32
    %add3A_213 = arith.addi %add3A_212, %mul3A_2 : i32
    %add3A_214 = arith.constant 32 : i32
    %add3A_215 = arith.addi %add3A_213, %add3A_214 : i32
    %dma_wait3A_216 = arith.constant 0 : i32
    %dma_wait3A_217 = tpu.memref_slice %arg7[%add3A_215, %dma_wait3A_216] : memref<8192x768xf32, #tpu.memory_space<hbm>> -> memref<32x768xf32, #tpu.memory_space<hbm>>
    %dma_wait3A_218 = arith.constant 0 : i32
    %dma_wait3A_219 = tpu.memref_slice %arg7[%add3A_215, %dma_wait3A_218] : memref<8192x768xf32, #tpu.memory_space<hbm>> -> memref<32x768xf32, #tpu.memory_space<hbm>>
    tpu.wait_dma2 semaphore(%arg20 : memref<!tpu.dma_semaphore, #tpu.memory_space<semaphore_mem>>) src(%arg11 : memref<32x768xf32, #tpu.memory_space<vmem>>) dst(%dma_wait3A_219 : memref<32x768xf32, #tpu.memory_space<hbm>>)
    return
  }
}

</mosaic_0001>

<sc_bundles>
// kernel: kernel.3.cloned.1.call-start
scs
__scs_entry_jumppad:
0x0: {  	(pc) =	sbr.rel $0x88, $3  }
0x1: {  	(tag) =	ssettag $0x0;
	lr =	simm.s32 $0x1  }
0x2: {  	[smem:$0x3F9C] =	sst lr;
	_ =	strace $0xD0000000  }
0x3: {  	_ = 	snop  }
0x4: {  	_ = 	snop  }
0x5: {  	_ = 	snop  }
0x6: {  	_ = 	snop  }
0x7: {  	_ = 	snop  }
__scs_overlays_trampoline_lowered:
0x8: {  	[smem:$0x3FAB] =	sst s0  }
0x9: {  	[smem:$0x3FAC] =	sst s1  }
0xa: {  	[smem:$0x3FAD] =	sst s2  }
0xb: {  	[smem:$0x3FAE] =	sst s3  }
0xc: {  	[smem:$0x3FAF] =	sst s4  }
0xd: {  	[smem:$0x3FB0] =	sst s5  }
0xe: {  	[smem:$0x3FB1] =	sst s6  }
0xf: {  	[smem:$0x3FB2] =	sst s7  }
0x10: {  	[smem:$0x3FB3] =	sst s8  }
0x11: {  	[smem:$0x3FB4] =	sst s9;
	s0 =	simm.s32 @!p0 $0x0  }
0x12: {  	s1 =	sld [smem:$0x3F9A];
	s0 =	simm.s32 @p0 $0x1  }
0x13: {  	[smem:$0x3FB5] =	sst s0;
	s0 =	simm.s32 @!p1 $0x0  }
0x14: {  	s2 =	sld [smem:$0x3F99];
	s0 =	simm.s32 @p1 $0x1  }
0x15: {  	[smem:$0x3FB6] =	sst s0;
	s0 =	simm.s32 @!p2 $0x0  }
0x16: {  	s3 =	sld [smem:$0x3FDB];
	s0 =	simm.s32 @p2 $0x1  }
0x17: {  	s4 =	simm.s32 $0x1BF5;
	[smem:$0x3FB8] =	sst s0  }
0x18: {  	s0 =	sld [smem:$0x3F9B];
	_ =	swait.ge [sflag:s4], $0x0  }
0x19: {  	s7 =	sld [smem:$0x3F9C]  }
0x1a: {  	s8 =	sadd.s32 $0xFFFFE003, lr  }
0x1b: {  	s9 =	sadd.s32 $0xFFFFFEF7, lr;
	s5 =	simm.s32 $0xFFFFFFFF;
	p2 =	slt.u32 s8, $0xFFFFF086  }
0x1c: {  	p1 =	slt.u32 s9, $0xF7A;
	s5 =	simm.s32 @!p2 $0x0  }
0x1d: {  	s5 =	simm.s32 @p1 $0x1;
	p0 =	seq.s32 s7, s2  }
0x1e: {  	s7 =	smul.u32 @!p0 $0xF7A, s2;
	p2 =	seq.s32 @!p0 s5, $0x0  }
0x1f: {  	s9 =	smul.u32 $0xF7A, s1;
	s8 =	simm.s32 @!p0 $0x1BF5;
	p2 =	por !p2, p0  }
0x20: {  	[sflag:s8] =	ssyncset.s32 @!p0 $0xFFFFF086;
	s6 =	sadd.s32 @!p0 s3, s7;
	s7 =	simm.s32 @!p0 $0x108  }
0x21: {  	s3 =	sadd.s32 s3, s9;
	s6 =	sadd.s32 @!p0 $0x88, s6;
	s7 =	simm.s32 @p2 $0x1082  }
0x22: {  	[simem:s7], [sflag:s8] =	dma.local @!p0 [hbm:s6], $0xF7A  }
0x23: {  	s9 =	sor.u32 $0xD0000000, s2;
	s6 =	simm.s32 $0x108;
	_ =	swait.ge @!p0 [sflag:s8], $0x0  }
0x24: {  	s3 =	sadd.s32 $0x88, s3;
	s6 =	simm.s32 @!p1 $0x1082;
	[sflag:s4] =	ssyncset.s32 $0xFFFFF086  }
0x25: {  	[simem:s6], [sflag:s4] =	dma.local [hbm:s3], $0xF7A  }
0x26: {  	[smem:$0x3F9C] =	sst s1;
	(tag) =	ssettag s2;
	_ =	strace s9  }
0x27: {  	s1 =	sld [smem:$0x3FAC]  }
0x28: {  	s2 =	sld [smem:$0x3FAD]  }
0x29: {  	s4 =	sld [smem:$0x3FAF]  }
0x2a: {  	p0 =	seq.s32 s5, $0x0;
	s5 =	sld [smem:$0x3FB0]  }
0x2b: {  	s6 =	sld [smem:$0x3FB1]  }
0x2c: {  	s7 =	sld [smem:$0x3FB2]  }
0x2d: {  	s3 =	simm.s32 $0x108;
	s8 =	sld [smem:$0x3FB3]  }
0x2e: {  	s3 =	simm.s32 @!p0 $0x1082;
	s9 =	sld [smem:$0x3FB4]  }
0x2f: {  	lr =	sadd.s32 s0, s3;
	s0 =	sld [smem:$0x3FAB]  }
0x30: {  	s3 =	sld [smem:$0x3FAE]  }
0x31: {  	[smem:$0x3FB7] =	sst s10  }
0x32: {  	s10 =	sld [smem:$0x3FB5];
	_ =	sdelay $0x3  }
0x33: {  	p0 =	seq.s32 s10, $0x1;
	s10 =	sld [smem:$0x3FB7];
	_ =	sdelay $0x3  }
0x34: {  	[smem:$0x3FB7] =	sst s10  }
0x35: {  	s10 =	sld [smem:$0x3FB6];
	_ =	sdelay $0x3  }
0x36: {  	p1 =	seq.s32 s10, $0x1;
	s10 =	sld [smem:$0x3FB7];
	_ =	sdelay $0x3  }
0x37: {  	[smem:$0x3FB7] =	sst s10  }
0x38: {  	s10 =	sld [smem:$0x3FB8]  }
0x39: {  	_ = 	snop;
	(pc) =	sbr.ind lr, $3  }
0x3a: {  	_ = 	snop  }
0x3b: {  	_ = 	snop  }
0x3c: {  	p2 =	seq.s32 s10, $0x1;
	s10 =	sld [smem:$0x3FB7]  }
0x3d: {  	_ =	shalt  }
0x3e: {  	_ =	shalt  }
0x3f: {  	_ =	shalt  }
0x40: {  	_ =	shalt  }
0x41: {  	_ =	shalt  }
0x42: {  	_ =	shalt  }
0x43: {  	_ =	shalt  }
0x44: {  	_ =	shalt  }
0x45: {  	_ =	shalt  }
0x46: {  	_ =	shalt  }
0x47: {  	_ =	shalt  }
0x48: {  	_ =	shalt  }
0x49: {  	_ =	shalt  }
0x4a: {  	_ =	shalt  }
0x4b: {  	_ =	shalt  }
0x4c: {  	_ =	shalt  }
0x4d: {  	_ =	shalt  }
0x4e: {  	_ =	shalt  }
0x4f: {  	_ =	shalt  }
0x50: {  	_ =	shalt  }
0x51: {  	_ =	shalt  }
0x52: {  	_ =	shalt  }
0x53: {  	_ =	shalt  }
0x54: {  	_ =	shalt  }
0x55: {  	_ =	shalt  }
0x56: {  	_ =	shalt  }
0x57: {  	_ =	shalt  }
0x58: {  	_ =	shalt  }
0x59: {  	_ =	shalt  }
0x5a: {  	_ =	shalt  }
0x5b: {  	_ =	shalt  }
0x5c: {  	_ =	shalt  }
0x5d: {  	_ =	shalt  }
0x5e: {  	_ =	shalt  }
0x5f: {  	_ =	shalt  }
0x60: {  	_ =	shalt  }
0x61: {  	_ =	shalt  }
0x62: {  	_ =	shalt  }
0x63: {  	_ =	shalt  }
0x64: {  	_ =	shalt  }
0x65: {  	_ =	shalt  }
0x66: {  	_ =	shalt  }
0x67: {  	_ =	shalt  }
0x68: {  	_ =	shalt  }
0x69: {  	_ =	shalt  }
0x6a: {  	_ =	shalt  }
0x6b: {  	_ =	shalt  }
0x6c: {  	_ =	shalt  }
0x6d: {  	_ =	shalt  }
0x6e: {  	_ =	shalt  }
0x6f: {  	_ =	shalt  }
0x70: {  	_ =	shalt  }
0x71: {  	_ =	shalt  }
0x72: {  	_ =	shalt  }
0x73: {  	_ =	shalt  }
0x74: {  	_ =	shalt  }
0x75: {  	_ =	shalt  }
0x76: {  	_ =	shalt  }
0x77: {  	_ =	shalt  }
0x78: {  	_ =	shalt  }
0x79: {  	_ =	shalt  }
0x7a: {  	_ =	shalt  }
0x7b: {  	_ =	shalt  }
0x7c: {  	_ =	shalt  }
0x7d: {  	_ =	shalt  }
0x7e: {  	_ =	shalt  }
0x7f: {  	_ =	shalt  }
0x80: {  	_ =	shalt  }
0x81: {  	_ =	shalt  }
0x82: {  	_ =	shalt  }
0x83: {  	_ =	shalt  }
0x84: {  	_ =	shalt  }
0x85: {  	_ =	shalt  }
0x86: {  	_ =	shalt  }
0x87: {  	_ =	shalt  }
.Lfunc_end0:
.L_simem_size_0:
called_computation_lowered:
.L_overlay_start_0:
0x88: {  	s2 =	sld [smem:$0x3FD9]  }
0x89: {  	s3 =	sld [smem:$0x3FFE];
	_ =	sdelay $0x1  }
0x8a: {  	s1 =	srdreg.scid  }
0x8b: {  	s0 =	sand.u32 $0x1, s1  }
0x8c: {  	s18 =	sshll.u32 s0, $0xA;
	s2 =	sadd.s32 s3, s2  }
0x8d: {  	s2 =	sadd.s32 s2, s18  }
0x8e: {  	[smem:$0x3FC3] =	sst s2  }
0x8f: {  	_ = 	snop  }
0x90: {  	s2 =	sld [smem:$0x3FC9]  }
0x91: {  	s19 =	sld [smem:$0x3FC8]  }
0x92: {  	s4 =	sld [smem:$0x3FC7]  }
0x93: {  	s5 =	sld [smem:$0x3FC6]  }
0x94: {  	s6 =	sld [smem:$0x3FC5]  }
0x95: {  	s7 =	sld [smem:$0x3FD0];
	(tm) =	ssettm $0x1  }
0x96: {  	s8 =	sld [smem:$0x3FFB];
	_ =	sdelay $0x3  }
0x97: {  	_ =	strace s8  }
0x98: {  	s8 =	sld [smem:$0x3FFC];
	_ =	sdelay $0x3  }
0x99: {  	_ =	strace s8  }
0x9a: {  	s8 =	sld [smem:$0x3FFD];
	_ =	sdelay $0x3  }
0x9b: {  	_ =	strace s8  }
0x9c: {  	_ =	strace $0x8FFFFFFF  }
0x9d: {  	s20 =	sld [smem:$0x3FDB];
	_ =	sdelay $0x1  }
0x9e: {  	s9 =	simm.s32 $_scs_section_size  }
0x9f: {  	s10 =	simm.s32 $_size__tile_overlayer_lowered;
	s11 =	simm.s32 $_tile_overlayer_lowered  }
0xa0: {  	s23 =	simm.s32 $0x1BFF;
	s22 =	sshll.u32 s11, $0x1;
	s8 =	sadd.s32 s9, s20  }
0xa1: {  	s12 =	simm.s32 $0x0;
	s21 =	sshll.u32 s10, $0x1;
	s10 =	sadd.s32 s22, s8  }
0xa2: {  	[timem:s12], [sflag:s23] =	dma.local [hbm:s10], s21  }
0xa3: {  	_ =	swait.ge [sflag:s23], s21  }
0xa4: {  	s9 =	ssub.s32 $0x0, s21;
	[sflag:s23] =	ssyncset.done $0x0  }
0xa5: {  	[sflag:s23] =	ssyncadd.s32 s9;
	_ =	sdelay $0x1  }
0xa6: {  	s24 =	simm.s32 $0x1B8B  }
0xa7: {  	_ =	swait.ge [sflag:s24], $0x1  }
0xa8: {  	[sflag:s24] =	ssyncset.done $0x0  }
0xa9: {  	s25 =	simm.s32 $0x1B8E;
	[sflag:s24] =	ssyncadd.s32 $0xFFFFFFFF  }
0xaa: {  	s26 =	simm.s32 $execute0_lowered;
	[smem:$0x3FD2] =	sst s25  }
0xab: {  	s9 =	sshll.u32 s26, $0x1;
	_ =	strace $0x80000046;
	[dreg:$0x1] =	wrdreg $0xFFFFFFFF  }
0xac: {  	s28 =	simm.s32 $_size_execute0_lowered;
	s8 =	sadd.s32 s8, s9;
	[dreg:$0x0] =	wrdreg $0x0  }
0xad: {  	s9 =	sshll.u32 s28, $0x1;
	[dreg:$0x2] =	wrdreg s8  }
0xae: {  	[dreg:$0x3] =	wrdreg s9  }
0xaf: {  	[dreg:$0x4] =	wrdreg $0xC0  }
0xb0: {  	_ =	task [dreg:s12], $0x5FFFF  }
0xb1: {  	[dreg:$0x1] =	wrdreg $0xFFFFFFFF  }
0xb2: {  	[dreg:$0x0] =	wrdreg $0x60  }
0xb3: {  	[dreg:$0x2] =	wrdreg s2  }
0xb4: {  	[dreg:$0x3] =	wrdreg s19  }
0xb5: {  	[dreg:$0x4] =	wrdreg s4  }
0xb6: {  	[dreg:$0x5] =	wrdreg s5  }
0xb7: {  	[dreg:$0x6] =	wrdreg s6  }
0xb8: {  	[dreg:$0x7] =	wrdreg s7  }
0xb9: {  	[dreg:$0x8] =	wrdreg $0x9  }
0xba: {  	_ =	task.clear_ibuf [dreg:s12], $0x9FFFF;
	_ =	strace $0x90000046  }
0xbb: {  	s29 =	simm.s32 $0x9;
	_ =	strace $0x80000048  }
0xbc: {  	_ =	swait.ge [sflag:s29], $0x1  }
0xbd: {  	[sflag:s29] =	ssyncadd.s32 $0xFFFFFFFF  }
0xbe: {  	_ =	strace $0x90000048  }
0xbf: {  	_ =	sfence  }
0xc0: {  	s30 =	sld [smem:$0x0];
	_ =	sdelay $0x2  }
0xc1: {  	s31 =	sshll.u32 s1, $0xD;
	s1 =	sshrl.u32 s1, $0x2  }
0xc2: {  	s3 =	sand.u32 $0x4000, s31;
	s1 =	sadd.s32 s1, s30  }
0xc3: {  	s0 =	sor.u32 s3, s0;
	s1 =	sshll.u32 s1, $0x11  }
0xc4: {  	s0 =	sor.u32 s1, s0  }
0xc5: {  	s0 =	sadd.s32 $0x8F2B, s0  }
0xc6: {  	[sflag:s0] =	ssyncadd.remote.s32 $0x1  }
0xc7: {  	_ =	sfence.sel $0xFFFF  }
0xc8: {  	[dreg:$0x0] =	wrdreg $0xFFFFFFFF;
	(pc) =	sbr.abs _section_cstart, $3  }
0xc9: {  	[dreg:$0x1] =	wrdreg $0xFFFFFFFF  }
0xca: {  	_ =	task.clear_ibuf [dreg:s12], $0x2FFFF;
	_ =	strace $0x9FFFFFFF  }
0xcb: {  	(tm) =	ssettm $0x7FFFFFFF  }
tec
execute0_lowered:
.L_overlay_start_1:
0x0: {  	(tag) =	ssettag $0x1  }
0x1: {  	s0 =	rddreg [dreg:$0x0]  }
0x2: {  	s2 =	rddreg [dreg:$0x1]  }
0x3: {  	s1 =	rddreg [dreg:$0x2]  }
0x4: {  	s3 =	srdreg.scid;
	s4 =	stileid.u32  }
0x5: {  	s7 =	rddreg [dreg:$0x4];
	s6 =	simm.s32 $0x0;
	s30 =	simm.s32 $0x400  }
0x6: {  	s31 =	simm.s32 $0x1;
	s5 =	sshll.u32 s4, $0x7;
	s4 =	rddreg [dreg:$0x5]  }
0x7: {  	s19 =	simm.s32 $0x7C00;
	s3 =	sand.u32 $0x1, s3;
	[smem:$0x7FF] =	sst s6  }
0x8: {  	s16 =	sadd.s32 $0x100, s1;
	s8 =	sshll.u32 s3, $0x6;
	s3 =	ssub.s32 $0x2, s3  }
0x9: {  	s17 =	sadd.s32 $0x200, s1;
	s5 =	sor.u32 s8, s5;
	s11 =	sshrl.u32 s3, $0x1  }
0xa: {  	_ =	strace $0x80000047;
	s9 =	sshll.u32 s5, $0x2;
	s3 =	ssub.s32 s3, s11  }
0xb: {  	s24 =	sshrl.u32 s5, $0x3;
	s11 =	simm.s32 $0x0;
	s10 =	sand.u32 $0x1E00, s9  }
0xc: {  	s26 =	smul.u32 $0x300, s24;
	s29 =	smax.u32 s3, $0x1;
	s3 =	simm.s32 $0x6400  }
0xd: {  	s24 =	simm.s32 $0xA400;
	s10 =	sor.u32 s8, s10;
	s8 =	sor.u32 s8, s9  }
0xe: {  	[dreg:$0x10] =	wrdreg s29;
	s10 =	sshrl.u32 s10, $0x3;
	s8 =	sshrl.u32 s8, $0x3  }
0xf: {  	s20 =	sor.u32 $0x10, s10;
	s21 =	sadd.s32 s0, s10;
	s23 =	sor.u32 $0x20, s8  }
0x10: {  	s8 =	sor.u32 $0x30, s8;
	s25 =	sadd.s32 s2, s10;
	[dreg:$0x7] =	wrdreg s21  }
0x11: {  	s10 =	simm.s32 $0x6;
	s22 =	sadd.s32 s0, s20;
	[dreg:$0xb] =	wrdreg s25  }
0x12: {  	s12 =	sadd.s32 s0, s23;
	s0 =	sadd.s32 s0, s8;
	[dreg:$0x8] =	wrdreg s22  }
0x13: {  	s9 =	sadd.s32 s2, s20;
	s28 =	sadd.s32 s2, s23;
	[dreg:$0x9] =	wrdreg s12  }
0x14: {  	s2 =	sadd.s32 s2, s8;
	s20 =	simm.s32 $0x8400;
	[dreg:$0xa] =	wrdreg s0  }
0x15: {  	s21 =	simm.s32 $0x8C00;
	s23 =	simm.s32 $0x9C00;
	[dreg:$0xc] =	wrdreg s9  }
0x16: {  	v2 =	vlaneseq.u32;
	s25 =	simm.s32 $0xAC00;
	s8 =	simm.s32 $0xBC00;
	[dreg:$0xd] =	wrdreg s28  }
0x17: {  	vm0 =	vmmov $0xffff;
	v1 =	vshrl.u32 v2, $0x3;
	[dreg:$0xe] =	wrdreg s2;
	s0 =	sadd.s32 s7, s26;
	s22 =	simm.s32 $0x9400  }
0x18: {  	v0 =	vand.u32 $0x7, v2;
	v2 =	vor.u32 $0x8, v2;
	v1 =	vmul.u32 $0x8, v1;
	s7 =	simm.s32 $0xB400;
	s9 =	simm.s32 $0x2;
	[dreg:$0xf] =	wrdreg s0  }
.LBB2_1:
0x19: {  	[dreg:$0x11] =	wrdreg s11  }
0x1a: {  	s0 =	rddreg [dreg:$0x7]  }
0x1b: {  	[tilespmem:s6], [sflag:$0x3] =	stream.linear.gather [hbm4b:s0+s6], $0x40, $0x38;
	[tilespmem:$0x18A00] =	vst v63  }
0x1c: {  	s29 =	rddreg [dreg:$0x8];
	s2 =	simm.s32 $0x80  }
0x1d: {  	[tilespmem:s2], [sflag:$0x3] =	stream.linear.gather [hbm4b:s29+s6], $0x40, $0x38;
	[tilespmem:$0x18A00] =	vst v63  }
0x1e: {  	s11 =	simm.s32 $0x100;
	s2 =	rddreg [dreg:$0x9]  }
0x1f: {  	[tilespmem:s11], [sflag:$0x3] =	stream.linear.gather [hbm4b:s2+s6], $0x40, $0x38;
	[tilespmem:$0x18A00] =	vst v63  }
0x20: {  	s12 =	rddreg [dreg:$0xa];
	s13 =	simm.s32 $0x180  }
0x21: {  	[tilespmem:s13], [sflag:$0x3] =	stream.linear.gather [hbm4b:s12+s6], $0x40, $0x38;
	[tilespmem:$0x18A00] =	vst v63  }
0x22: {  	s14 =	rddreg [dreg:$0xb];
	s15 =	simm.s32 $0x200  }
0x23: {  	[tilespmem:s15], [sflag:$0x4] =	stream.linear.gather [hbm4b:s14+s6], $0x40, $0x38;
	[tilespmem:$0x18A00] =	vst v63  }
0x24: {  	s18 =	rddreg [dreg:$0xc];
	s26 =	simm.s32 $0x280  }
0x25: {  	[tilespmem:s26], [sflag:$0x4] =	stream.linear.gather [hbm4b:s18+s6], $0x40, $0x38;
	[tilespmem:$0x18A00] =	vst v63  }
0x26: {  	s28 =	rddreg [dreg:$0xd];
	s29 =	simm.s32 $0x300  }
0x27: {  	[tilespmem:s29], [sflag:$0x4] =	stream.linear.gather [hbm4b:s28+s6], $0x40, $0x38;
	[tilespmem:$0x18A00] =	vst v63  }
0x28: {  	s2 =	rddreg [dreg:$0xe];
	s11 =	simm.s32 $0x380  }
0x29: {  	[tilespmem:s11], [sflag:$0x4] =	stream.linear.gather [hbm4b:s2+s6], $0x40, $0x38;
	[tilespmem:$0x18A00] =	vst v63  }
0x2a: {  	s12 =	rddreg [dreg:$0x3];
	s13 =	simm.s32 $0x18400  }
0x2b: {  	[tilespmem:s13], [sflag:$0x5] =	stream.linear.gather [hbm4b:s12+s6], $0x600, $0x38;
	[tilespmem:$0x18A00] =	vst v63  }
0x2c: {  	s14 =	rddreg [dreg:$0xf];
	s15 =	simm.s32 $0xC400;
	s18 =	simm.s32 $0x3  }
0x2d: {  	[tilespmem:s15], [sflag:$0x5] =	stream.linear.gather [hbm4b:s14+s6], $0xC000, $0x38;
	[tilespmem:$0x18A00] =	vst v63  }
0x2e: {  	_ =	swait.ge [sflag:s18], $0x40  }
0x2f: {  	[sflag:s18] =	ssyncset.done $0x0  }
0x30: {  	[sflag:s18] =	ssyncadd.s32 $0xFFFFFFC0  }
0x31: {  	_ =	swait.ge [sflag:s18], $0x40  }
0x32: {  	[sflag:s18] =	ssyncset.done $0x0  }
0x33: {  	[sflag:s18] =	ssyncadd.s32 $0xFFFFFFC0  }
0x34: {  	_ =	swait.ge [sflag:s18], $0x40  }
0x35: {  	[sflag:s18] =	ssyncset.done $0x0  }
0x36: {  	[sflag:s18] =	ssyncadd.s32 $0xFFFFFFC0  }
0x37: {  	_ =	swait.ge [sflag:s18], $0x40  }
0x38: {  	[sflag:s18] =	ssyncset.done $0x0  }
0x39: {  	[sflag:s18] =	ssyncadd.s32 $0xFFFFFFC0  }
0x3a: {  	v3 =	vld [tilespmem:$0x0];
	_ =	sdelay $0x4  }
0x3b: {  	v4 =	vshrl.u32 v3, $0x3  }
0x3c: {  	v4 =	vmul.u32 $0x30, v4  }
0x3d: {  	v3 =	vand.u32 $0x7, v3  }
0x3e: {  	v3 =	vor.u32 v3, v4  }
0x3f: {  	v4 =	vperm.xlane v3, v0;
	_ =	sdelay $0x1  }
0x40: {  	v4 =	vadd.s32 v1, v4;
	_ =	sdelay $0x3  }
0x41: {  	v3 =	vperm.xlane v3, v2  }
0x42: {  	[tilespmem:s30], [sflag:$0x1] =	stream.indirect_vreg.gather [hbm4b:s1+s6], $0x80, v4, vm0, $0xb8;
	[tilespmem:$0x18A00] =	vst v63  }
0x43: {  	s26 =	simm.s32 $0xC00;
	v3 =	vadd.s32 v1, v3  }
0x44: {  	[tilespmem:s26], [sflag:$0x1] =	stream.indirect_vreg.gather [hbm4b:s16+s6], $0x80, v4, vm0, $0xb8;
	[tilespmem:$0x18A00] =	vst v63  }
0x45: {  	s28 =	simm.s32 $0x1400  }
0x46: {  	[tilespmem:s28], [sflag:$0x1] =	stream.indirect_vreg.gather [hbm4b:s17+s6], $0x80, v4, vm0, $0xb8;
	[tilespmem:$0x18A00] =	vst v63  }
0x47: {  	s29 =	simm.s32 $0x1C00  }
0x48: {  	[tilespmem:s29], [sflag:$0x1] =	stream.indirect_vreg.gather [hbm4b:s1+s6], $0x80, v3, vm0, $0xb8;
	[tilespmem:$0x18A00] =	vst v63  }
0x49: {  	s2 =	simm.s32 $0x2400  }
0x4a: {  	[tilespmem:s2], [sflag:$0x1] =	stream.indirect_vreg.gather [hbm4b:s16+s6], $0x80, v3, vm0, $0xb8;
	[tilespmem:$0x18A00] =	vst v63  }
0x4b: {  	s11 =	simm.s32 $0x2C00  }
0x4c: {  	[tilespmem:s11], [sflag:$0x1] =	stream.indirect_vreg.gather [hbm4b:s17+s6], $0x80, v3, vm0, $0xb8;
	[tilespmem:$0x18A00] =	vst v63  }
0x4d: {  	v3 =	vld [tilespmem:$0x10];
	_ =	sdelay $0x4  }
0x4e: {  	v63 =	vshrl.u32 v3, $0x3  }
0x4f: {  	v4 =	vmul.u32 $0x30, v63  }
0x50: {  	v3 =	vand.u32 $0x7, v3  }
0x51: {  	v3 =	vor.u32 v3, v4  }
0x52: {  	v4 =	vperm.xlane v3, v0;
	_ =	sdelay $0x1  }
0x53: {  	v4 =	vadd.s32 v1, v4;
	_ =	sdelay $0x3  }
0x54: {  	s12 =	simm.s32 $0x3400;
	v3 =	vperm.xlane v3, v2  }
0x55: {  	[tilespmem:s12], [sflag:$0x1] =	stream.indirect_vreg.gather [hbm4b:s1+s6], $0x80, v4, vm0, $0xb8;
	[tilespmem:$0x18A00] =	vst v63  }
0x56: {  	s13 =	simm.s32 $0x3C00;
	v3 =	vadd.s32 v1, v3  }
0x57: {  	[tilespmem:s13], [sflag:$0x1] =	stream.indirect_vreg.gather [hbm4b:s16+s6], $0x80, v4, vm0, $0xb8;
	[tilespmem:$0x18A00] =	vst v63  }
0x58: {  	s14 =	simm.s32 $0x4400  }
0x59: {  	[tilespmem:s14], [sflag:$0x1] =	stream.indirect_vreg.gather [hbm4b:s17+s6], $0x80, v4, vm0, $0xb8;
	[tilespmem:$0x18A00] =	vst v63  }
0x5a: {  	s15 =	simm.s32 $0x4C00  }
0x5b: {  	[tilespmem:s15], [sflag:$0x1] =	stream.indirect_vreg.gather [hbm4b:s1+s6], $0x80, v3, vm0, $0xb8;
	[tilespmem:$0x18A00] =	vst v63  }
0x5c: {  	s18 =	simm.s32 $0x5400  }
0x5d: {  	[tilespmem:s18], [sflag:$0x1] =	stream.indirect_vreg.gather [hbm4b:s16+s6], $0x80, v3, vm0, $0xb8;
	[tilespmem:$0x18A00] =	vst v63  }
0x5e: {  	s26 =	simm.s32 $0x5C00;
	s28 =	simm.s32 $0x4  }
0x5f: {  	[tilespmem:s26], [sflag:$0x1] =	stream.indirect_vreg.gather [hbm4b:s17+s6], $0x80, v3, vm0, $0xb8;
	[tilespmem:$0x18A00] =	vst v63  }
0x60: {  	_ =	swait.ge [sflag:s28], $0x40  }
0x61: {  	[sflag:s28] =	ssyncset.done $0x0  }
0x62: {  	[sflag:s28] =	ssyncadd.s32 $0xFFFFFFC0  }
0x63: {  	_ =	swait.ge [sflag:s28], $0x40  }
0x64: {  	[sflag:s28] =	ssyncset.done $0x0  }
0x65: {  	[sflag:s28] =	ssyncadd.s32 $0xFFFFFFC0  }
0x66: {  	_ =	swait.ge [sflag:s28], $0x40  }
0x67: {  	[sflag:s28] =	ssyncset.done $0x0  }
0x68: {  	[sflag:s28] =	ssyncadd.s32 $0xFFFFFFC0  }
0x69: {  	_ =	swait.ge [sflag:s28], $0x40  }
0x6a: {  	[sflag:s28] =	ssyncset.done $0x0  }
0x6b: {  	s29 =	simm.s32 $0x5;
	[sflag:s28] =	ssyncadd.s32 $0xFFFFFFC0  }
0x6c: {  	_ =	swait.ge [sflag:s29], $0x600  }
0x6d: {  	[sflag:s29] =	ssyncset.done $0x0  }
0x6e: {  	[sflag:s29] =	ssyncadd.s32 $0xFFFFFA00  }
0x6f: {  	_ =	swait.ge [sflag:s29], $0xC000  }
0x70: {  	[sflag:s29] =	ssyncset.done $0x0  }
0x71: {  	s13 =	simm.s32 $0x0;
	[sflag:s29] =	ssyncadd.s32 $0xFFFF4000  }
.LBB2_2:
0x72: {  	_ =	swait.ge [sflag:s31], $0x6000  }
0x73: {  	p0 =	seq.s32 s13, $0x0;
	[sflag:s31] =	ssyncset.done $0x0  }
0x74: {  	s11 =	simm.s32 @!p0 $0x7;
	[sflag:s31] =	ssyncadd.s32 $0xFFFFA000  }
0x75: {  	_ =	swait.ge @!p0 [sflag:s11], $0x6000  }
0x76: {  	s12 =	sshll.u32 s13, $0x7;
	[sflag:s11] =	ssyncset.done @!p0 $0x0  }
0x77: {  	s14 =	sand.u32 $0x3FFFFF80, s12;
	[sflag:s11] =	ssyncadd.s32 @!p0 $0xFFFFA000  }
0x78: {  	v3 =	vld [tilespmem:s14+$0x20];
	_ =	sdelay $0x4  }
0x79: {  	v4 =	vshrl.u32 v3, $0x3  }
0x7a: {  	v4 =	vmul.u32 $0x30, v4  }
0x7b: {  	v3 =	vand.u32 $0x7, v3  }
0x7c: {  	v3 =	vor.u32 v3, v4  }
0x7d: {  	v4 =	vperm.xlane v3, v0;
	_ =	sdelay $0x1  }
0x7e: {  	v4 =	vadd.s32 v1, v4;
	_ =	sdelay $0x3  }
0x7f: {  	s18 =	simm.s32 $0x0;
	v3 =	vperm.xlane v3, v2  }
0x80: {  	[tilespmem:s3], [sflag:$0x2] =	stream.indirect_vreg.gather [hbm4b:s1+s18], $0x80, v4, vm0, $0xb8;
	[tilespmem:$0x18A00] =	vst v63  }
0x81: {  	s0 =	simm.s32 $0x6C00;
	v3 =	vadd.s32 v1, v3  }
0x82: {  	[tilespmem:s0], [sflag:$0x2] =	stream.indirect_vreg.gather [hbm4b:s16+s18], $0x80, v4, vm0, $0xb8;
	[tilespmem:$0x18A00] =	vst v63  }
0x83: {  	s15 =	simm.s32 $0x7400  }
0x84: {  	[tilespmem:s15], [sflag:$0x2] =	stream.indirect_vreg.gather [hbm4b:s17+s18], $0x80, v4, vm0, $0xb8;
	[tilespmem:$0x18A00] =	vst v63  }
0x85: {  	_ = 	snop  }
0x86: {  	[tilespmem:s19], [sflag:$0x2] =	stream.indirect_vreg.gather [hbm4b:s1+s18], $0x80, v3, vm0, $0xb8;
	[tilespmem:$0x18A00] =	vst v63  }
0x87: {  	_ = 	snop  }
0x88: {  	[tilespmem:s20], [sflag:$0x2] =	stream.indirect_vreg.gather [hbm4b:s16+s18], $0x80, v3, vm0, $0xb8;
	[tilespmem:$0x18A00] =	vst v63  }
0x89: {  	_ = 	snop  }
0x8a: {  	[tilespmem:s21], [sflag:$0x2] =	stream.indirect_vreg.gather [hbm4b:s17+s18], $0x80, v3, vm0, $0xb8;
	[tilespmem:$0x18A00] =	vst v63  }
0x8b: {  	v3 =	vld [tilespmem:s14+$0x30];
	_ =	sdelay $0x4  }
0x8c: {  	v4 =	vshrl.u32 v3, $0x3  }
0x8d: {  	v4 =	vmul.u32 $0x30, v4  }
0x8e: {  	v3 =	vand.u32 $0x7, v3  }
0x8f: {  	v3 =	vor.u32 v3, v4  }
0x90: {  	v4 =	vperm.xlane v3, v0;
	_ =	sdelay $0x1  }
0x91: {  	v4 =	vadd.s32 v1, v4;
	_ =	sdelay $0x3  }
0x92: {  	v3 =	vperm.xlane v3, v2  }
0x93: {  	[tilespmem:s22], [sflag:$0x2] =	stream.indirect_vreg.gather [hbm4b:s1+s18], $0x80, v4, vm0, $0xb8;
	[tilespmem:$0x18A00] =	vst v63  }
0x94: {  	v3 =	vadd.s32 v1, v3  }
0x95: {  	[tilespmem:s23], [sflag:$0x2] =	stream.indirect_vreg.gather [hbm4b:s16+s18], $0x80, v4, vm0, $0xb8;
	[tilespmem:$0x18A00] =	vst v63  }
0x96: {  	_ = 	snop  }
0x97: {  	[tilespmem:s24], [sflag:$0x2] =	stream.indirect_vreg.gather [hbm4b:s17+s18], $0x80, v4, vm0, $0xb8;
	[tilespmem:$0x18A00] =	vst v63  }
0x98: {  	_ = 	snop  }
0x99: {  	[tilespmem:s25], [sflag:$0x2] =	stream.indirect_vreg.gather [hbm4b:s1+s18], $0x80, v3, vm0, $0xb8;
	[tilespmem:$0x18A00] =	vst v63  }
0x9a: {  	_ = 	snop  }
0x9b: {  	[tilespmem:s7], [sflag:$0x2] =	stream.indirect_vreg.gather [hbm4b:s16+s18], $0x80, v3, vm0, $0xb8;
	[tilespmem:$0x18A00] =	vst v63  }
0x9c: {  	s26 =	sand.u32 $0x7FFFFC00, s18;
	s29 =	sand.u32 $0x70, s18  }
0x9d: {  	[tilespmem:s8], [sflag:$0x2] =	stream.indirect_vreg.gather [hbm4b:s17+s18], $0x80, v3, vm0, $0xb8;
	[tilespmem:$0x18A00] =	vst v63  }
0x9e: {  	s15 =	sor.u32 s29, s26;
	v3 =	vld [tilespmem:s14+$0x200]  }
0x9f: {  	v21 =	vld [tilespmem:s15+$0x600]  }
0xa0: {  	v22 =	vld [tilespmem:s15+$0x580]  }
0xa1: {  	v20 =	vld [tilespmem:s15+$0xC400]  }
0xa2: {  	v23 =	vld [tilespmem:s15+$0x400]  }
0xa3: {  	v24 =	vld [tilespmem:s15+$0x480]  }
0xa4: {  	s11 =	sshrl.u32 s26, $0x2;
	v25 =	vld [tilespmem:s15+$0xC700]  }
0xa5: {  	s11 =	sor.u32 s29, s11;
	v26 =	vld [tilespmem:s15+$0xC480]  }
0xa6: {  	s12 =	sadd.s32 $0x18400, s11;
	v27 =	vld [tilespmem:s15+$0xC500]  }
0xa7: {  	v29 =	vld [tilespmem:s12+$0x80];
	v3 =	vcvt.s32.f32 v3  }
0xa8: {  	v4 =	vld [tilespmem:s11+$0x18400]  }
0xa9: {  	v28 =	vld [tilespmem:s15+$0xC580];
	v5 =	vbroadcast v3, $0x0  }
0xaa: {  	v30 =	vld [tilespmem:s15+$0x680];
	v6 =	vbroadcast v3, $0x1;
	v7 =	vbroadcast v3, $0x2  }
0xab: {  	v31 =	vld [tilespmem:s15+$0x700];
	v8 =	vbroadcast v3, $0x3;
	v9 =	vbroadcast v3, $0x4  }
0xac: {  	v32 =	vld [tilespmem:s15+$0xC600];
	v23 =	vadd.f32 v20, v23;
	v10 =	vbroadcast v3, $0x5;
	v11 =	vbroadcast v3, $0x6  }
0xad: {  	v33 =	vld [tilespmem:s15+$0xC680];
	v20 =	vsub.f32 v29, v4;
	v12 =	vbroadcast v3, $0x7;
	v13 =	vbroadcast v3, $0x8  }
0xae: {  	v29 =	vld [tilespmem:s15+$0x500];
	v24 =	vadd.f32 v26, v24;
	v14 =	vbroadcast v3, $0x9;
	v15 =	vbroadcast v3, $0xA  }
0xaf: {  	v22 =	vadd.f32 v28, v22;
	v16 =	vbroadcast v3, $0xB;
	v17 =	vbroadcast v3, $0xC  }
0xb0: {  	v25 =	vadd.f32 v25, v31;
	v18 =	vbroadcast v3, $0xD;
	v19 =	vbroadcast v3, $0xE  }
0xb1: {  	v21 =	vadd.f32 v32, v21;
	v3 =	vbroadcast v3, $0xF;
	v26 =	vmul.f32 v20, v5  }
0xb2: {  	v30 =	vadd.f32 v33, v30;
	v34 =	vmul.f32 v20, v8;
	v59 =	vmul.f32 v20, v6  }
0xb3: {  	v28 =	vmul.f32 v20, v9;
	v60 =	vmul.f32 v20, v10;
	v27 =	vadd.f32 v27, v29  }
0xb4: {  	v31 =	vmul.f32 v20, v7;
	v29 =	vadd.f32 v34, v4;
	v32 =	vadd.f32 v59, v4  }
0xb5: {  	v61 =	vmul.f32 v20, v11;
	v33 =	vadd.f32 v60, v4;
	v26 =	vadd.f32 v26, v4  }
0xb6: {  	v35 =	vmul.f32 v20, v12;
	v31 =	vadd.f32 v31, v4;
	v22 =	vadd.f32 v22, v29  }
0xb7: {  	v62 =	vmul.f32 v20, v13;
	v29 =	vadd.f32 v61, v4;
	v32 =	vadd.f32 v24, v32  }
0xb8: {  	v36 =	vmul.f32 v20, v14;
	v63 =	vadd.f32 v30, v33;
	[tilespmem:s15+$0x580] =	vst v22;
	v22 =	vadd.f32 v28, v4  }
0xb9: {  	v24 =	vmul.f32 v20, v15;
	v30 =	vadd.f32 v27, v31;
	v28 =	vadd.f32 v25, v29;
	[tilespmem:s15+$0x480] =	vst v32  }
0xba: {  	v27 =	vmul.f32 v20, v18;
	v25 =	vmul.f32 v20, v16;
	[tilespmem:s15+$0x680] =	vst v63;
	v22 =	vadd.f32 v21, v22  }
0xbb: {  	v29 =	vadd.f32 v26, v23;
	v26 =	vmul.f32 v20, v17;
	v23 =	vadd.f32 v62, v4;
	[tilespmem:s15+$0x700] =	vst v28  }
0xbc: {  	s28 =	simm.s32 $0x0;
	s11 =	simm.s32 $0x80;
	v28 =	vadd.f32 v35, v4;
	v21 =	vmul.f32 v20, v19;
	[tilespmem:s15+$0x600] =	vst v22;
	v22 =	vadd.f32 v36, v4  }
.LBB2_3:
0xbd: {  	p0 =	sne.s32 s11, $0x1780;
	[tilespmem:s15+$0x500] =	vst v30;
	s12 =	sor.u32 s28, s18;
	v24 =	vadd.f32 v24, v4;
	v25 =	vadd.f32 v25, v4;
	v20 =	vmul.f32 v20, v3;
	s18 =	sadd.s32 $0x10, s18  }
0xbe: {  	v26 =	vadd.f32 v26, v4;
	s28 =	smov.u32 s11;
	s11 =	sadd.s32 $0x80, s11;
	[tilespmem:s15+$0x400] =	vst v29;
	s12 =	sor.u32 $0x380, s12;
	v27 =	vadd.f32 v27, v4  }
0xbf: {  	v29 =	vld [tilespmem:s12+$0x400];
	v20 =	vadd.f32 v20, v4  }
0xc0: {  	v30 =	vld [tilespmem:s12+$0xC400];
	_ =	sdelay $0x4  }
0xc1: {  	v29 =	vadd.f32 v30, v29;
	_ =	sdelay $0x1  }
0xc2: {  	v28 =	vadd.f32 v29, v28;
	_ =	sdelay $0x1  }
0xc3: {  	[tilespmem:s12+$0x400] =	vst v28  }
0xc4: {  	v28 =	vld [tilespmem:s15+$0x1C00]  }
0xc5: {  	v29 =	vld [tilespmem:s15+$0xDC00]  }
0xc6: {  	v30 =	vld [tilespmem:s15+$0x1C80]  }
0xc7: {  	v31 =	vld [tilespmem:s15+$0xDC80]  }
0xc8: {  	v32 =	vld [tilespmem:s15+$0x1D00]  }
0xc9: {  	v33 =	vld [tilespmem:s15+$0xDD00]  }
0xca: {  	v28 =	vadd.f32 v29, v28;
	v29 =	vld [tilespmem:s15+$0x1D80]  }
0xcb: {  	v34 =	vld [tilespmem:s15+$0xDD80]  }
0xcc: {  	v23 =	vadd.f32 v28, v23;
	v28 =	vadd.f32 v31, v30;
	v30 =	vld [tilespmem:s15+$0x1E00]  }
0xcd: {  	s12 =	sand.u32 $0x7FFFFC00, s28;
	v31 =	vld [tilespmem:s15+$0xDE00]  }
0xce: {  	s26 =	sand.u32 $0x70, s18;
	s29 =	sshrl.u32 s12, $0x2;
	[tilespmem:s15+$0x1C00] =	vst v23;
	v22 =	vadd.f32 v28, v22;
	v23 =	vadd.f32 v33, v32;
	v28 =	vld [tilespmem:s15+$0x1E80]  }
0xcf: {  	s29 =	sor.u32 s26, s29;
	v32 =	vld [tilespmem:s15+$0xDF00]  }
0xd0: {  	s0 =	sadd.s32 $0x18400, s29;
	[tilespmem:s15+$0x1C80] =	vst v22;
	v22 =	vadd.f32 v23, v24;
	v23 =	vadd.f32 v34, v29;
	v24 =	vld [tilespmem:s15+$0x1F00]  }
0xd1: {  	v29 =	vld [tilespmem:s15+$0xDE80]  }
0xd2: {  	[tilespmem:s15+$0x1D00] =	vst v22;
	v22 =	vadd.f32 v23, v25;
	v23 =	vadd.f32 v31, v30;
	v25 =	vld [tilespmem:s15+$0x1F80]  }
0xd3: {  	v30 =	vld [tilespmem:s15+$0xDF80]  }
0xd4: {  	s12 =	sor.u32 s26, s12;
	[tilespmem:s15+$0x1D80] =	vst v22;
	v22 =	vadd.f32 v23, v26  }
0xd5: {  	v4 =	vadd.f32 v21, v4;
	v23 =	vld [tilespmem:s12+$0x600];
	v24 =	vadd.f32 v32, v24  }
0xd6: {  	v21 =	vld [tilespmem:s12+$0x580];
	[tilespmem:s15+$0x1E00] =	vst v22;
	v22 =	vadd.f32 v29, v28  }
0xd7: {  	v26 =	vld [tilespmem:s12+$0xC400];
	v4 =	vadd.f32 v24, v4  }
0xd8: {  	v24 =	vld [tilespmem:s12+$0x400];
	v22 =	vadd.f32 v22, v27;
	v25 =	vadd.f32 v30, v25  }
0xd9: {  	v27 =	vld [tilespmem:s12+$0x480];
	[tilespmem:s15+$0x1F00] =	vst v4  }
0xda: {  	v28 =	vld [tilespmem:s12+$0xC700];
	[tilespmem:s15+$0x1E80] =	vst v22;
	v4 =	vadd.f32 v25, v20  }
0xdb: {  	v20 =	vld [tilespmem:s12+$0xC480]  }
0xdc: {  	v22 =	vld [tilespmem:s12+$0xC500];
	[tilespmem:s15+$0x1F80] =	vst v4;
	s15 =	smov.u32 s12  }
0xdd: {  	v25 =	vld [tilespmem:s15+$0xC580]  }
0xde: {  	v29 =	vld [tilespmem:s0+$0x80]  }
0xdf: {  	v4 =	vld [tilespmem:s29+$0x18400]  }
0xe0: {  	v30 =	vld [tilespmem:s15+$0x680]  }
0xe1: {  	v26 =	vadd.f32 v26, v24;
	v24 =	vld [tilespmem:s15+$0x700]  }
0xe2: {  	v27 =	vadd.f32 v20, v27;
	v31 =	vld [tilespmem:s15+$0xC600]  }
0xe3: {  	v32 =	vld [tilespmem:s15+$0xC680]  }
0xe4: {  	v21 =	vadd.f32 v25, v21;
	v20 =	vsub.f32 v29, v4;
	v29 =	vld [tilespmem:s15+$0x500];
	_ =	sdelay $0x1  }
0xe5: {  	v25 =	vmul.f32 v20, v5;
	v33 =	vmul.f32 v20, v9;
	v24 =	vadd.f32 v28, v24  }
0xe6: {  	v28 =	vmul.f32 v20, v7;
	v34 =	vmul.f32 v20, v8;
	v23 =	vadd.f32 v31, v23  }
0xe7: {  	v31 =	vmul.f32 v20, v6;
	v30 =	vadd.f32 v32, v30;
	v32 =	vmul.f32 v20, v10  }
0xe8: {  	v22 =	vadd.f32 v22, v29;
	v29 =	vadd.f32 v34, v4;
	v34 =	vmul.f32 v20, v11  }
0xe9: {  	v35 =	vmul.f32 v20, v12;
	v31 =	vadd.f32 v31, v4;
	v32 =	vadd.f32 v32, v4  }
0xea: {  	v21 =	vadd.f32 v21, v29;
	v29 =	vadd.f32 v34, v4;
	v34 =	vmul.f32 v20, v13  }
0xeb: {  	v36 =	vadd.f32 v25, v4;
	v25 =	vadd.f32 v27, v31;
	v27 =	vmul.f32 v20, v14  }
.Ltmp0:
0xec: {  	[tilespmem:s15+$0x580] =	vst v21;
	v21 =	vadd.f32 v33, v4;
	v31 =	vadd.f32 v24, v29;
	v24 =	vmul.f32 v20, v15;
	(pc) =	sbr.rel @p0 .LBB2_3-.Ltmp0, $4  }
0xed: {  	v28 =	vadd.f32 v28, v4;
	v32 =	vadd.f32 v30, v32;
	[tilespmem:s15+$0x480] =	vst v25;
	v25 =	vmul.f32 v20, v16  }
0xee: {  	v29 =	vadd.f32 v36, v26;
	v26 =	vmul.f32 v20, v17;
	v23 =	vadd.f32 v23, v21;
	[tilespmem:s15+$0x700] =	vst v31  }
0xef: {  	v30 =	vadd.f32 v22, v28;
	v28 =	vadd.f32 v35, v4;
	v21 =	vmul.f32 v20, v19;
	[tilespmem:s15+$0x680] =	vst v32  }
0xf0: {  	v22 =	vadd.f32 v27, v4;
	v27 =	vmul.f32 v20, v18;
	[tilespmem:s15+$0x600] =	vst v23;
	v23 =	vadd.f32 v34, v4  }
0xf1: {  	[tilespmem:s15+$0x500] =	vst v30;
	s0 =	sor.u32 s28, s18  }
0xf2: {  	[tilespmem:s15+$0x400] =	vst v29;
	s0 =	sor.u32 $0x380, s0  }
0xf3: {  	v5 =	vld [tilespmem:s0+$0x400]  }
0xf4: {  	v6 =	vld [tilespmem:s0+$0xC400];
	_ =	sdelay $0x4  }
0xf5: {  	v5 =	vadd.f32 v6, v5;
	_ =	sdelay $0x1  }
0xf6: {  	v5 =	vadd.f32 v5, v28;
	_ =	sdelay $0x1  }
0xf7: {  	[tilespmem:s0+$0x400] =	vst v5  }
0xf8: {  	v5 =	vld [tilespmem:s15+$0x1C00]  }
0xf9: {  	v6 =	vld [tilespmem:s15+$0xDC00]  }
0xfa: {  	v7 =	vld [tilespmem:s15+$0x1C80]  }
0xfb: {  	v8 =	vld [tilespmem:s15+$0xDC80]  }
0xfc: {  	v9 =	vld [tilespmem:s15+$0x1D00]  }
0xfd: {  	v10 =	vld [tilespmem:s15+$0xDD00]  }
0xfe: {  	v11 =	vld [tilespmem:s15+$0xDD80]  }
0xff: {  	v12 =	vld [tilespmem:s15+$0x1E00];
	v5 =	vadd.f32 v6, v5  }
0x100: {  	v14 =	vld [tilespmem:s15+$0x1F80]  }
0x101: {  	v6 =	vld [tilespmem:s15+$0x1D80];
	v7 =	vadd.f32 v8, v7;
	v5 =	vadd.f32 v5, v23  }
0x102: {  	v13 =	vadd.f32 v24, v4;
	v8 =	vld [tilespmem:s15+$0xDE00]  }
0x103: {  	v9 =	vadd.f32 v10, v9;
	v10 =	vld [tilespmem:s15+$0xDF00];
	[tilespmem:s15+$0x1C00] =	vst v5;
	v5 =	vadd.f32 v7, v22  }
0x104: {  	v7 =	vld [tilespmem:s15+$0x1E80]  }
0x105: {  	[tilespmem:s15+$0x1C80] =	vst v5;
	v5 =	vadd.f32 v9, v13;
	v9 =	vld [tilespmem:s15+$0x1F00]  }
0x106: {  	v3 =	vmul.f32 v20, v3;
	v15 =	vadd.f32 v26, v4;
	v13 =	vld [tilespmem:s15+$0xDE80]  }
0x107: {  	v6 =	vadd.f32 v11, v6;
	v11 =	vld [tilespmem:s15+$0xDF80];
	[tilespmem:s15+$0x1D00] =	vst v5;
	v5 =	vadd.f32 v25, v4  }
0x108: {  	v16 =	vadd.f32 v27, v4;
	v3 =	vadd.f32 v3, v4  }
0x109: {  	v5 =	vadd.f32 v6, v5;
	v6 =	vadd.f32 v8, v12  }
0x10a: {  	v4 =	vadd.f32 v21, v4;
	v8 =	vadd.f32 v10, v9  }
0x10b: {  	v7 =	vadd.f32 v13, v7;
	v6 =	vadd.f32 v6, v15  }
0x10c: {  	[tilespmem:s15+$0x1D80] =	vst v5;
	v5 =	vadd.f32 v11, v14;
	v4 =	vadd.f32 v8, v4  }
0x10d: {  	[tilespmem:s15+$0x1E00] =	vst v6;
	v6 =	vadd.f32 v7, v16  }
0x10e: {  	v3 =	vadd.f32 v5, v3;
	[tilespmem:s15+$0x1F00] =	vst v4  }
0x10f: {  	s29 =	simm.s32 $0x0;
	[tilespmem:s15+$0x1E80] =	vst v6  }
0x110: {  	s11 =	sand.u32 $0x70, s29;
	s0 =	sand.u32 $0x7FFFFC00, s29;
	[tilespmem:s15+$0x1F80] =	vst v3  }
0x111: {  	s18 =	sor.u32 s11, s0;
	v3 =	vld [tilespmem:s14+$0x210]  }
0x112: {  	v8 =	vld [tilespmem:s18+$0xF680]  }
0x113: {  	v14 =	vld [tilespmem:s18+$0x10E00]  }
0x114: {  	v9 =	vld [tilespmem:s18+$0x10F80]  }
0x115: {  	v19 =	vld [tilespmem:s18+$0x10F00]  }
0x116: {  	v10 =	vld [tilespmem:s18+$0xF480]  }
0x117: {  	v21 =	vld [tilespmem:s18+$0xF500]  }
0x118: {  	v22 =	vld [tilespmem:s18+$0x3680]  }
0x119: {  	v23 =	vld [tilespmem:s18+$0xF780]  }
0x11a: {  	v25 =	vld [tilespmem:s18+$0x10C00]  }
0x11b: {  	v33 =	vld [tilespmem:s18+$0x3400]  }
0x11c: {  	v26 =	vld [tilespmem:s18+$0x4F00]  }
0x11d: {  	v29 =	vld [tilespmem:s18+$0x4C80]  }
0x11e: {  	v32 =	vld [tilespmem:s18+$0x4D00]  }
0x11f: {  	v27 =	vld [tilespmem:s18+$0x4F80]  }
0x120: {  	v34 =	vld [tilespmem:s18+$0x10C80]  }
0x121: {  	v35 =	vld [tilespmem:s18+$0x4C00]  }
0x122: {  	v36 =	vld [tilespmem:s18+$0x3500]  }
0x123: {  	v37 =	vld [tilespmem:s18+$0x3780]  }
0x124: {  	v24 =	vld [tilespmem:s18+$0xF700]  }
0x125: {  	s0 =	sshrl.u32 s0, $0x2;
	v41 =	vld [tilespmem:s18+$0x10D00]  }
0x126: {  	s0 =	sor.u32 s11, s0;
	v42 =	vld [tilespmem:s18+$0xF400];
	v39 =	vcvt.s32.f32 v3  }
0x127: {  	s11 =	sadd.s32 $0x18400, s0;
	v6 =	vld [tilespmem:s0+$0x18400];
	v30 =	vadd.f32 v19, v26;
	v31 =	vadd.f32 v8, v22  }
0x128: {  	v44 =	vld [tilespmem:s11+$0x80];
	v28 =	vadd.f32 v9, v27;
	v16 =	vbroadcast v39, $0x0;
	v5 =	vbroadcast v39, $0x1  }
0x129: {  	v43 =	vld [tilespmem:s18+$0x4E80];
	v27 =	vadd.f32 v21, v36;
	v12 =	vbroadcast v39, $0x2;
	v7 =	vbroadcast v39, $0x3  }
0x12a: {  	v45 =	vld [tilespmem:s18+$0x10E80];
	v26 =	vadd.f32 v23, v37;
	v3 =	vbroadcast v39, $0x4;
	v18 =	vbroadcast v39, $0x5  }
0x12b: {  	v38 =	vld [tilespmem:s18+$0x3600];
	v22 =	vadd.f32 v25, v35;
	v4 =	vbroadcast v39, $0x6;
	v15 =	vbroadcast v39, $0x7  }
0x12c: {  	v40 =	vld [tilespmem:s18+$0xF600];
	v29 =	vadd.f32 v34, v29;
	v13 =	vbroadcast v39, $0x8;
	v17 =	vbroadcast v39, $0x9  }
0x12d: {  	v36 =	vld [tilespmem:s18+$0x4E00];
	v25 =	vsub.f32 v44, v6;
	v20 =	vbroadcast v39, $0xA;
	v11 =	vbroadcast v39, $0xB  }
0x12e: {  	v37 =	vld [tilespmem:s18+$0x3580];
	v32 =	vadd.f32 v41, v32;
	v8 =	vbroadcast v39, $0xC;
	v9 =	vbroadcast v39, $0xD  }
0x12f: {  	v33 =	vadd.f32 v42, v33;
	v34 =	vld [tilespmem:s18+$0x3480];
	v23 =	vbroadcast v39, $0xE;
	v21 =	vbroadcast v39, $0xF  }
0x130: {  	s12 =	simm.s32 $0x80;
	s11 =	simm.s32 $0x10;
	v19 =	vadd.f32 v45, v43;
	v39 =	vld [tilespmem:s18+$0xF580];
	v41 =	vmul.f32 v25, v18;
	v35 =	vmul.f32 v25, v20  }
.LBB2_5:
0x131: {  	s15 =	smov.u32 s12  }
0x132: {  	s0 =	sand.u32 $0x70, s11;
	s26 =	sand.u32 $0x7FFFFC00, s12;
	v42 =	vmul.f32 v25, v16;
	v38 =	vadd.f32 v40, v38;
	v40 =	vld [tilespmem:s18+$0x4D80];
	v43 =	vmul.f32 v25, v23;
	s15 =	sadd.s32 $0x80, s12  }
0x133: {  	p0 =	sne.s32 s12, $0x1780;
	v44 =	vmul.f32 v25, v17;
	v46 =	vmul.f32 v25, v8;
	s29 =	sshrl.u32 s26, $0x2;
	s28 =	sor.u32 s0, s26;
	v41 =	vadd.f32 v41, v6;
	v45 =	vld [tilespmem:s18+$0x10D80]  }
0x134: {  	v48 =	vmul.f32 v25, v21;
	v36 =	vadd.f32 v14, v36;
	s29 =	sor.u32 s0, s29;
	v43 =	vadd.f32 v43, v6;
	v47 =	vld [tilespmem:s28+$0xF680]  }
0x135: {  	s26 =	sadd.s32 $0x18400, s29;
	v37 =	vadd.f32 v39, v37;
	v31 =	vadd.f32 v31, v41;
	v41 =	vmul.f32 v25, v13;
	v39 =	vld [tilespmem:s18+$0x3700]  }
0x136: {  	v49 =	vmul.f32 v25, v12;
	v42 =	vadd.f32 v42, v6;
	v30 =	vadd.f32 v30, v43;
	v14 =	vld [tilespmem:s28+$0x10E00]  }
0x137: {  	v35 =	vadd.f32 v35, v6;
	v34 =	vadd.f32 v10, v34;
	v43 =	vld [tilespmem:s28+$0x10F80];
	[tilespmem:s18+$0x3680] =	vst v31;
	v31 =	vmul.f32 v25, v15  }
0x138: {  	v51 =	vmul.f32 v25, v5;
	v44 =	vadd.f32 v44, v6;
	v50 =	vld [tilespmem:s28+$0x10F00];
	v40 =	vadd.f32 v45, v40  }
0x139: {  	v33 =	vadd.f32 v42, v33;
	v42 =	vmul.f32 v25, v3;
	v10 =	vld [tilespmem:s28+$0xF480];
	[tilespmem:s18+$0x4F00] =	vst v30;
	v30 =	vadd.f32 v48, v6  }
0x13a: {  	v32 =	vadd.f32 v32, v35;
	v35 =	vmul.f32 v25, v9;
	v45 =	vld [tilespmem:s28+$0xF500];
	v24 =	vadd.f32 v24, v39  }
0x13b: {  	v39 =	vld [tilespmem:s28+$0x3680];
	[tilespmem:s18+$0x3400] =	vst v33;
	v33 =	vadd.f32 v46, v6;
	v28 =	vadd.f32 v28, v30  }
0x13c: {  	v48 =	vmul.f32 v25, v7;
	v31 =	vadd.f32 v31, v6;
	v30 =	vadd.f32 v49, v6;
	v46 =	vld [tilespmem:s28+$0xF780];
	[tilespmem:s18+$0x4D00] =	vst v32  }
0x13d: {  	v29 =	vadd.f32 v29, v44;
	v44 =	vmul.f32 v25, v11;
	v41 =	vadd.f32 v41, v6;
	v32 =	vld [tilespmem:s28+$0x10C00];
	[tilespmem:s18+$0x4F80] =	vst v28  }
0x13e: {  	v27 =	vadd.f32 v27, v30;
	v28 =	vadd.f32 v48, v6;
	v49 =	vld [tilespmem:s28+$0x3400]  }
0x13f: {  	v26 =	vadd.f32 v26, v31;
	v30 =	vld [tilespmem:s28+$0x4F00];
	[tilespmem:s18+$0x4C80] =	vst v29;
	v29 =	vadd.f32 v44, v6  }
0x140: {  	v25 =	vmul.f32 v25, v4;
	v31 =	vadd.f32 v51, v6;
	v44 =	vld [tilespmem:s28+$0x4C80];
	[tilespmem:s18+$0x3500] =	vst v27;
	v27 =	vadd.f32 v37, v28  }
0x141: {  	v22 =	vadd.f32 v22, v41;
	v37 =	vld [tilespmem:s28+$0x4D00];
	[tilespmem:s18+$0x3780] =	vst v26;
	v26 =	vadd.f32 v40, v29  }
0x142: {  	v25 =	vadd.f32 v25, v6;
	v29 =	vadd.f32 v34, v31;
	v28 =	vld [tilespmem:s28+$0x4F80];
	[tilespmem:s18+$0x3580] =	vst v27  }
0x143: {  	v27 =	vadd.f32 v35, v6;
	v34 =	vld [tilespmem:s28+$0x10C80];
	[tilespmem:s18+$0x4C00] =	vst v22;
	v22 =	vadd.f32 v36, v33  }
0x144: {  	v24 =	vadd.f32 v24, v25;
	v33 =	vld [tilespmem:s28+$0x4C00];
	v30 =	vadd.f32 v50, v30;
	[tilespmem:s18+$0x3480] =	vst v29  }
0x145: {  	v6 =	vadd.f32 v42, v6;
	v19 =	vadd.f32 v19, v27;
	v25 =	vld [tilespmem:s28+$0x3500];
	[tilespmem:s18+$0x4D80] =	vst v26  }
0x146: {  	v31 =	vadd.f32 v47, v39;
	v26 =	vld [tilespmem:s28+$0x3780];
	[tilespmem:s18+$0x3700] =	vst v24  }
0x147: {  	v6 =	vadd.f32 v38, v6;
	v24 =	vld [tilespmem:s28+$0xF700];
	v28 =	vadd.f32 v43, v28;
	[tilespmem:s18+$0x4E00] =	vst v22  }
0x148: {  	v35 =	vld [tilespmem:s28+$0x10D00];
	[tilespmem:s18+$0x4E80] =	vst v19  }
0x149: {  	v19 =	vld [tilespmem:s28+$0xF400];
	[tilespmem:s18+$0x3600] =	vst v6;
	s18 =	smov.u32 s28  }
0x14a: {  	v27 =	vadd.f32 v45, v25;
	v41 =	vld [tilespmem:s18+$0x4E80]  }
0x14b: {  	v6 =	vld [tilespmem:s29+$0x18400];
	v26 =	vadd.f32 v46, v26  }
0x14c: {  	v22 =	vadd.f32 v32, v33;
	v25 =	vld [tilespmem:s26+$0x80]  }
0x14d: {  	v42 =	vld [tilespmem:s18+$0x10E80]  }
0x14e: {  	v29 =	vadd.f32 v34, v44;
	v38 =	vld [tilespmem:s18+$0x3600]  }
.Ltmp1:
0x14f: {  	v40 =	vld [tilespmem:s18+$0xF600];
	(pc) =	sbr.rel @p0 .LBB2_5-.Ltmp1, $4  }
0x150: {  	v32 =	vadd.f32 v35, v37;
	v36 =	vld [tilespmem:s18+$0x4E00]  }
0x151: {  	v33 =	vadd.f32 v19, v49;
	v25 =	vsub.f32 v25, v6;
	v37 =	vld [tilespmem:s18+$0x3580]  }
0x152: {  	v39 =	vld [tilespmem:s18+$0xF580];
	v19 =	vadd.f32 v42, v41  }
0x153: {  	s11 =	sadd.s32 $0x10, s11;
	s12 =	smov.u32 s15;
	v34 =	vld [tilespmem:s18+$0x3480];
	v41 =	vmul.f32 v25, v18;
	v35 =	vmul.f32 v25, v20  }
0x154: {  	v20 =	vmul.f32 v25, v23  }
0x155: {  	v23 =	vadd.f32 v40, v38;
	v16 =	vmul.f32 v25, v16;
	v17 =	vmul.f32 v25, v17  }
0x156: {  	v21 =	vmul.f32 v25, v21;
	v12 =	vmul.f32 v25, v12;
	v52 =	vadd.f32 v41, v6  }
0x157: {  	v15 =	vmul.f32 v25, v15;
	v20 =	vadd.f32 v20, v6;
	v16 =	vadd.f32 v16, v6  }
0x158: {  	v7 =	vmul.f32 v25, v7;
	v17 =	vadd.f32 v17, v6;
	v21 =	vadd.f32 v21, v6  }
0x159: {  	v13 =	vmul.f32 v25, v13;
	v12 =	vadd.f32 v12, v6;
	v15 =	vadd.f32 v15, v6  }
0x15a: {  	v5 =	vmul.f32 v25, v5;
	v7 =	vadd.f32 v7, v6;
	v31 =	vadd.f32 v31, v52  }
0x15b: {  	v11 =	vmul.f32 v25, v11;
	v13 =	vadd.f32 v13, v6;
	v20 =	vadd.f32 v30, v20  }
0x15c: {  	v3 =	vmul.f32 v25, v3;
	v5 =	vadd.f32 v5, v6;
	v16 =	vadd.f32 v16, v33;
	[tilespmem:s18+$0x3680] =	vst v31  }
0x15d: {  	v55 =	vld [tilespmem:s18+$0x3700];
	v11 =	vadd.f32 v11, v6;
	v17 =	vadd.f32 v29, v17;
	[tilespmem:s18+$0x4F00] =	vst v20  }
0x15e: {  	v18 =	vld [tilespmem:s18+$0x4D80];
	v3 =	vadd.f32 v3, v6;
	v12 =	vadd.f32 v27, v12;
	[tilespmem:s18+$0x3400] =	vst v16  }
0x15f: {  	v53 =	vld [tilespmem:s18+$0x10D80];
	v4 =	vmul.f32 v25, v4;
	v54 =	vadd.f32 v39, v37;
	v15 =	vadd.f32 v26, v15;
	[tilespmem:s18+$0x4C80] =	vst v17  }
0x160: {  	v30 =	vadd.f32 v35, v6;
	v3 =	vadd.f32 v23, v3;
	[tilespmem:s18+$0x3500] =	vst v12  }
0x161: {  	v4 =	vadd.f32 v4, v6;
	v7 =	vadd.f32 v54, v7;
	[tilespmem:s18+$0x3780] =	vst v15  }
0x162: {  	v20 =	vadd.f32 v24, v55;
	v24 =	vadd.f32 v32, v30;
	[tilespmem:s18+$0x3600] =	vst v3  }
0x163: {  	v9 =	vmul.f32 v25, v9;
	v10 =	vadd.f32 v10, v34;
	v16 =	vadd.f32 v28, v21;
	[tilespmem:s18+$0x3580] =	vst v7  }
0x164: {  	v8 =	vmul.f32 v25, v8;
	v18 =	vadd.f32 v53, v18;
	v12 =	vadd.f32 v22, v13;
	[tilespmem:s18+$0x4D00] =	vst v24  }
0x165: {  	v9 =	vadd.f32 v9, v6;
	v5 =	vadd.f32 v10, v5;
	[tilespmem:s18+$0x4F80] =	vst v16  }
0x166: {  	s0 =	sshll.u32 s13, $0xB;
	v7 =	vadd.f32 v8, v6;
	v8 =	vadd.f32 v18, v11;
	[tilespmem:s18+$0x4C00] =	vst v12  }
0x167: {  	v14 =	vadd.f32 v14, v36;
	s0 =	sor.u32 s5, s0;
	v6 =	vadd.f32 v19, v9;
	[tilespmem:s18+$0x3480] =	vst v5  }
0x168: {  	s15 =	sshrl.u32 s0, $0x3;
	v4 =	vadd.f32 v20, v4;
	[tilespmem:s18+$0x4D80] =	vst v8  }
0x169: {  	s0 =	smul.u32 $0x300, s15;
	v5 =	vadd.f32 v14, v7;
	[tilespmem:s18+$0x4E80] =	vst v6  }
0x16a: {  	[tilespmem:s18+$0x3700] =	vst v4  }
0x16b: {  	s0 =	sadd.s32 s4, s0;
	[tilespmem:s18+$0x4E00] =	vst v5  }
0x16c: {  	[hbm4b:s0+s6] =	stream.linear.scatter [tilespmem:s30], [sflag:$0x6], $0x6000, $0x38;
	[tilespmem:$0x18A00] =	vst v63  }
0x16d: {  	_ =	swait.ge [sflag:s9], $0x6000  }
0x16e: {  	[sflag:s9] =	ssyncset.done $0x0  }
0x16f: {  	[sflag:s9] =	ssyncadd.s32 $0xFFFFA000  }
0x170: {  	_ =	swait.ge [sflag:s10], $0x6000  }
0x171: {  	[sflag:s10] =	ssyncset.done $0x0  }
0x172: {  	p0 =	seq.s32 s13, $0x3;
	[sflag:s10] =	ssyncadd.s32 $0xFFFFA000  }
0x173: {  	v3 =	vld @!p0 [tilespmem:s14+$0x80];
	_ =	sdelay $0x4  }
0x174: {  	v4 =	vshrl.u32 @!p0 v3, $0x3  }
0x175: {  	v4 =	vmul.u32 @!p0 $0x30, v4  }
0x176: {  	v5 =	vlaneseq.u32 @!p0;
	v3 =	vand.u32 @!p0 $0x7, v3  }
0x177: {  	v6 =	vshrl.u32 @!p0 v5, $0x3;
	v3 =	vor.u32 @!p0 v3, v4;
	v4 =	vand.u32 @!p0 $0x7, v5  }
0x178: {  	v6 =	vmul.u32 @!p0 $0x8, v6;
	v7 =	vperm.xlane @!p0 v3, v4;
	_ =	sdelay $0x1  }
0x179: {  	v7 =	vadd.s32 @!p0 v6, v7;
	_ =	sdelay $0x2  }
0x17a: {  	v5 =	vor.u32 @!p0 $0x8, v5  }
0x17b: {  	vm1 =	vmmov @!p0 $0xffff;
	s11 =	simm.s32 @!p0 $0x400;
	s0 =	simm.s32 @!p0 $0x0;
	v3 =	vperm.xlane @!p0 v3, v5  }
0x17c: {  	[tilespmem:s11], [sflag:$0x1] =	stream.indirect_vreg.gather @!p0 [hbm4b:s1+s0], $0x80, v7, vm1, $0xb8;
	[tilespmem:$0x18A00] =	vst v63  }
0x17d: {  	v3 =	vadd.s32 @!p0 v6, v3;
	s11 =	simm.s32 @!p0 $0xC00  }
0x17e: {  	[tilespmem:s11], [sflag:$0x1] =	stream.indirect_vreg.gather @!p0 [hbm4b:s16+s0], $0x80, v7, vm1, $0xb8;
	[tilespmem:$0x18A00] =	vst v63  }
0x17f: {  	s11 =	simm.s32 @!p0 $0x1400  }
0x180: {  	[tilespmem:s11], [sflag:$0x1] =	stream.indirect_vreg.gather @!p0 [hbm4b:s17+s0], $0x80, v7, vm1, $0xb8;
	[tilespmem:$0x18A00] =	vst v63  }
0x181: {  	s11 =	simm.s32 @!p0 $0x1C00  }
0x182: {  	[tilespmem:s11], [sflag:$0x1] =	stream.indirect_vreg.gather @!p0 [hbm4b:s1+s0], $0x80, v3, vm1, $0xb8;
	[tilespmem:$0x18A00] =	vst v63  }
0x183: {  	s11 =	simm.s32 @!p0 $0x2400  }
0x184: {  	[tilespmem:s11], [sflag:$0x1] =	stream.indirect_vreg.gather @!p0 [hbm4b:s16+s0], $0x80, v3, vm1, $0xb8;
	[tilespmem:$0x18A00] =	vst v63  }
0x185: {  	s11 =	simm.s32 @!p0 $0x2C00  }
0x186: {  	[tilespmem:s11], [sflag:$0x1] =	stream.indirect_vreg.gather @!p0 [hbm4b:s17+s0], $0x80, v3, vm1, $0xb8;
	[tilespmem:$0x18A00] =	vst v63  }
0x187: {  	v3 =	vld @!p0 [tilespmem:s14+$0x90];
	_ =	sdelay $0x4  }
0x188: {  	v7 =	vshrl.u32 @!p0 v3, $0x3  }
0x189: {  	v7 =	vmul.u32 @!p0 $0x30, v7  }
0x18a: {  	v3 =	vand.u32 @!p0 $0x7, v3  }
0x18b: {  	v3 =	vor.u32 @!p0 v3, v7  }
0x18c: {  	v4 =	vperm.xlane @!p0 v3, v4;
	_ =	sdelay $0x1  }
0x18d: {  	v4 =	vadd.s32 @!p0 v6, v4;
	_ =	sdelay $0x3  }
0x18e: {  	s11 =	simm.s32 @!p0 $0x3400;
	v3 =	vperm.xlane @!p0 v3, v5  }
0x18f: {  	[tilespmem:s11], [sflag:$0x1] =	stream.indirect_vreg.gather @!p0 [hbm4b:s1+s0], $0x80, v4, vm1, $0xb8;
	[tilespmem:$0x18A00] =	vst v63  }
0x190: {  	v3 =	vadd.s32 @!p0 v6, v3;
	s11 =	simm.s32 @!p0 $0x3C00  }
0x191: {  	[tilespmem:s11], [sflag:$0x1] =	stream.indirect_vreg.gather @!p0 [hbm4b:s16+s0], $0x80, v4, vm1, $0xb8;
	[tilespmem:$0x18A00] =	vst v63  }
0x192: {  	s11 =	simm.s32 @!p0 $0x4400  }
0x193: {  	[tilespmem:s11], [sflag:$0x1] =	stream.indirect_vreg.gather @!p0 [hbm4b:s17+s0], $0x80, v4, vm1, $0xb8;
	[tilespmem:$0x18A00] =	vst v63  }
0x194: {  	s11 =	simm.s32 @!p0 $0x4C00  }
0x195: {  	[tilespmem:s11], [sflag:$0x1] =	stream.indirect_vreg.gather @!p0 [hbm4b:s1+s0], $0x80, v3, vm1, $0xb8;
	[tilespmem:$0x18A00] =	vst v63  }
0x196: {  	s11 =	simm.s32 @!p0 $0x5400  }
0x197: {  	[tilespmem:s11], [sflag:$0x1] =	stream.indirect_vreg.gather @!p0 [hbm4b:s16+s0], $0x80, v3, vm1, $0xb8;
	[tilespmem:$0x18A00] =	vst v63  }
0x198: {  	s28 =	simm.s32 $0x0;
	s11 =	simm.s32 @!p0 $0x5C00  }
0x199: {  	[tilespmem:s11], [sflag:$0x1] =	stream.indirect_vreg.gather @!p0 [hbm4b:s17+s0], $0x80, v3, vm1, $0xb8;
	[tilespmem:$0x18A00] =	vst v63  }
0x19a: {  	s29 =	sand.u32 $0x70, s28;
	s0 =	sand.u32 $0x7FFFFC00, s28  }
0x19b: {  	v3 =	vld [tilespmem:s14+$0x220];
	s18 =	sor.u32 s29, s0  }
0x19c: {  	v8 =	vld [tilespmem:s18+$0x12680]  }
0x19d: {  	v14 =	vld [tilespmem:s18+$0x13E00]  }
0x19e: {  	v9 =	vld [tilespmem:s18+$0x13F80]  }
0x19f: {  	v19 =	vld [tilespmem:s18+$0x13F00]  }
0x1a0: {  	v10 =	vld [tilespmem:s18+$0x12480]  }
0x1a1: {  	v21 =	vld [tilespmem:s18+$0x12500]  }
0x1a2: {  	v22 =	vld [tilespmem:s18+$0x6680]  }
0x1a3: {  	v23 =	vld [tilespmem:s18+$0x12780]  }
0x1a4: {  	v25 =	vld [tilespmem:s18+$0x13C00]  }
0x1a5: {  	v56 =	vld [tilespmem:s18+$0x6400]  }
0x1a6: {  	v26 =	vld [tilespmem:s18+$0x7F00]  }
0x1a7: {  	v29 =	vld [tilespmem:s18+$0x7C80]  }
0x1a8: {  	v57 =	vld [tilespmem:s18+$0x7D00]  }
0x1a9: {  	v27 =	vld [tilespmem:s18+$0x7F80]  }
0x1aa: {  	v58 =	vld [tilespmem:s18+$0x13C80]  }
0x1ab: {  	v59 =	vld [tilespmem:s18+$0x7C00]  }
0x1ac: {  	v60 =	vld [tilespmem:s18+$0x6500]  }
0x1ad: {  	v62 =	vld [tilespmem:s18+$0x6780]  }
0x1ae: {  	v24 =	vld [tilespmem:s18+$0x12700]  }
0x1af: {  	v63 =	vld [tilespmem:s18+$0x13D00]  }
0x1b0: {  	s0 =	sshrl.u32 s0, $0x2;
	v42 =	vld [tilespmem:s18+$0x12400];
	v61 =	vcvt.s32.f32 v3  }
0x1b1: {  	s0 =	sor.u32 s29, s0;
	v43 =	vld [tilespmem:s18+$0x7E80];
	v30 =	vadd.f32 v19, v26;
	v31 =	vadd.f32 v8, v22  }
0x1b2: {  	s11 =	sadd.s32 $0x18400, s0;
	v6 =	vld [tilespmem:s0+$0x18400];
	v28 =	vadd.f32 v9, v27;
	v16 =	vbroadcast v61, $0x0;
	v5 =	vbroadcast v61, $0x1  }
0x1b3: {  	v44 =	vld [tilespmem:s11+$0x80];
	v27 =	vadd.f32 v21, v60;
	v12 =	vbroadcast v61, $0x2;
	v7 =	vbroadcast v61, $0x3  }
0x1b4: {  	v45 =	vld [tilespmem:s18+$0x13E80];
	v26 =	vadd.f32 v23, v62;
	v3 =	vbroadcast v61, $0x4;
	v18 =	vbroadcast v61, $0x5  }
0x1b5: {  	v38 =	vld [tilespmem:s18+$0x6600];
	v22 =	vadd.f32 v25, v59;
	v4 =	vbroadcast v61, $0x6;
	v15 =	vbroadcast v61, $0x7  }
0x1b6: {  	v40 =	vld [tilespmem:s18+$0x12600];
	v29 =	vadd.f32 v58, v29;
	v13 =	vbroadcast v61, $0x8;
	v17 =	vbroadcast v61, $0x9  }
0x1b7: {  	v36 =	vld [tilespmem:s18+$0x7E00];
	v32 =	vadd.f32 v63, v57;
	v20 =	vbroadcast v61, $0xA;
	v11 =	vbroadcast v61, $0xB  }
0x1b8: {  	v37 =	vld [tilespmem:s18+$0x6580];
	v8 =	vbroadcast v61, $0xC;
	v9 =	vbroadcast v61, $0xD;
	v25 =	vsub.f32 v44, v6  }
0x1b9: {  	v39 =	vld [tilespmem:s18+$0x12580];
	v33 =	vadd.f32 v42, v56;
	v23 =	vbroadcast v61, $0xE;
	v21 =	vbroadcast v61, $0xF  }
0x1ba: {  	s12 =	simm.s32 $0x80;
	v34 =	vld [tilespmem:s18+$0x6480];
	s11 =	simm.s32 $0x10;
	v19 =	vadd.f32 v45, v43;
	v41 =	vmul.f32 v25, v18;
	v35 =	vmul.f32 v25, v20  }
.LBB2_7:
0x1bb: {  	s28 =	smov.u32 s12  }
0x1bc: {  	s0 =	sand.u32 $0x70, s11;
	s26 =	sand.u32 $0x7FFFFC00, s12;
	v42 =	vmul.f32 v25, v16;
	v38 =	vadd.f32 v40, v38;
	v40 =	vld [tilespmem:s18+$0x7D80];
	v43 =	vmul.f32 v25, v23;
	s28 =	sadd.s32 $0x80, s12  }
0x1bd: {  	p0 =	sne.s32 s12, $0x1780;
	v44 =	vmul.f32 v25, v17;
	v46 =	vmul.f32 v25, v8;
	s2 =	sshrl.u32 s26, $0x2;
	s29 =	sor.u32 s0, s26;
	v41 =	vadd.f32 v41, v6;
	v45 =	vld [tilespmem:s18+$0x13D80]  }
0x1be: {  	v48 =	vmul.f32 v25, v21;
	v36 =	vadd.f32 v14, v36;
	s26 =	sor.u32 s0, s2;
	v43 =	vadd.f32 v43, v6;
	v47 =	vld [tilespmem:s29+$0x12680]  }
0x1bf: {  	s12 =	sadd.s32 $0x18400, s26;
	v37 =	vadd.f32 v39, v37;
	v31 =	vadd.f32 v31, v41;
	v41 =	vmul.f32 v25, v13;
	v39 =	vld [tilespmem:s18+$0x6700]  }
0x1c0: {  	v49 =	vmul.f32 v25, v12;
	v42 =	vadd.f32 v42, v6;
	v30 =	vadd.f32 v30, v43;
	v14 =	vld [tilespmem:s29+$0x13E00]  }
0x1c1: {  	v35 =	vadd.f32 v35, v6;
	v34 =	vadd.f32 v10, v34;
	v43 =	vld [tilespmem:s29+$0x13F80];
	[tilespmem:s18+$0x6680] =	vst v31;
	v31 =	vmul.f32 v25, v15  }
0x1c2: {  	v51 =	vmul.f32 v25, v5;
	v44 =	vadd.f32 v44, v6;
	v50 =	vld [tilespmem:s29+$0x13F00];
	v40 =	vadd.f32 v45, v40  }
0x1c3: {  	v33 =	vadd.f32 v42, v33;
	v42 =	vmul.f32 v25, v3;
	v10 =	vld [tilespmem:s29+$0x12480];
	[tilespmem:s18+$0x7F00] =	vst v30;
	v30 =	vadd.f32 v48, v6  }
0x1c4: {  	v32 =	vadd.f32 v32, v35;
	v35 =	vmul.f32 v25, v9;
	v45 =	vld [tilespmem:s29+$0x12500];
	v24 =	vadd.f32 v24, v39  }
0x1c5: {  	v39 =	vld [tilespmem:s29+$0x6680];
	[tilespmem:s18+$0x6400] =	vst v33;
	v33 =	vadd.f32 v46, v6;
	v28 =	vadd.f32 v28, v30  }
0x1c6: {  	v48 =	vmul.f32 v25, v7;
	v31 =	vadd.f32 v31, v6;
	v30 =	vadd.f32 v49, v6;
	v46 =	vld [tilespmem:s29+$0x12780];
	[tilespmem:s18+$0x7D00] =	vst v32  }
0x1c7: {  	v29 =	vadd.f32 v29, v44;
	v44 =	vmul.f32 v25, v11;
	v41 =	vadd.f32 v41, v6;
	v32 =	vld [tilespmem:s29+$0x13C00];
	[tilespmem:s18+$0x7F80] =	vst v28  }
0x1c8: {  	v27 =	vadd.f32 v27, v30;
	v28 =	vadd.f32 v48, v6;
	v49 =	vld [tilespmem:s29+$0x6400]  }
0x1c9: {  	v26 =	vadd.f32 v26, v31;
	v30 =	vld [tilespmem:s29+$0x7F00];
	[tilespmem:s18+$0x7C80] =	vst v29;
	v29 =	vadd.f32 v44, v6  }
0x1ca: {  	v25 =	vmul.f32 v25, v4;
	v31 =	vadd.f32 v51, v6;
	v44 =	vld [tilespmem:s29+$0x7C80];
	[tilespmem:s18+$0x6500] =	vst v27;
	v27 =	vadd.f32 v37, v28  }
0x1cb: {  	v22 =	vadd.f32 v22, v41;
	v37 =	vld [tilespmem:s29+$0x7D00];
	[tilespmem:s18+$0x6780] =	vst v26;
	v26 =	vadd.f32 v40, v29  }
0x1cc: {  	v25 =	vadd.f32 v25, v6;
	v29 =	vadd.f32 v34, v31;
	v28 =	vld [tilespmem:s29+$0x7F80];
	[tilespmem:s18+$0x6580] =	vst v27  }
0x1cd: {  	v27 =	vadd.f32 v35, v6;
	v34 =	vld [tilespmem:s29+$0x13C80];
	[tilespmem:s18+$0x7C00] =	vst v22;
	v22 =	vadd.f32 v36, v33  }
0x1ce: {  	v24 =	vadd.f32 v24, v25;
	v33 =	vld [tilespmem:s29+$0x7C00];
	v30 =	vadd.f32 v50, v30;
	[tilespmem:s18+$0x6480] =	vst v29  }
0x1cf: {  	v6 =	vadd.f32 v42, v6;
	v19 =	vadd.f32 v19, v27;
	v25 =	vld [tilespmem:s29+$0x6500];
	[tilespmem:s18+$0x7D80] =	vst v26  }
0x1d0: {  	v31 =	vadd.f32 v47, v39;
	v26 =	vld [tilespmem:s29+$0x6780];
	[tilespmem:s18+$0x6700] =	vst v24  }
0x1d1: {  	v6 =	vadd.f32 v38, v6;
	v24 =	vld [tilespmem:s29+$0x12700];
	v28 =	vadd.f32 v43, v28;
	[tilespmem:s18+$0x7E00] =	vst v22  }
0x1d2: {  	v35 =	vld [tilespmem:s29+$0x13D00];
	[tilespmem:s18+$0x7E80] =	vst v19  }
0x1d3: {  	v19 =	vld [tilespmem:s29+$0x12400];
	[tilespmem:s18+$0x6600] =	vst v6;
	s18 =	smov.u32 s29  }
0x1d4: {  	v27 =	vadd.f32 v45, v25;
	v41 =	vld [tilespmem:s18+$0x7E80]  }
0x1d5: {  	v6 =	vld [tilespmem:s26+$0x18400];
	v26 =	vadd.f32 v46, v26  }
0x1d6: {  	v22 =	vadd.f32 v32, v33;
	v25 =	vld [tilespmem:s12+$0x80]  }
0x1d7: {  	v42 =	vld [tilespmem:s18+$0x13E80]  }
0x1d8: {  	v29 =	vadd.f32 v34, v44;
	v38 =	vld [tilespmem:s18+$0x6600]  }
.Ltmp2:
0x1d9: {  	v40 =	vld [tilespmem:s18+$0x12600];
	(pc) =	sbr.rel @p0 .LBB2_7-.Ltmp2, $4  }
0x1da: {  	v32 =	vadd.f32 v35, v37;
	v36 =	vld [tilespmem:s18+$0x7E00]  }
0x1db: {  	v33 =	vadd.f32 v19, v49;
	v25 =	vsub.f32 v25, v6;
	v37 =	vld [tilespmem:s18+$0x6580]  }
0x1dc: {  	v39 =	vld [tilespmem:s18+$0x12580];
	v19 =	vadd.f32 v42, v41  }
0x1dd: {  	s11 =	sadd.s32 $0x10, s11;
	s12 =	smov.u32 s28;
	v34 =	vld [tilespmem:s18+$0x6480];
	v41 =	vmul.f32 v25, v18;
	v35 =	vmul.f32 v25, v20  }
0x1de: {  	v20 =	vmul.f32 v25, v23  }
0x1df: {  	v23 =	vadd.f32 v40, v38;
	v16 =	vmul.f32 v25, v16;
	v17 =	vmul.f32 v25, v17  }
0x1e0: {  	v21 =	vmul.f32 v25, v21;
	v12 =	vmul.f32 v25, v12;
	v52 =	vadd.f32 v41, v6  }
0x1e1: {  	v15 =	vmul.f32 v25, v15;
	v20 =	vadd.f32 v20, v6;
	v16 =	vadd.f32 v16, v6  }
0x1e2: {  	v7 =	vmul.f32 v25, v7;
	v17 =	vadd.f32 v17, v6;
	v21 =	vadd.f32 v21, v6  }
0x1e3: {  	v13 =	vmul.f32 v25, v13;
	v12 =	vadd.f32 v12, v6;
	v15 =	vadd.f32 v15, v6  }
0x1e4: {  	v5 =	vmul.f32 v25, v5;
	v7 =	vadd.f32 v7, v6;
	v31 =	vadd.f32 v31, v52  }
0x1e5: {  	v11 =	vmul.f32 v25, v11;
	v13 =	vadd.f32 v13, v6;
	v20 =	vadd.f32 v30, v20  }
0x1e6: {  	v3 =	vmul.f32 v25, v3;
	v5 =	vadd.f32 v5, v6;
	v16 =	vadd.f32 v16, v33;
	[tilespmem:s18+$0x6680] =	vst v31  }
0x1e7: {  	v55 =	vld [tilespmem:s18+$0x6700];
	v11 =	vadd.f32 v11, v6;
	v17 =	vadd.f32 v29, v17;
	[tilespmem:s18+$0x7F00] =	vst v20  }
0x1e8: {  	v18 =	vld [tilespmem:s18+$0x7D80];
	v3 =	vadd.f32 v3, v6;
	v12 =	vadd.f32 v27, v12;
	[tilespmem:s18+$0x6400] =	vst v16  }
0x1e9: {  	v53 =	vld [tilespmem:s18+$0x13D80];
	v4 =	vmul.f32 v25, v4;
	v54 =	vadd.f32 v39, v37;
	v15 =	vadd.f32 v26, v15;
	[tilespmem:s18+$0x7C80] =	vst v17  }
0x1ea: {  	v30 =	vadd.f32 v35, v6;
	v3 =	vadd.f32 v23, v3;
	[tilespmem:s18+$0x6500] =	vst v12  }
0x1eb: {  	v4 =	vadd.f32 v4, v6;
	v7 =	vadd.f32 v54, v7;
	[tilespmem:s18+$0x6780] =	vst v15  }
0x1ec: {  	v20 =	vadd.f32 v24, v55;
	v24 =	vadd.f32 v32, v30;
	[tilespmem:s18+$0x6600] =	vst v3  }
0x1ed: {  	v9 =	vmul.f32 v25, v9;
	v10 =	vadd.f32 v10, v34;
	v16 =	vadd.f32 v28, v21;
	[tilespmem:s18+$0x6580] =	vst v7  }
0x1ee: {  	v8 =	vmul.f32 v25, v8;
	v18 =	vadd.f32 v53, v18;
	v12 =	vadd.f32 v22, v13;
	[tilespmem:s18+$0x7D00] =	vst v24  }
0x1ef: {  	v9 =	vadd.f32 v9, v6;
	v5 =	vadd.f32 v10, v5;
	[tilespmem:s18+$0x7F80] =	vst v16  }
0x1f0: {  	v7 =	vadd.f32 v8, v6;
	v8 =	vadd.f32 v18, v11;
	[tilespmem:s18+$0x7C00] =	vst v12  }
0x1f1: {  	v14 =	vadd.f32 v14, v36;
	v6 =	vadd.f32 v19, v9;
	[tilespmem:s18+$0x6480] =	vst v5  }
0x1f2: {  	v4 =	vadd.f32 v20, v4;
	[tilespmem:s18+$0x7D80] =	vst v8  }
0x1f3: {  	v5 =	vadd.f32 v14, v7;
	[tilespmem:s18+$0x7E80] =	vst v6  }
0x1f4: {  	s0 =	simm.s32 $0x0;
	[tilespmem:s18+$0x6700] =	vst v4  }
0x1f5: {  	s2 =	sand.u32 $0x70, s0;
	s0 =	sand.u32 $0x7FFFFC00, s0;
	[tilespmem:s18+$0x7E00] =	vst v5  }
0x1f6: {  	v3 =	vld [tilespmem:s14+$0x230];
	s14 =	sor.u32 s2, s0  }
0x1f7: {  	v8 =	vld [tilespmem:s14+$0x15680]  }
0x1f8: {  	v14 =	vld [tilespmem:s14+$0x16E00]  }
0x1f9: {  	v9 =	vld [tilespmem:s14+$0x16F80]  }
0x1fa: {  	v19 =	vld [tilespmem:s14+$0x16F00]  }
0x1fb: {  	v10 =	vld [tilespmem:s14+$0x15480]  }
0x1fc: {  	v21 =	vld [tilespmem:s14+$0x15500]  }
0x1fd: {  	v22 =	vld [tilespmem:s14+$0x9680]  }
0x1fe: {  	v23 =	vld [tilespmem:s14+$0x15780]  }
0x1ff: {  	v25 =	vld [tilespmem:s14+$0x16C00]  }
0x200: {  	v56 =	vld [tilespmem:s14+$0x9400]  }
0x201: {  	v26 =	vld [tilespmem:s14+$0xAF00]  }
0x202: {  	v29 =	vld [tilespmem:s14+$0xAC80]  }
0x203: {  	v57 =	vld [tilespmem:s14+$0xAD00]  }
0x204: {  	v27 =	vld [tilespmem:s14+$0xAF80]  }
0x205: {  	v58 =	vld [tilespmem:s14+$0x16C80]  }
0x206: {  	v59 =	vld [tilespmem:s14+$0xAC00]  }
0x207: {  	v60 =	vld [tilespmem:s14+$0x9500]  }
0x208: {  	v62 =	vld [tilespmem:s14+$0x9780]  }
0x209: {  	v24 =	vld [tilespmem:s14+$0x15700]  }
0x20a: {  	v63 =	vld [tilespmem:s14+$0x16D00]  }
0x20b: {  	s0 =	sshrl.u32 s0, $0x2;
	v42 =	vld [tilespmem:s14+$0x15400];
	v61 =	vcvt.s32.f32 v3  }
0x20c: {  	s0 =	sor.u32 s2, s0;
	v43 =	vld [tilespmem:s14+$0xAE80];
	v30 =	vadd.f32 v19, v26;
	v31 =	vadd.f32 v8, v22  }
0x20d: {  	s2 =	sadd.s32 $0x18400, s0;
	v6 =	vld [tilespmem:s0+$0x18400];
	v28 =	vadd.f32 v9, v27;
	v16 =	vbroadcast v61, $0x0;
	v5 =	vbroadcast v61, $0x1  }
0x20e: {  	v44 =	vld [tilespmem:s2+$0x80];
	v27 =	vadd.f32 v21, v60;
	v12 =	vbroadcast v61, $0x2;
	v7 =	vbroadcast v61, $0x3  }
0x20f: {  	v45 =	vld [tilespmem:s14+$0x16E80];
	v26 =	vadd.f32 v23, v62;
	v3 =	vbroadcast v61, $0x4;
	v18 =	vbroadcast v61, $0x5  }
0x210: {  	v38 =	vld [tilespmem:s14+$0x9600];
	v22 =	vadd.f32 v25, v59;
	v4 =	vbroadcast v61, $0x6;
	v15 =	vbroadcast v61, $0x7  }
0x211: {  	v40 =	vld [tilespmem:s14+$0x15600];
	v29 =	vadd.f32 v58, v29;
	v13 =	vbroadcast v61, $0x8;
	v17 =	vbroadcast v61, $0x9  }
0x212: {  	v36 =	vld [tilespmem:s14+$0xAE00];
	v32 =	vadd.f32 v63, v57;
	v20 =	vbroadcast v61, $0xA;
	v11 =	vbroadcast v61, $0xB  }
0x213: {  	v37 =	vld [tilespmem:s14+$0x9580];
	v8 =	vbroadcast v61, $0xC;
	v9 =	vbroadcast v61, $0xD;
	v25 =	vsub.f32 v44, v6  }
0x214: {  	v39 =	vld [tilespmem:s14+$0x15580];
	v33 =	vadd.f32 v42, v56;
	v23 =	vbroadcast v61, $0xE;
	v21 =	vbroadcast v61, $0xF  }
0x215: {  	s12 =	simm.s32 $0x80;
	s11 =	simm.s32 $0x10;
	v34 =	vld [tilespmem:s14+$0x9480];
	v19 =	vadd.f32 v45, v43;
	v41 =	vmul.f32 v25, v18;
	v35 =	vmul.f32 v25, v20  }
.LBB2_9:
0x216: {  	s18 =	smov.u32 s12  }
0x217: {  	s0 =	sand.u32 $0x70, s11;
	s2 =	sand.u32 $0x7FFFFC00, s12;
	v42 =	vmul.f32 v25, v16;
	v38 =	vadd.f32 v40, v38;
	v40 =	vld [tilespmem:s14+$0xAD80];
	v43 =	vmul.f32 v25, v23;
	s18 =	sadd.s32 $0x80, s12  }
0x218: {  	p0 =	sne.s32 s12, $0x1780;
	v44 =	vmul.f32 v25, v17;
	v46 =	vmul.f32 v25, v8;
	s26 =	sshrl.u32 s2, $0x2;
	s28 =	sor.u32 s0, s2;
	v41 =	vadd.f32 v41, v6;
	v45 =	vld [tilespmem:s14+$0x16D80]  }
0x219: {  	v48 =	vmul.f32 v25, v21;
	v36 =	vadd.f32 v14, v36;
	s26 =	sor.u32 s0, s26;
	v43 =	vadd.f32 v43, v6;
	v47 =	vld [tilespmem:s28+$0x15680]  }
0x21a: {  	s12 =	sadd.s32 $0x18400, s26;
	v37 =	vadd.f32 v39, v37;
	v31 =	vadd.f32 v31, v41;
	v41 =	vmul.f32 v25, v13;
	v39 =	vld [tilespmem:s14+$0x9700]  }
0x21b: {  	v49 =	vmul.f32 v25, v12;
	v42 =	vadd.f32 v42, v6;
	v30 =	vadd.f32 v30, v43;
	v14 =	vld [tilespmem:s28+$0x16E00]  }
0x21c: {  	v35 =	vadd.f32 v35, v6;
	v34 =	vadd.f32 v10, v34;
	v43 =	vld [tilespmem:s28+$0x16F80];
	[tilespmem:s14+$0x9680] =	vst v31;
	v31 =	vmul.f32 v25, v15  }
0x21d: {  	v51 =	vmul.f32 v25, v5;
	v44 =	vadd.f32 v44, v6;
	v50 =	vld [tilespmem:s28+$0x16F00];
	v40 =	vadd.f32 v45, v40  }
0x21e: {  	v33 =	vadd.f32 v42, v33;
	v42 =	vmul.f32 v25, v3;
	v10 =	vld [tilespmem:s28+$0x15480];
	[tilespmem:s14+$0xAF00] =	vst v30;
	v30 =	vadd.f32 v48, v6  }
0x21f: {  	v32 =	vadd.f32 v32, v35;
	v35 =	vmul.f32 v25, v9;
	v45 =	vld [tilespmem:s28+$0x15500];
	v24 =	vadd.f32 v24, v39  }
0x220: {  	v39 =	vld [tilespmem:s28+$0x9680];
	[tilespmem:s14+$0x9400] =	vst v33;
	v33 =	vadd.f32 v46, v6;
	v28 =	vadd.f32 v28, v30  }
0x221: {  	v48 =	vmul.f32 v25, v7;
	v31 =	vadd.f32 v31, v6;
	v30 =	vadd.f32 v49, v6;
	v46 =	vld [tilespmem:s28+$0x15780];
	[tilespmem:s14+$0xAD00] =	vst v32  }
0x222: {  	v29 =	vadd.f32 v29, v44;
	v44 =	vmul.f32 v25, v11;
	v41 =	vadd.f32 v41, v6;
	v32 =	vld [tilespmem:s28+$0x16C00];
	[tilespmem:s14+$0xAF80] =	vst v28  }
0x223: {  	v27 =	vadd.f32 v27, v30;
	v28 =	vadd.f32 v48, v6;
	v49 =	vld [tilespmem:s28+$0x9400]  }
0x224: {  	v26 =	vadd.f32 v26, v31;
	v30 =	vld [tilespmem:s28+$0xAF00];
	[tilespmem:s14+$0xAC80] =	vst v29;
	v29 =	vadd.f32 v44, v6  }
0x225: {  	v25 =	vmul.f32 v25, v4;
	v31 =	vadd.f32 v51, v6;
	v44 =	vld [tilespmem:s28+$0xAC80];
	[tilespmem:s14+$0x9500] =	vst v27;
	v27 =	vadd.f32 v37, v28  }
0x226: {  	v22 =	vadd.f32 v22, v41;
	v37 =	vld [tilespmem:s28+$0xAD00];
	[tilespmem:s14+$0x9780] =	vst v26;
	v26 =	vadd.f32 v40, v29  }
0x227: {  	v25 =	vadd.f32 v25, v6;
	v29 =	vadd.f32 v34, v31;
	v28 =	vld [tilespmem:s28+$0xAF80];
	[tilespmem:s14+$0x9580] =	vst v27  }
0x228: {  	v27 =	vadd.f32 v35, v6;
	v34 =	vld [tilespmem:s28+$0x16C80];
	[tilespmem:s14+$0xAC00] =	vst v22;
	v22 =	vadd.f32 v36, v33  }
0x229: {  	v24 =	vadd.f32 v24, v25;
	v33 =	vld [tilespmem:s28+$0xAC00];
	v30 =	vadd.f32 v50, v30;
	[tilespmem:s14+$0x9480] =	vst v29  }
0x22a: {  	v6 =	vadd.f32 v42, v6;
	v19 =	vadd.f32 v19, v27;
	v25 =	vld [tilespmem:s28+$0x9500];
	[tilespmem:s14+$0xAD80] =	vst v26  }
0x22b: {  	v31 =	vadd.f32 v47, v39;
	v26 =	vld [tilespmem:s28+$0x9780];
	[tilespmem:s14+$0x9700] =	vst v24  }
0x22c: {  	v6 =	vadd.f32 v38, v6;
	v24 =	vld [tilespmem:s28+$0x15700];
	v28 =	vadd.f32 v43, v28;
	[tilespmem:s14+$0xAE00] =	vst v22  }
0x22d: {  	v35 =	vld [tilespmem:s28+$0x16D00];
	[tilespmem:s14+$0xAE80] =	vst v19  }
0x22e: {  	v19 =	vld [tilespmem:s28+$0x15400];
	[tilespmem:s14+$0x9600] =	vst v6;
	s14 =	smov.u32 s28  }
0x22f: {  	v27 =	vadd.f32 v45, v25;
	v41 =	vld [tilespmem:s14+$0xAE80]  }
0x230: {  	v6 =	vld [tilespmem:s26+$0x18400];
	v26 =	vadd.f32 v46, v26  }
0x231: {  	v22 =	vadd.f32 v32, v33;
	v25 =	vld [tilespmem:s12+$0x80]  }
0x232: {  	v42 =	vld [tilespmem:s14+$0x16E80]  }
0x233: {  	v29 =	vadd.f32 v34, v44;
	v38 =	vld [tilespmem:s14+$0x9600]  }
.Ltmp3:
0x234: {  	v40 =	vld [tilespmem:s14+$0x15600];
	(pc) =	sbr.rel @p0 .LBB2_9-.Ltmp3, $4  }
0x235: {  	v32 =	vadd.f32 v35, v37;
	v36 =	vld [tilespmem:s14+$0xAE00]  }
0x236: {  	v33 =	vadd.f32 v19, v49;
	v25 =	vsub.f32 v25, v6;
	v37 =	vld [tilespmem:s14+$0x9580]  }
0x237: {  	v39 =	vld [tilespmem:s14+$0x15580];
	v19 =	vadd.f32 v42, v41  }
0x238: {  	s11 =	sadd.s32 $0x10, s11;
	s12 =	smov.u32 s18;
	v34 =	vld [tilespmem:s14+$0x9480];
	v41 =	vmul.f32 v25, v18;
	v35 =	vmul.f32 v25, v20  }
0x239: {  	v20 =	vmul.f32 v25, v23;
	v50 =	vadd.f32 v40, v38  }
0x23a: {  	v16 =	vmul.f32 v25, v16;
	v17 =	vmul.f32 v25, v17;
	v51 =	vadd.f32 v41, v6  }
0x23b: {  	v21 =	vmul.f32 v25, v21;
	v14 =	vadd.f32 v14, v36;
	v55 =	vadd.f32 v35, v6  }
0x23c: {  	v12 =	vmul.f32 v25, v12;
	v20 =	vadd.f32 v20, v6;
	v16 =	vadd.f32 v16, v6  }
0x23d: {  	v15 =	vmul.f32 v25, v15;
	v17 =	vadd.f32 v17, v6;
	v21 =	vadd.f32 v21, v6  }
0x23e: {  	v7 =	vmul.f32 v25, v7;
	v12 =	vadd.f32 v12, v6;
	v31 =	vadd.f32 v31, v51  }
0x23f: {  	v13 =	vmul.f32 v25, v13;
	v15 =	vadd.f32 v15, v6;
	v57 =	vadd.f32 v32, v55  }
0x240: {  	v5 =	vmul.f32 v25, v5;
	v7 =	vadd.f32 v7, v6;
	v20 =	vadd.f32 v30, v20;
	[tilespmem:s14+$0x9680] =	vst v31  }
0x241: {  	v11 =	vmul.f32 v25, v11;
	v13 =	vadd.f32 v13, v6;
	v16 =	vadd.f32 v16, v33;
	[tilespmem:s14+$0xAD00] =	vst v57  }
0x242: {  	v4 =	vmul.f32 v25, v4;
	v5 =	vadd.f32 v5, v6;
	v58 =	vadd.f32 v28, v21;
	[tilespmem:s14+$0xAF00] =	vst v20  }
0x243: {  	v8 =	vmul.f32 v25, v8;
	v11 =	vadd.f32 v11, v6;
	v17 =	vadd.f32 v29, v17;
	[tilespmem:s14+$0x9400] =	vst v16  }
0x244: {  	v18 =	vld [tilespmem:s14+$0xAD80];
	v9 =	vmul.f32 v25, v9;
	v4 =	vadd.f32 v4, v6;
	v12 =	vadd.f32 v27, v12;
	[tilespmem:s14+$0xAF80] =	vst v58  }
0x245: {  	v52 =	vld [tilespmem:s14+$0x16D80];
	v3 =	vmul.f32 v25, v3;
	v60 =	vadd.f32 v8, v6;
	v15 =	vadd.f32 v26, v15;
	[tilespmem:s14+$0xAC80] =	vst v17  }
0x246: {  	v54 =	vld [tilespmem:s14+$0x9700];
	v9 =	vadd.f32 v9, v6;
	v59 =	vadd.f32 v22, v13;
	[tilespmem:s14+$0x9500] =	vst v12  }
0x247: {  	v3 =	vadd.f32 v3, v6;
	v62 =	vadd.f32 v14, v60;
	[tilespmem:s14+$0x9780] =	vst v15  }
0x248: {  	v53 =	vadd.f32 v39, v37;
	v63 =	vadd.f32 v19, v9;
	[tilespmem:s14+$0xAC00] =	vst v59  }
0x249: {  	v10 =	vadd.f32 v10, v34;
	v3 =	vadd.f32 v50, v3;
	[tilespmem:s14+$0xAE00] =	vst v62  }
0x24a: {  	s13 =	sadd.s32 $0x1, s13;
	v18 =	vadd.f32 v52, v18;
	v7 =	vadd.f32 v53, v7;
	[tilespmem:s14+$0xAE80] =	vst v63  }
0x24b: {  	s0 =	smul.u32 $0x1800, s15;
	p0 =	sne.s32 s13, $0x4;
	v56 =	vadd.f32 v24, v54;
	v5 =	vadd.f32 v10, v5;
	[tilespmem:s14+$0x9600] =	vst v3  }
.Ltmp4:
0x24c: {  	[tilespmem:s14+$0x9580] =	vst v7;
	v61 =	vadd.f32 v18, v11;
	(pc) =	sbr.rel @p0 .LBB2_2-.Ltmp4, $4  }
0x24d: {  	s0 =	sshrl.u32 s0, $0x3;
	v4 =	vadd.f32 v56, v4;
	[tilespmem:s14+$0x9480] =	vst v5  }
0x24e: {  	s0 =	sadd.s32 s4, s0;
	[tilespmem:s14+$0xAD80] =	vst v61  }
0x24f: {  	s0 =	sadd.s32 $0xC00, s0;
	[tilespmem:s14+$0x9700] =	vst v4  }
0x250: {  	[hbm4b:s0+s6] =	stream.linear.scatter [tilespmem:s3], [sflag:$0x7], $0x6000, $0x38;
	[tilespmem:$0x18A00] =	vst v63  }
0x251: {  	s2 =	simm.s32 $0x7  }
0x252: {  	_ =	swait.ge [sflag:s2], $0x6000  }
0x253: {  	s11 =	rddreg [dreg:$0x11]  }
0x254: {  	s0 =	rddreg [dreg:$0x10];
	s11 =	sadd.s32 $0x1, s11  }
0x255: {  	p0 =	sne.s32 s11, s0  }
.Ltmp5:
0x256: {  	_ = 	snop;
	(pc) =	sbr.rel @p0 .LBB2_1-.Ltmp5, $3  }
0x257: {  	_ =	sdelay $0x1  }
0x258: {  	[sflag:s2] =	ssyncset.done $0x0  }
0x259: {  	[sflag:s2] =	ssyncadd.s32 $0xFFFFA000  }
0x25a: {  	_ =	sfence.sel $0x180000  }
0x25b: {  	[bflag:$0x0] =	sbarrier.arrive $0xFFFF  }
0x25c: {  	_ =	strace $0x90000047  }
0x25d: {  	s0 =	stileid.u32;
	[bflag:$0x2] =	sbarrier.arrive $0xFFFF  }
0x25e: {  	p0 =	sne.s32 s0, $0x0;
	s0 =	rddreg [dreg:$0x6]  }
0x25f: {  	s0 =	sadd.s32 @!p0 $0x100000, s0  }
0x260: {  	[sflag:s0] =	ssyncadd.tile.s32 @!p0 $0x1;
	_ =	shalt  }
.Lfunc_end2:
_tile_overlayer_lowered:
.L_overlay_start_2:
0x261: {  	(tag) =	ssettag $0x2  }
0x262: {  	s0 =	rddreg [dreg:$0x0];
	s2 =	stileid.u32  }
0x263: {  	s1 =	rddreg [dreg:$0x1];
	p0 =	sne.s32 s2, $0x0  }
0x264: {  	s3 =	rddreg [dreg:$0x2];
	[bflag:$0x3] =	sbarrier.arrive $0xFFFF;
	s2 =	simm.s32 @!p0 $0x1C08  }
0x265: {  	[timem:s3], [sflag:s2] =	dma.local @!p0 [hbm:s0], s1  }
0x266: {  	s0 =	simm.s32 @!p0 $0x8  }
0x267: {  	_ =	swait.ge @!p0 [sflag:s0], s1  }
0x268: {  	s1 =	ssub.s32 @!p0 $0x0, s1;
	[sflag:s0] =	ssyncset.done @!p0 $0x0  }
0x269: {  	[sflag:s0] =	ssyncadd.s32 @!p0 s1  }
0x26a: {  	[bflag:$0x3] =	sbarrier.arrive $0xFFFF  }
0x26b: {  	_ =	shalt  }

</sc_bundles>
